<compile_context>
chip_gen: v7x
topology: tpu7x:2x2x1
jax: 0.10.2.dev20260603
libtpu: 0.0.44.dev20260713+nightly
codegen_flags: <defaults>
</compile_context>

<pallas_src>
import functools

import jax
import jax.numpy as jnp
import numpy as np
from jax import lax
from jax.experimental import pallas as pl
from jax.experimental.pallas import tpu as pltpu
from jax.experimental.pallas import tpu_sc as plsc

N = 10000
E = 320000
D = 128

NC = 2
NS = 16
NW = NC * NS

K = 128
CHUNKS = 80
EPT = CHUNKS * K
E_PAD = NW * EPT
N_PAD = 10240
RPT = N_PAD // NS
NBUF = 2
HALF = CHUNKS // 2

_mesh = plsc.VectorSubcoreMesh(core_axis_name="c", subcore_axis_name="s")

_PAD_IDX = np.broadcast_to(
    (np.arange(E_PAD - E, dtype=np.int32) % (N_PAD - N)) + N, (2, E_PAD - E))


@functools.partial(
    pl.kernel,
    out_type=jax.ShapeDtypeStruct((NW, 1, N_PAD), jnp.float32),
    mesh=_mesh,
    compiler_params=pltpu.CompilerParams(needs_layout_passes=False),
    scratch_types=[
        pltpu.VMEM((N_PAD,), jnp.float32),
        pltpu.VMEM((2, EPT), jnp.int32),
    ],
)
def _deg_kernel(edge_hbm, out_hbm, deg_v, idx_v):
    c = lax.axis_index("c")
    s = lax.axis_index("s")
    wid = c * NS + s

    def zero(i, carry):
        deg_v[pl.ds(i * 16, 16)] = jnp.zeros((16,), jnp.float32)
        return carry

    lax.fori_loop(0, N_PAD // 16, zero, 0)

    pltpu.sync_copy(edge_hbm.at[:, pl.ds(wid * EPT, EPT)], idx_v)

    ones = jnp.full((16,), 1.0, jnp.float32)

    def body(i, carry):
        idx = idx_v[1, pl.ds(i * 16, 16)]
        plsc.addupdate_scatter(deg_v, [idx], ones)
        return carry

    lax.fori_loop(0, EPT // 16, body, 0)

    pltpu.sync_copy(deg_v, out_hbm.at[wid, 0])


@functools.partial(
    pl.kernel,
    out_type=jax.ShapeDtypeStruct((NC, N_PAD, D), jnp.float32),
    mesh=_mesh,
    compiler_params=pltpu.CompilerParams(needs_layout_passes=False),
    scratch_types=[
        pltpu.VMEM((2, HALF * K), jnp.int32),
        [pltpu.VMEM((K, D), jnp.float32) for _ in range(NBUF)],
        pltpu.VMEM_SHARED((N_PAD, D), jnp.float32),
        [pltpu.SemaphoreType.DMA for _ in range(NBUF)],
    ],
)
def _seg_kernel(edge_hbm, g_hbm, out_hbm, idx_v, rows_v, acc_sh, gsem):
    c = lax.axis_index("c")
    s = lax.axis_index("s")
    wid = c * NS + s

    def zero(i, carry):
        rows_v[1][i // 8, pl.ds((i % 8) * 16, 16)] = jnp.zeros((16,), jnp.float32)
        return carry

    lax.fori_loop(0, K * 8, zero, 0)
    zds = [pltpu.async_copy(rows_v[1], acc_sh.at[pl.ds(s * RPT + j * K, K)],
                            gsem[1])
           for j in range(RPT // K)]
    pltpu.sync_copy(edge_hbm.at[:, pl.ds(wid * CHUNKS * K, HALF * K)], idx_v)
    pltpu.async_copy(g_hbm.at[idx_v.at[0, pl.ds(0, K)]], rows_v[0], gsem[0])
    for d in zds:
        d.wait()

    plsc.subcore_barrier()

    T = HALF // 2
    for h in range(2):
        if h == 1:
            base_e = (wid * CHUNKS + h * HALF) * K
            pltpu.sync_copy(edge_hbm.at[:, pl.ds(base_e, HALF * K)], idx_v)
            pltpu.async_copy(g_hbm.at[idx_v.at[0, pl.ds(0, K)]], rows_v[0],
                             gsem[0])

        def body(t, carry):
            c0 = 2 * t
            pltpu.async_copy(g_hbm.at[idx_v.at[0, pl.ds((c0 + 1) * K, K)]],
                             rows_v[1], gsem[1])
            pltpu.make_async_copy(g_hbm.at[idx_v.at[0, pl.ds(c0 * K, K)]],
                                  rows_v[0], gsem[0]).wait()
            pltpu.sync_copy(rows_v[0], acc_sh.at[idx_v.at[1, pl.ds(c0 * K, K)]], add=True)

            @pl.when(t < T - 1)
            def _():
                pltpu.async_copy(g_hbm.at[idx_v.at[0, pl.ds((c0 + 2) * K, K)]],
                                 rows_v[0], gsem[0])

            pltpu.make_async_copy(g_hbm.at[idx_v.at[0, pl.ds((c0 + 1) * K, K)]],
                                  rows_v[1], gsem[1]).wait()
            pltpu.sync_copy(rows_v[1], acc_sh.at[idx_v.at[1, pl.ds((c0 + 1) * K, K)]], add=True)
            return carry

        lax.fori_loop(0, T, body, 0)

    plsc.subcore_barrier()

    pltpu.sync_copy(acc_sh.at[pl.ds(s * RPT, RPT)],
                    out_hbm.at[c, pl.ds(s * RPT, RPT)])


BLK = 2560
GRID = N_PAD // BLK
NBLK = 2000


def _k1_body(degT_ref, x_ref, w_ref, dinv_ref, g_ref):
    deg = jnp.sum(degT_ref[...], axis=1, keepdims=True) + 1.0
    dinv = lax.rsqrt(deg)
    dinv_ref[...] = dinv
    g_ref[...] = dinv * jnp.dot(x_ref[...], w_ref[...],
                                preferred_element_type=jnp.float32)


_k1 = pl.pallas_call(
    _k1_body,
    grid=(N // NBLK,),
    in_specs=[
        pl.BlockSpec((NBLK, NW), lambda i: (i, 0)),
        pl.BlockSpec((NBLK, D), lambda i: (i, 0)),
        pl.BlockSpec((D, D), lambda i: (0, 0)),
    ],
    out_specs=[
        pl.BlockSpec((NBLK, 1), lambda i: (i, 0)),
        pl.BlockSpec((NBLK, D), lambda i: (i, 0)),
    ],
    out_shape=[
        jax.ShapeDtypeStruct((N_PAD, 1), jnp.float32),
        jax.ShapeDtypeStruct((N_PAD, D), jnp.float32),
    ],
)


def _k2_body(ss_ref, g_ref, dinv_ref, b_ref, w_ref, h_ref, gn_ref):
    dinv = dinv_ref[...]
    h = dinv * (ss_ref[0] + ss_ref[1] + g_ref[...]) + b_ref[...]
    h_ref[...] = h
    gn_ref[...] = dinv * jnp.dot(h, w_ref[...],
                                 preferred_element_type=jnp.float32)


_k2 = pl.pallas_call(
    _k2_body,
    grid=(GRID,),
    in_specs=[
        pl.BlockSpec((NC, BLK, D), lambda i: (0, i, 0)),
        pl.BlockSpec((BLK, D), lambda i: (i, 0)),
        pl.BlockSpec((BLK, 1), lambda i: (i, 0)),
        pl.BlockSpec((1, D), lambda i: (0, 0)),
        pl.BlockSpec((D, D), lambda i: (0, 0)),
    ],
    out_specs=[
        pl.BlockSpec((BLK, D), lambda i: (i, 0)),
        pl.BlockSpec((BLK, D), lambda i: (i, 0)),
    ],
    out_shape=[
        jax.ShapeDtypeStruct((N_PAD, D), jnp.float32),
        jax.ShapeDtypeStruct((N_PAD, D), jnp.float32),
    ],
)


def _k3_body(ss_ref, g_ref, dinv_ref, b_ref, x_ref, h1_ref, h2_ref,
             wx_ref, w1_ref, w2_ref, w3_ref, bp_ref, out_ref):
    dinv = dinv_ref[...]
    h3 = dinv * (ss_ref[0] + ss_ref[1] + g_ref[...]) + b_ref[...]
    acc = jnp.dot(x_ref[...], wx_ref[...], preferred_element_type=jnp.float32)
    acc += jnp.dot(h1_ref[...], w1_ref[...], preferred_element_type=jnp.float32)
    acc += jnp.dot(h2_ref[...], w2_ref[...], preferred_element_type=jnp.float32)
    acc += jnp.dot(h3, w3_ref[...], preferred_element_type=jnp.float32)
    out_ref[...] = acc + bp_ref[...]


_k3 = pl.pallas_call(
    _k3_body,
    grid=(N // NBLK,),
    in_specs=[
        pl.BlockSpec((NC, NBLK, D), lambda i: (0, i, 0)),
        pl.BlockSpec((NBLK, D), lambda i: (i, 0)),
        pl.BlockSpec((NBLK, 1), lambda i: (i, 0)),
        pl.BlockSpec((1, D), lambda i: (0, 0)),
        pl.BlockSpec((NBLK, D), lambda i: (i, 0)),
        pl.BlockSpec((NBLK, D), lambda i: (i, 0)),
        pl.BlockSpec((NBLK, D), lambda i: (i, 0)),
        pl.BlockSpec((D, D), lambda i: (0, 0)),
        pl.BlockSpec((D, D), lambda i: (0, 0)),
        pl.BlockSpec((D, D), lambda i: (0, 0)),
        pl.BlockSpec((D, D), lambda i: (0, 0)),
        pl.BlockSpec((1, D), lambda i: (0, 0)),
    ],
    out_specs=pl.BlockSpec((NBLK, D), lambda i: (i, 0)),
    out_shape=jax.ShapeDtypeStruct((N, D), jnp.float32),
)


def kernel(x, edge_index, W1, b1, W2, b2, W3, b3, Wp, bp):
    edge_p = jnp.concatenate([edge_index, jnp.asarray(_PAD_IDX)], axis=1)
    deg_parts = _deg_kernel(edge_p)
    degT = deg_parts.reshape(NW, N_PAD).T

    dinv, g1 = _k1(degT, x, W1)
    ss1 = _seg_kernel(edge_p, g1)
    h1, g2 = _k2(ss1, g1, dinv, b1.reshape(1, D), W2)
    ss2 = _seg_kernel(edge_p, g2)
    h2, g3 = _k2(ss2, g2, dinv, b2.reshape(1, D), W3)
    ss3 = _seg_kernel(edge_p, g3)
    out = _k3(ss3, g3, dinv, b3.reshape(1, D), x, h1, h2,
              Wp[0:D], Wp[D:2 * D], Wp[2 * D:3 * D], Wp[3 * D:4 * D],
              bp.reshape(1, D))
    return out

# --- scband reference (transcript-rebuilt; emitter-appended) ---
"""Pipeline reference for scband-node-embedder-16192026706029 (READ-ONLY COPY).

The authoritative reference and input builder live on the scoring server;
editing this copy changes nothing except your own understanding.
"""

import jax, jax.numpy as jnp
import numpy as np

N = 10000
E = 320000
D_FEAT = 128
HIDDEN = 128
EMB = 128
NUM_CONVS = 3
CAT_DIM = D_FEAT + NUM_CONVS * HIDDEN  # jump_mode='cat', no preprocess


def _glorot(key, fan_in, fan_out):
    lim = float(np.sqrt(6.0 / (fan_in + fan_out)))
    return jax.random.uniform(key, (fan_in, fan_out), jnp.float32, -lim, lim)


def setup_inputs(seed: int = 0) -> dict:
    key = jax.random.key(seed)
    ks = jax.random.split(key, 10)
    x = jax.random.normal(ks[0], (N, D_FEAT), dtype=jnp.float32)
    edge_index = jax.random.randint(ks[1], (2, E), 0, N).astype(jnp.int32)
    W1 = _glorot(ks[2], D_FEAT, HIDDEN)
    b1 = jnp.zeros((HIDDEN,), jnp.float32)
    W2 = _glorot(ks[3], HIDDEN, HIDDEN)
    b2 = jnp.zeros((HIDDEN,), jnp.float32)
    W3 = _glorot(ks[4], HIDDEN, HIDDEN)
    b3 = jnp.zeros((HIDDEN,), jnp.float32)
    Wp = _glorot(ks[5], CAT_DIM, EMB)
    bp = jnp.zeros((EMB,), jnp.float32)
    return {"x": x, "edge_index": edge_index, "W1": W1, "b1": b1, "W2": W2, "b2": b2, "W3": W3, "b3": b3, "Wp": Wp, "bp": bp}


def reference(x, edge_index, W1, b1, W2, b2, W3, b3, Wp, bp):
    # GCNConv semantics: add self-loops, symmetric deg^-1/2 normalization,
    # linear transform, scatter-add aggregation, bias. No nonlinearity
    # between convs (NodeEmbedder.forward applies none). Dropout p=0.0 is identity.
    src = edge_index[0]
    dst = edge_index[1]
    loop = jnp.arange(N, dtype=src.dtype)
    src_f = jnp.concatenate([src, loop])
    dst_f = jnp.concatenate([dst, loop])
    deg = jnp.zeros((N,), jnp.float32).at[dst_f].add(1.0)
    dinv = jnp.where(deg > 0, jax.lax.rsqrt(deg), 0.0)
    norm = dinv[src_f] * dinv[dst_f]

    def conv(h, W, b):
        hw = h @ W
        msg = jnp.take(hw, src_f, axis=0) * norm[:, None]
        agg = jax.ops.segment_sum(msg, dst_f, num_segments=N)
        return agg + b

    h1 = conv(x, W1, b1)
    h2 = conv(h1, W2, b2)
    h3 = conv(h2, W3, b3)
    # JumpingKnowledge(mode='cat'): concat [X, h1, h2, h3]
    cat = jnp.concatenate([x, h1, h2, h3], axis=1)
    # postprocess MLP (num_layers=1 -> single linear CAT_DIM -> EMB)
    out = cat @ Wp + bp
    return out

if __name__ == "__main__":
    import jax
    _d = setup_inputs()
    print(jax.jit(kernel)(*tuple(_d.values())))

</pallas_src>

<mosaic_0001>
#map = affine_map<(d0, d1) -> (0, 0)>
#map1 = affine_map<(d0, d1) -> (0, 0, 0)>
module attributes {stable_mosaic.version = 14 : i64} {
  func.func @_seg_kernel(%arg0: i32, %arg1: i32, %arg2: memref<2x327680xi32, #tpu.memory_space<hbm>>, %arg3: memref<10240x128xf32, #tpu.memory_space<hbm>>, %arg4: memref<2x10240x128xf32, #tpu.memory_space<hbm>>, %arg5: memref<2x5120xi32, #tpu.memory_space<vmem>>, %arg6: memref<128x128xf32, #tpu.memory_space<vmem>>, %arg7: memref<128x128xf32, #tpu.memory_space<vmem>>, %arg8: memref<10240x128xf32, #tpu.memory_space<vmem_shared>>, %arg9: memref<!tpu.dma_semaphore, #tpu.memory_space<semaphore_mem>>, %arg10: memref<!tpu.dma_semaphore, #tpu.memory_space<semaphore_mem>>) attributes {dimension_semantics = [#tpu.dimension_semantics<core_parallel>, #tpu.dimension_semantics<subcore_parallel>], iteration_bounds = array<i64: 2, 16>, scalar_prefetch = 0 : i64, scratch_operands = 6 : i64, tpu.core_type = #tpu.core_type<sc_vector_subcore>, window_params = [{transform_indices = #map}, {transform_indices = #map}, {transform_indices = #map1}]} {
    %mul3A = arith.constant 16 : i32
    %mul3A_0 = arith.muli %arg0, %mul3A : i32
    %add3A = arith.addi %mul3A_0, %arg1 : i32
    %scan3A = arith.constant 0 : i32
    %scan3A_1 = arith.constant 0 : i32
    %scan3A_2 = arith.constant 1024 : i32
    %scan3A_3 = arith.addi %scan3A_1, %scan3A_2 : i32
    %scan3A_4 = arith.constant 1 : i32
    scf.for %scan3A_105 = %scan3A_1 to %scan3A_3 step %scan3A_4  : i32 {
      %broadcast_in_dim3A = arith.constant 0.000000e+00 : f32
      %broadcast_in_dim3A_106 = vector.broadcast %broadcast_in_dim3A : f32 to vector<16xf32>
      %jit3A = arith.constant 8 : i32
      %div3A = arith.divsi %scan3A_105, %jit3A : i32
      %sign3A = arith.constant 0 : i32
      %sign3A_107 = arith.cmpi sgt, %scan3A_105, %sign3A : i32
      %sign3A_108 = arith.extui %sign3A_107 : i1 to i32
      %sign3A_109 = arith.constant 0 : i32
      %sign3A_110 = arith.cmpi slt, %scan3A_105, %sign3A_109 : i32
      %sign3A_111 = arith.extui %sign3A_110 : i1 to i32
      %sign3A_112 = arith.subi %sign3A_108, %sign3A_111 : i32
      %sign3A_113 = arith.constant 0 : i32
      %sign3A_114 = arith.cmpi sgt, %jit3A, %sign3A_113 : i32
      %sign3A_115 = arith.extui %sign3A_114 : i1 to i32
      %sign3A_116 = arith.constant 0 : i32
      %sign3A_117 = arith.cmpi slt, %jit3A, %sign3A_116 : i32
      %sign3A_118 = arith.extui %sign3A_117 : i1 to i32
      %sign3A_119 = arith.subi %sign3A_115, %sign3A_118 : i32
      %ne3A = arith.cmpi ne, %sign3A_112, %sign3A_119 : i32
      %rem3A = arith.remsi %scan3A_105, %jit3A : i32
      %ne3A_120 = arith.constant 0 : i32
      %ne3A_121 = arith.cmpi ne, %rem3A, %ne3A_120 : i32
      %and3A = arith.andi %ne3A, %ne3A_121 : i1
      %sub3A = arith.constant 1 : i32
      %sub3A_122 = arith.subi %div3A, %sub3A : i32
      %select_n3A = arith.select %and3A, %sub3A_122, %div3A : i32
      %jit3A_123 = arith.constant 8 : i32
      %eq3A = arith.constant 0 : i32
      %eq3A_124 = arith.cmpi eq, %jit3A_123, %eq3A : i32
      %jit3A_125 = arith.constant 1 : i32
      %select_n3A_126 = arith.select %eq3A_124, %jit3A_125, %jit3A_123 : i32
      %rem3A_127 = arith.remsi %scan3A_105, %select_n3A_126 : i32
      %ne3A_128 = arith.constant 0 : i32
      %ne3A_129 = arith.cmpi ne, %rem3A_127, %ne3A_128 : i32
      %lt3A = arith.constant 0 : i32
      %lt3A_130 = arith.cmpi slt, %rem3A_127, %lt3A : i32
      %lt3A_131 = arith.constant 0 : i32
      %lt3A_132 = arith.cmpi slt, %select_n3A_126, %lt3A_131 : i32
      %ne3A_133 = arith.xori %lt3A_130, %lt3A_132 : i1
      %and3A_134 = arith.andi %ne3A_133, %ne3A_129 : i1
      %add3A_135 = arith.addi %rem3A_127, %select_n3A_126 : i32
      %select_n3A_136 = arith.select %and3A_134, %add3A_135, %rem3A_127 : i32
      %mul3A_137 = arith.constant 16 : i32
      %mul3A_138 = arith.muli %select_n3A_136, %mul3A_137 : i32
      %swap3A = arith.index_cast %select_n3A : i32 to index
      %swap3A_139 = arith.index_cast %mul3A_138 : i32 to index
      %swap3A_140 = tpu.vector_load %arg7[%swap3A, %swap3A_139] {strides = array<i32>} : memref<128x128xf32, #tpu.memory_space<vmem>>, vector<16xf32>,
      tpu.vector_store %arg7[%swap3A, %swap3A_139], %broadcast_in_dim3A_106 {strides = array<i32>} : memref<128x128xf32, #tpu.memory_space<vmem>>, vector<16xf32>,
    }
    %scan3A_5 = arith.constant 1024 : i32
    %mul3A_6 = arith.constant 640 : i32
    %mul3A_7 = arith.muli %arg1, %mul3A_6 : i32
    %add3A_8 = arith.constant 0 : i32
    %add3A_9 = arith.addi %mul3A_7, %add3A_8 : i32
    %dma_start3A = arith.constant 0 : i32
    %dma_start3A_10 = tpu.memref_slice %arg8[%add3A_9, %dma_start3A] : memref<10240x128xf32, #tpu.memory_space<vmem_shared>> -> memref<128x128xf32, #tpu.memory_space<vmem_shared>>
    %dma_start3A_11 = arith.constant 0 : i32
    %dma_start3A_12 = tpu.memref_slice %arg8[%add3A_9, %dma_start3A_11] : memref<10240x128xf32, #tpu.memory_space<vmem_shared>> -> memref<128x128xf32, #tpu.memory_space<vmem_shared>>
    tpu.enqueue_dma source(%arg7 : memref<128x128xf32, #tpu.memory_space<vmem>>) target(%dma_start3A_12 : memref<128x128xf32, #tpu.memory_space<vmem_shared>>) target_semaphore(%arg10 : memref<!tpu.dma_semaphore, #tpu.memory_space<semaphore_mem>>)
    %mul3A_13 = arith.constant 640 : i32
    %mul3A_14 = arith.muli %arg1, %mul3A_13 : i32
    %add3A_15 = arith.constant 128 : i32
    %add3A_16 = arith.addi %mul3A_14, %add3A_15 : i32
    %dma_start3A_17 = arith.constant 0 : i32
    %dma_start3A_18 = tpu.memref_slice %arg8[%add3A_16, %dma_start3A_17] : memref<10240x128xf32, #tpu.memory_space<vmem_shared>> -> memref<128x128xf32, #tpu.memory_space<vmem_shared>>
    %dma_start3A_19 = arith.constant 0 : i32
    %dma_start3A_20 = tpu.memref_slice %arg8[%add3A_16, %dma_start3A_19] : memref<10240x128xf32, #tpu.memory_space<vmem_shared>> -> memref<128x128xf32, #tpu.memory_space<vmem_shared>>
    tpu.enqueue_dma source(%arg7 : memref<128x128xf32, #tpu.memory_space<vmem>>) target(%dma_start3A_20 : memref<128x128xf32, #tpu.memory_space<vmem_shared>>) target_semaphore(%arg10 : memref<!tpu.dma_semaphore, #tpu.memory_space<semaphore_mem>>)
    %mul3A_21 = arith.constant 640 : i32
    %mul3A_22 = arith.muli %arg1, %mul3A_21 : i32
    %add3A_23 = arith.constant 256 : i32
    %add3A_24 = arith.addi %mul3A_22, %add3A_23 : i32
    %dma_start3A_25 = arith.constant 0 : i32
    %dma_start3A_26 = tpu.memref_slice %arg8[%add3A_24, %dma_start3A_25] : memref<10240x128xf32, #tpu.memory_space<vmem_shared>> -> memref<128x128xf32, #tpu.memory_space<vmem_shared>>
    %dma_start3A_27 = arith.constant 0 : i32
    %dma_start3A_28 = tpu.memref_slice %arg8[%add3A_24, %dma_start3A_27] : memref<10240x128xf32, #tpu.memory_space<vmem_shared>> -> memref<128x128xf32, #tpu.memory_space<vmem_shared>>
    tpu.enqueue_dma source(%arg7 : memref<128x128xf32, #tpu.memory_space<vmem>>) target(%dma_start3A_28 : memref<128x128xf32, #tpu.memory_space<vmem_shared>>) target_semaphore(%arg10 : memref<!tpu.dma_semaphore, #tpu.memory_space<semaphore_mem>>)
    %mul3A_29 = arith.constant 640 : i32
    %mul3A_30 = arith.muli %arg1, %mul3A_29 : i32
    %add3A_31 = arith.constant 384 : i32
    %add3A_32 = arith.addi %mul3A_30, %add3A_31 : i32
    %dma_start3A_33 = arith.constant 0 : i32
    %dma_start3A_34 = tpu.memref_slice %arg8[%add3A_32, %dma_start3A_33] : memref<10240x128xf32, #tpu.memory_space<vmem_shared>> -> memref<128x128xf32, #tpu.memory_space<vmem_shared>>
    %dma_start3A_35 = arith.constant 0 : i32
    %dma_start3A_36 = tpu.memref_slice %arg8[%add3A_32, %dma_start3A_35] : memref<10240x128xf32, #tpu.memory_space<vmem_shared>> -> memref<128x128xf32, #tpu.memory_space<vmem_shared>>
    tpu.enqueue_dma source(%arg7 : memref<128x128xf32, #tpu.memory_space<vmem>>) target(%dma_start3A_36 : memref<128x128xf32, #tpu.memory_space<vmem_shared>>) target_semaphore(%arg10 : memref<!tpu.dma_semaphore, #tpu.memory_space<semaphore_mem>>)
    %mul3A_37 = arith.constant 640 : i32
    %mul3A_38 = arith.muli %arg1, %mul3A_37 : i32
    %add3A_39 = arith.constant 512 : i32
    %add3A_40 = arith.addi %mul3A_38, %add3A_39 : i32
    %dma_start3A_41 = arith.constant 0 : i32
    %dma_start3A_42 = tpu.memref_slice %arg8[%add3A_40, %dma_start3A_41] : memref<10240x128xf32, #tpu.memory_space<vmem_shared>> -> memref<128x128xf32, #tpu.memory_space<vmem_shared>>
    %dma_start3A_43 = arith.constant 0 : i32
    %dma_start3A_44 = tpu.memref_slice %arg8[%add3A_40, %dma_start3A_43] : memref<10240x128xf32, #tpu.memory_space<vmem_shared>> -> memref<128x128xf32, #tpu.memory_space<vmem_shared>>
    tpu.enqueue_dma source(%arg7 : memref<128x128xf32, #tpu.memory_space<vmem>>) target(%dma_start3A_44 : memref<128x128xf32, #tpu.memory_space<vmem_shared>>) target_semaphore(%arg10 : memref<!tpu.dma_semaphore, #tpu.memory_space<semaphore_mem>>)
    %mul3A_45 = arith.constant 80 : i32
    %mul3A_46 = arith.muli %add3A, %mul3A_45 : i32
    %mul3A_47 = arith.constant 128 : i32
    %mul3A_48 = arith.muli %mul3A_46, %mul3A_47 : i32
    "tpu.region"() ({
      %run_scoped3A = tpu.sem_alloc : memref<!tpu.dma_semaphore, #tpu.memory_space<semaphore_mem>>
      %dma_start3A_105 = arith.constant 0 : i32
      %dma_start3A_106 = tpu.memref_slice %arg2[%dma_start3A_105, %mul3A_48] : memref<2x327680xi32, #tpu.memory_space<hbm>> -> memref<2x5120xi32, #tpu.memory_space<hbm>>
      %dma_start3A_107 = arith.constant 0 : i32
      %dma_start3A_108 = tpu.memref_slice %arg2[%dma_start3A_107, %mul3A_48] : memref<2x327680xi32, #tpu.memory_space<hbm>> -> memref<2x5120xi32, #tpu.memory_space<hbm>>
      tpu.enqueue_dma source(%dma_start3A_108 : memref<2x5120xi32, #tpu.memory_space<hbm>>) target(%arg5 : memref<2x5120xi32, #tpu.memory_space<vmem>>) target_semaphore(%run_scoped3A : memref<!tpu.dma_semaphore, #tpu.memory_space<semaphore_mem>>)
      %dma_wait3A_109 = arith.constant 0 : i32
      %dma_wait3A_110 = tpu.memref_slice %arg2[%dma_wait3A_109, %mul3A_48] : memref<2x327680xi32, #tpu.memory_space<hbm>> -> memref<2x5120xi32, #tpu.memory_space<hbm>>
      %dma_wait3A_111 = arith.constant 0 : i32
      %dma_wait3A_112 = tpu.memref_slice %arg2[%dma_wait3A_111, %mul3A_48] : memref<2x327680xi32, #tpu.memory_space<hbm>> -> memref<2x5120xi32, #tpu.memory_space<hbm>>
      tpu.wait_dma2 semaphore(%run_scoped3A : memref<!tpu.dma_semaphore, #tpu.memory_space<semaphore_mem>>) src(%dma_wait3A_112 : memref<2x5120xi32, #tpu.memory_space<hbm>>) dst(%arg5 : memref<2x5120xi32, #tpu.memory_space<vmem>>)
      tpu.yield
    }) : () -> ()
    %dma_start3A_49 = arith.constant 0 : i32
    %dma_start3A_50 = arith.constant 0 : i32
    %dma_start3A_51 = tpu.memref_slice %arg5[%dma_start3A_49, %dma_start3A_50] : memref<2x5120xi32, #tpu.memory_space<vmem>> -> memref<1x128xi32, #tpu.memory_space<vmem>>
    %dma_start3A_52 = tpu.memref_squeeze %dma_start3A_51 : memref<1x128xi32, #tpu.memory_space<vmem>> -> memref<128xi32, #tpu.memory_space<vmem>>
    %dma_start3A_53 = arith.constant 0 : i32
    %dma_start3A_54 = arith.constant 0 : i32
    %dma_start3A_55 = tpu.memref_slice %arg3[%dma_start3A_53, %dma_start3A_54] : memref<10240x128xf32, #tpu.memory_space<hbm>> -> memref<10240x128xf32, #tpu.memory_space<hbm>>
    tpu.enqueue_indirect_dma source(%dma_start3A_55 : memref<10240x128xf32, #tpu.memory_space<hbm>>) target(%arg6 : memref<128x128xf32, #tpu.memory_space<vmem>>) offsets(%dma_start3A_52 : memref<128xi32, #tpu.memory_space<vmem>>) semaphore(%arg9 : memref<!tpu.dma_semaphore, #tpu.memory_space<semaphore_mem>>)
    %dma_wait3A = arith.constant 0 : i32
    %dma_wait3A_56 = tpu.memref_slice %arg8[%add3A_9, %dma_wait3A] : memref<10240x128xf32, #tpu.memory_space<vmem_shared>> -> memref<128x128xf32, #tpu.memory_space<vmem_shared>>
    %dma_wait3A_57 = arith.constant 0 : i32
    %dma_wait3A_58 = tpu.memref_slice %arg8[%add3A_9, %dma_wait3A_57] : memref<10240x128xf32, #tpu.memory_space<vmem_shared>> -> memref<128x128xf32, #tpu.memory_space<vmem_shared>>
    tpu.wait_dma2 semaphore(%arg10 : memref<!tpu.dma_semaphore, #tpu.memory_space<semaphore_mem>>) src(%arg7 : memref<128x128xf32, #tpu.memory_space<vmem>>) dst(%dma_wait3A_58 : memref<128x128xf32, #tpu.memory_space<vmem_shared>>)
    %dma_wait3A_59 = arith.constant 0 : i32
    %dma_wait3A_60 = tpu.memref_slice %arg8[%add3A_16, %dma_wait3A_59] : memref<10240x128xf32, #tpu.memory_space<vmem_shared>> -> memref<128x128xf32, #tpu.memory_space<vmem_shared>>
    %dma_wait3A_61 = arith.constant 0 : i32
    %dma_wait3A_62 = tpu.memref_slice %arg8[%add3A_16, %dma_wait3A_61] : memref<10240x128xf32, #tpu.memory_space<vmem_shared>> -> memref<128x128xf32, #tpu.memory_space<vmem_shared>>
    tpu.wait_dma2 semaphore(%arg10 : memref<!tpu.dma_semaphore, #tpu.memory_space<semaphore_mem>>) src(%arg7 : memref<128x128xf32, #tpu.memory_space<vmem>>) dst(%dma_wait3A_62 : memref<128x128xf32, #tpu.memory_space<vmem_shared>>)
    %dma_wait3A_63 = arith.constant 0 : i32
    %dma_wait3A_64 = tpu.memref_slice %arg8[%add3A_24, %dma_wait3A_63] : memref<10240x128xf32, #tpu.memory_space<vmem_shared>> -> memref<128x128xf32, #tpu.memory_space<vmem_shared>>
    %dma_wait3A_65 = arith.constant 0 : i32
    %dma_wait3A_66 = tpu.memref_slice %arg8[%add3A_24, %dma_wait3A_65] : memref<10240x128xf32, #tpu.memory_space<vmem_shared>> -> memref<128x128xf32, #tpu.memory_space<vmem_shared>>
    tpu.wait_dma2 semaphore(%arg10 : memref<!tpu.dma_semaphore, #tpu.memory_space<semaphore_mem>>) src(%arg7 : memref<128x128xf32, #tpu.memory_space<vmem>>) dst(%dma_wait3A_66 : memref<128x128xf32, #tpu.memory_space<vmem_shared>>)
    %dma_wait3A_67 = arith.constant 0 : i32
    %dma_wait3A_68 = tpu.memref_slice %arg8[%add3A_32, %dma_wait3A_67] : memref<10240x128xf32, #tpu.memory_space<vmem_shared>> -> memref<128x128xf32, #tpu.memory_space<vmem_shared>>
    %dma_wait3A_69 = arith.constant 0 : i32
    %dma_wait3A_70 = tpu.memref_slice %arg8[%add3A_32, %dma_wait3A_69] : memref<10240x128xf32, #tpu.memory_space<vmem_shared>> -> memref<128x128xf32, #tpu.memory_space<vmem_shared>>
    tpu.wait_dma2 semaphore(%arg10 : memref<!tpu.dma_semaphore, #tpu.memory_space<semaphore_mem>>) src(%arg7 : memref<128x128xf32, #tpu.memory_space<vmem>>) dst(%dma_wait3A_70 : memref<128x128xf32, #tpu.memory_space<vmem_shared>>)
    %dma_wait3A_71 = arith.constant 0 : i32
    %dma_wait3A_72 = tpu.memref_slice %arg8[%add3A_40, %dma_wait3A_71] : memref<10240x128xf32, #tpu.memory_space<vmem_shared>> -> memref<128x128xf32, #tpu.memory_space<vmem_shared>>
    %dma_wait3A_73 = arith.constant 0 : i32
    %dma_wait3A_74 = tpu.memref_slice %arg8[%add3A_40, %dma_wait3A_73] : memref<10240x128xf32, #tpu.memory_space<vmem_shared>> -> memref<128x128xf32, #tpu.memory_space<vmem_shared>>
    tpu.wait_dma2 semaphore(%arg10 : memref<!tpu.dma_semaphore, #tpu.memory_space<semaphore_mem>>) src(%arg7 : memref<128x128xf32, #tpu.memory_space<vmem>>) dst(%dma_wait3A_74 : memref<128x128xf32, #tpu.memory_space<vmem_shared>>)
    %barrier3A = arith.constant 0 : index
    tpu.barrier barrier_id(%barrier3A)
    %scan3A_75 = arith.constant 0 : i32
    %scan3A_76 = arith.constant 0 : i32
    %scan3A_77 = arith.constant 20 : i32
    %scan3A_78 = arith.addi %scan3A_76, %scan3A_77 : i32
    %scan3A_79 = arith.constant 1 : i32
    scf.for %scan3A_105 = %scan3A_76 to %scan3A_78 step %scan3A_79  : i32 {
      %mul3A_106 = arith.constant 2 : i32
      %mul3A_107 = arith.muli %mul3A_106, %scan3A_105 : i32
      %add3A_108 = arith.constant 1 : i32
      %add3A_109 = arith.addi %mul3A_107, %add3A_108 : i32
      %mul3A_110 = arith.constant 128 : i32
      %mul3A_111 = arith.muli %add3A_109, %mul3A_110 : i32
      %dma_start3A_112 = arith.constant 0 : i32
      %dma_start3A_113 = tpu.memref_slice %arg5[%dma_start3A_112, %mul3A_111] : memref<2x5120xi32, #tpu.memory_space<vmem>> -> memref<1x128xi32, #tpu.memory_space<vmem>>
      %dma_start3A_114 = tpu.memref_squeeze %dma_start3A_113 : memref<1x128xi32, #tpu.memory_space<vmem>> -> memref<128xi32, #tpu.memory_space<vmem>>
      %dma_start3A_115 = arith.constant 0 : i32
      %dma_start3A_116 = arith.constant 0 : i32
      %dma_start3A_117 = tpu.memref_slice %arg3[%dma_start3A_115, %dma_start3A_116] : memref<10240x128xf32, #tpu.memory_space<hbm>> -> memref<10240x128xf32, #tpu.memory_space<hbm>>
      tpu.enqueue_indirect_dma source(%dma_start3A_117 : memref<10240x128xf32, #tpu.memory_space<hbm>>) target(%arg7 : memref<128x128xf32, #tpu.memory_space<vmem>>) offsets(%dma_start3A_114 : memref<128xi32, #tpu.memory_space<vmem>>) semaphore(%arg10 : memref<!tpu.dma_semaphore, #tpu.memory_space<semaphore_mem>>)
      %mul3A_118 = arith.constant 128 : i32
      %mul3A_119 = arith.muli %mul3A_107, %mul3A_118 : i32
      %dma_wait3A_120 = arith.constant 0 : i32
      %dma_wait3A_121 = tpu.memref_slice %arg5[%dma_wait3A_120, %mul3A_119] : memref<2x5120xi32, #tpu.memory_space<vmem>> -> memref<1x128xi32, #tpu.memory_space<vmem>>
      %dma_wait3A_122 = tpu.memref_squeeze %dma_wait3A_121 : memref<1x128xi32, #tpu.memory_space<vmem>> -> memref<128xi32, #tpu.memory_space<vmem>>
      %dma_wait3A_123 = arith.constant 0 : i32
      %dma_wait3A_124 = arith.constant 0 : i32
      %dma_wait3A_125 = tpu.memref_slice %arg3[%dma_wait3A_123, %dma_wait3A_124] : memref<10240x128xf32, #tpu.memory_space<hbm>> -> memref<10240x128xf32, #tpu.memory_space<hbm>>
      tpu.wait_indirect_dma semaphore(%arg9 : memref<!tpu.dma_semaphore, #tpu.memory_space<semaphore_mem>>) src(%dma_wait3A_125 : memref<10240x128xf32, #tpu.memory_space<hbm>>) dst(%arg6 : memref<128x128xf32, #tpu.memory_space<vmem>>)
      %mul3A_126 = arith.constant 128 : i32
      %mul3A_127 = arith.muli %mul3A_107, %mul3A_126 : i32
      %run_scoped3A = arith.constant 1 : i32
      "tpu.region"() ({
        %run_scoped3A_145 = tpu.sem_alloc : memref<!tpu.dma_semaphore, #tpu.memory_space<semaphore_mem>>
        %dma_start3A_146 = tpu.memref_slice %arg5[%run_scoped3A, %mul3A_127] : memref<2x5120xi32, #tpu.memory_space<vmem>> -> memref<1x128xi32, #tpu.memory_space<vmem>>
        %dma_start3A_147 = tpu.memref_squeeze %dma_start3A_146 : memref<1x128xi32, #tpu.memory_space<vmem>> -> memref<128xi32, #tpu.memory_space<vmem>>
        %dma_start3A_148 = arith.constant 0 : i32
        %dma_start3A_149 = arith.constant 0 : i32
        %dma_start3A_150 = tpu.memref_slice %arg8[%dma_start3A_148, %dma_start3A_149] : memref<10240x128xf32, #tpu.memory_space<vmem_shared>> -> memref<10240x128xf32, #tpu.memory_space<vmem_shared>>
        tpu.enqueue_indirect_dma source(%arg6 : memref<128x128xf32, #tpu.memory_space<vmem>>) target(%dma_start3A_150 : memref<10240x128xf32, #tpu.memory_space<vmem_shared>>) offsets(%dma_start3A_147 : memref<128xi32, #tpu.memory_space<vmem>>) semaphore(%run_scoped3A_145 : memref<!tpu.dma_semaphore, #tpu.memory_space<semaphore_mem>>) {add = true}
        %dma_wait3A_151 = tpu.memref_slice %arg5[%run_scoped3A, %mul3A_127] : memref<2x5120xi32, #tpu.memory_space<vmem>> -> memref<1x128xi32, #tpu.memory_space<vmem>>
        %dma_wait3A_152 = tpu.memref_squeeze %dma_wait3A_151 : memref<1x128xi32, #tpu.memory_space<vmem>> -> memref<128xi32, #tpu.memory_space<vmem>>
        %dma_wait3A_153 = arith.constant 0 : i32
        %dma_wait3A_154 = arith.constant 0 : i32
        %dma_wait3A_155 = tpu.memref_slice %arg8[%dma_wait3A_153, %dma_wait3A_154] : memref<10240x128xf32, #tpu.memory_space<vmem_shared>> -> memref<10240x128xf32, #tpu.memory_space<vmem_shared>>
        tpu.wait_indirect_dma semaphore(%run_scoped3A_145 : memref<!tpu.dma_semaphore, #tpu.memory_space<semaphore_mem>>) src(%arg6 : memref<128x128xf32, #tpu.memory_space<vmem>>) dst(%dma_wait3A_155 : memref<10240x128xf32, #tpu.memory_space<vmem_shared>>)
        tpu.yield
      }) : () -> ()
      %lt3A = arith.constant 19 : i32
      %lt3A_128 = arith.cmpi slt, %scan3A_105, %lt3A : i32
      %convert_element_type3A = arith.extui %lt3A_128 : i1 to i32
      %cond3A = arith.constant 0 : i32
      %cond3A_129 = arith.cmpi ne, %convert_element_type3A, %cond3A : i32
      scf.if %cond3A_129 {
        %add3A_145 = arith.constant 2 : i32
        %add3A_146 = arith.addi %mul3A_107, %add3A_145 : i32
        %mul3A_147 = arith.constant 128 : i32
        %mul3A_148 = arith.muli %add3A_146, %mul3A_147 : i32
        %dma_start3A_149 = arith.constant 0 : i32
        %dma_start3A_150 = tpu.memref_slice %arg5[%dma_start3A_149, %mul3A_148] : memref<2x5120xi32, #tpu.memory_space<vmem>> -> memref<1x128xi32, #tpu.memory_space<vmem>>
        %dma_start3A_151 = tpu.memref_squeeze %dma_start3A_150 : memref<1x128xi32, #tpu.memory_space<vmem>> -> memref<128xi32, #tpu.memory_space<vmem>>
        %dma_start3A_152 = arith.constant 0 : i32
        %dma_start3A_153 = arith.constant 0 : i32
        %dma_start3A_154 = tpu.memref_slice %arg3[%dma_start3A_152, %dma_start3A_153] : memref<10240x128xf32, #tpu.memory_space<hbm>> -> memref<10240x128xf32, #tpu.memory_space<hbm>>
        tpu.enqueue_indirect_dma source(%dma_start3A_154 : memref<10240x128xf32, #tpu.memory_space<hbm>>) target(%arg6 : memref<128x128xf32, #tpu.memory_space<vmem>>) offsets(%dma_start3A_151 : memref<128xi32, #tpu.memory_space<vmem>>) semaphore(%arg9 : memref<!tpu.dma_semaphore, #tpu.memory_space<semaphore_mem>>)
      } else {
      }
      %add3A_130 = arith.constant 1 : i32
      %add3A_131 = arith.addi %mul3A_107, %add3A_130 : i32
      %mul3A_132 = arith.constant 128 : i32
      %mul3A_133 = arith.muli %add3A_131, %mul3A_132 : i32
      %dma_wait3A_134 = arith.constant 0 : i32
      %dma_wait3A_135 = tpu.memref_slice %arg5[%dma_wait3A_134, %mul3A_133] : memref<2x5120xi32, #tpu.memory_space<vmem>> -> memref<1x128xi32, #tpu.memory_space<vmem>>
      %dma_wait3A_136 = tpu.memref_squeeze %dma_wait3A_135 : memref<1x128xi32, #tpu.memory_space<vmem>> -> memref<128xi32, #tpu.memory_space<vmem>>
      %dma_wait3A_137 = arith.constant 0 : i32
      %dma_wait3A_138 = arith.constant 0 : i32
      %dma_wait3A_139 = tpu.memref_slice %arg3[%dma_wait3A_137, %dma_wait3A_138] : memref<10240x128xf32, #tpu.memory_space<hbm>> -> memref<10240x128xf32, #tpu.memory_space<hbm>>
      tpu.wait_indirect_dma semaphore(%arg10 : memref<!tpu.dma_semaphore, #tpu.memory_space<semaphore_mem>>) src(%dma_wait3A_139 : memref<10240x128xf32, #tpu.memory_space<hbm>>) dst(%arg7 : memref<128x128xf32, #tpu.memory_space<vmem>>)
      %add3A_140 = arith.constant 1 : i32
      %add3A_141 = arith.addi %mul3A_107, %add3A_140 : i32
      %mul3A_142 = arith.constant 128 : i32
      %mul3A_143 = arith.muli %add3A_141, %mul3A_142 : i32
      %run_scoped3A_144 = arith.constant 1 : i32
      "tpu.region"() ({
        %run_scoped3A_145 = tpu.sem_alloc : memref<!tpu.dma_semaphore, #tpu.memory_space<semaphore_mem>>
        %dma_start3A_146 = tpu.memref_slice %arg5[%run_scoped3A_144, %mul3A_143] : memref<2x5120xi32, #tpu.memory_space<vmem>> -> memref<1x128xi32, #tpu.memory_space<vmem>>
        %dma_start3A_147 = tpu.memref_squeeze %dma_start3A_146 : memref<1x128xi32, #tpu.memory_space<vmem>> -> memref<128xi32, #tpu.memory_space<vmem>>
        %dma_start3A_148 = arith.constant 0 : i32
        %dma_start3A_149 = arith.constant 0 : i32
        %dma_start3A_150 = tpu.memref_slice %arg8[%dma_start3A_148, %dma_start3A_149] : memref<10240x128xf32, #tpu.memory_space<vmem_shared>> -> memref<10240x128xf32, #tpu.memory_space<vmem_shared>>
        tpu.enqueue_indirect_dma source(%arg7 : memref<128x128xf32, #tpu.memory_space<vmem>>) target(%dma_start3A_150 : memref<10240x128xf32, #tpu.memory_space<vmem_shared>>) offsets(%dma_start3A_147 : memref<128xi32, #tpu.memory_space<vmem>>) semaphore(%run_scoped3A_145 : memref<!tpu.dma_semaphore, #tpu.memory_space<semaphore_mem>>) {add = true}
        %dma_wait3A_151 = tpu.memref_slice %arg5[%run_scoped3A_144, %mul3A_143] : memref<2x5120xi32, #tpu.memory_space<vmem>> -> memref<1x128xi32, #tpu.memory_space<vmem>>
        %dma_wait3A_152 = tpu.memref_squeeze %dma_wait3A_151 : memref<1x128xi32, #tpu.memory_space<vmem>> -> memref<128xi32, #tpu.memory_space<vmem>>
        %dma_wait3A_153 = arith.constant 0 : i32
        %dma_wait3A_154 = arith.constant 0 : i32
        %dma_wait3A_155 = tpu.memref_slice %arg8[%dma_wait3A_153, %dma_wait3A_154] : memref<10240x128xf32, #tpu.memory_space<vmem_shared>> -> memref<10240x128xf32, #tpu.memory_space<vmem_shared>>
        tpu.wait_indirect_dma semaphore(%run_scoped3A_145 : memref<!tpu.dma_semaphore, #tpu.memory_space<semaphore_mem>>) src(%arg7 : memref<128x128xf32, #tpu.memory_space<vmem>>) dst(%dma_wait3A_155 : memref<10240x128xf32, #tpu.memory_space<vmem_shared>>)
        tpu.yield
      }) : () -> ()
    }
    %scan3A_80 = arith.constant 20 : i32
    %mul3A_81 = arith.constant 80 : i32
    %mul3A_82 = arith.muli %add3A, %mul3A_81 : i32
    %add3A_83 = arith.constant 40 : i32
    %add3A_84 = arith.addi %mul3A_82, %add3A_83 : i32
    %mul3A_85 = arith.constant 128 : i32
    %mul3A_86 = arith.muli %add3A_84, %mul3A_85 : i32
    "tpu.region"() ({
      %run_scoped3A = tpu.sem_alloc : memref<!tpu.dma_semaphore, #tpu.memory_space<semaphore_mem>>
      %dma_start3A_105 = arith.constant 0 : i32
      %dma_start3A_106 = tpu.memref_slice %arg2[%dma_start3A_105, %mul3A_86] : memref<2x327680xi32, #tpu.memory_space<hbm>> -> memref<2x5120xi32, #tpu.memory_space<hbm>>
      %dma_start3A_107 = arith.constant 0 : i32
      %dma_start3A_108 = tpu.memref_slice %arg2[%dma_start3A_107, %mul3A_86] : memref<2x327680xi32, #tpu.memory_space<hbm>> -> memref<2x5120xi32, #tpu.memory_space<hbm>>
      tpu.enqueue_dma source(%dma_start3A_108 : memref<2x5120xi32, #tpu.memory_space<hbm>>) target(%arg5 : memref<2x5120xi32, #tpu.memory_space<vmem>>) target_semaphore(%run_scoped3A : memref<!tpu.dma_semaphore, #tpu.memory_space<semaphore_mem>>)
      %dma_wait3A_109 = arith.constant 0 : i32
      %dma_wait3A_110 = tpu.memref_slice %arg2[%dma_wait3A_109, %mul3A_86] : memref<2x327680xi32, #tpu.memory_space<hbm>> -> memref<2x5120xi32, #tpu.memory_space<hbm>>
      %dma_wait3A_111 = arith.constant 0 : i32
      %dma_wait3A_112 = tpu.memref_slice %arg2[%dma_wait3A_111, %mul3A_86] : memref<2x327680xi32, #tpu.memory_space<hbm>> -> memref<2x5120xi32, #tpu.memory_space<hbm>>
      tpu.wait_dma2 semaphore(%run_scoped3A : memref<!tpu.dma_semaphore, #tpu.memory_space<semaphore_mem>>) src(%dma_wait3A_112 : memref<2x5120xi32, #tpu.memory_space<hbm>>) dst(%arg5 : memref<2x5120xi32, #tpu.memory_space<vmem>>)
      tpu.yield
    }) : () -> ()
    %dma_start3A_87 = arith.constant 0 : i32
    %dma_start3A_88 = arith.constant 0 : i32
    %dma_start3A_89 = tpu.memref_slice %arg5[%dma_start3A_87, %dma_start3A_88] : memref<2x5120xi32, #tpu.memory_space<vmem>> -> memref<1x128xi32, #tpu.memory_space<vmem>>
    %dma_start3A_90 = tpu.memref_squeeze %dma_start3A_89 : memref<1x128xi32, #tpu.memory_space<vmem>> -> memref<128xi32, #tpu.memory_space<vmem>>
    %dma_start3A_91 = arith.constant 0 : i32
    %dma_start3A_92 = arith.constant 0 : i32
    %dma_start3A_93 = tpu.memref_slice %arg3[%dma_start3A_91, %dma_start3A_92] : memref<10240x128xf32, #tpu.memory_space<hbm>> -> memref<10240x128xf32, #tpu.memory_space<hbm>>
    tpu.enqueue_indirect_dma source(%dma_start3A_93 : memref<10240x128xf32, #tpu.memory_space<hbm>>) target(%arg6 : memref<128x128xf32, #tpu.memory_space<vmem>>) offsets(%dma_start3A_90 : memref<128xi32, #tpu.memory_space<vmem>>) semaphore(%arg9 : memref<!tpu.dma_semaphore, #tpu.memory_space<semaphore_mem>>)
    %scan3A_94 = arith.constant 0 : i32
    %scan3A_95 = arith.constant 0 : i32
    %scan3A_96 = arith.constant 20 : i32
    %scan3A_97 = arith.addi %scan3A_95, %scan3A_96 : i32
    %scan3A_98 = arith.constant 1 : i32
    scf.for %scan3A_105 = %scan3A_95 to %scan3A_97 step %scan3A_98  : i32 {
      %mul3A_106 = arith.constant 2 : i32
      %mul3A_107 = arith.muli %mul3A_106, %scan3A_105 : i32
      %add3A_108 = arith.constant 1 : i32
      %add3A_109 = arith.addi %mul3A_107, %add3A_108 : i32
      %mul3A_110 = arith.constant 128 : i32
      %mul3A_111 = arith.muli %add3A_109, %mul3A_110 : i32
      %dma_start3A_112 = arith.constant 0 : i32
      %dma_start3A_113 = tpu.memref_slice %arg5[%dma_start3A_112, %mul3A_111] : memref<2x5120xi32, #tpu.memory_space<vmem>> -> memref<1x128xi32, #tpu.memory_space<vmem>>
      %dma_start3A_114 = tpu.memref_squeeze %dma_start3A_113 : memref<1x128xi32, #tpu.memory_space<vmem>> -> memref<128xi32, #tpu.memory_space<vmem>>
      %dma_start3A_115 = arith.constant 0 : i32
      %dma_start3A_116 = arith.constant 0 : i32
      %dma_start3A_117 = tpu.memref_slice %arg3[%dma_start3A_115, %dma_start3A_116] : memref<10240x128xf32, #tpu.memory_space<hbm>> -> memref<10240x128xf32, #tpu.memory_space<hbm>>
      tpu.enqueue_indirect_dma source(%dma_start3A_117 : memref<10240x128xf32, #tpu.memory_space<hbm>>) target(%arg7 : memref<128x128xf32, #tpu.memory_space<vmem>>) offsets(%dma_start3A_114 : memref<128xi32, #tpu.memory_space<vmem>>) semaphore(%arg10 : memref<!tpu.dma_semaphore, #tpu.memory_space<semaphore_mem>>)
      %mul3A_118 = arith.constant 128 : i32
      %mul3A_119 = arith.muli %mul3A_107, %mul3A_118 : i32
      %dma_wait3A_120 = arith.constant 0 : i32
      %dma_wait3A_121 = tpu.memref_slice %arg5[%dma_wait3A_120, %mul3A_119] : memref<2x5120xi32, #tpu.memory_space<vmem>> -> memref<1x128xi32, #tpu.memory_space<vmem>>
      %dma_wait3A_122 = tpu.memref_squeeze %dma_wait3A_121 : memref<1x128xi32, #tpu.memory_space<vmem>> -> memref<128xi32, #tpu.memory_space<vmem>>
      %dma_wait3A_123 = arith.constant 0 : i32
      %dma_wait3A_124 = arith.constant 0 : i32
      %dma_wait3A_125 = tpu.memref_slice %arg3[%dma_wait3A_123, %dma_wait3A_124] : memref<10240x128xf32, #tpu.memory_space<hbm>> -> memref<10240x128xf32, #tpu.memory_space<hbm>>
      tpu.wait_indirect_dma semaphore(%arg9 : memref<!tpu.dma_semaphore, #tpu.memory_space<semaphore_mem>>) src(%dma_wait3A_125 : memref<10240x128xf32, #tpu.memory_space<hbm>>) dst(%arg6 : memref<128x128xf32, #tpu.memory_space<vmem>>)
      %mul3A_126 = arith.constant 128 : i32
      %mul3A_127 = arith.muli %mul3A_107, %mul3A_126 : i32
      %run_scoped3A = arith.constant 1 : i32
      "tpu.region"() ({
        %run_scoped3A_145 = tpu.sem_alloc : memref<!tpu.dma_semaphore, #tpu.memory_space<semaphore_mem>>
        %dma_start3A_146 = tpu.memref_slice %arg5[%run_scoped3A, %mul3A_127] : memref<2x5120xi32, #tpu.memory_space<vmem>> -> memref<1x128xi32, #tpu.memory_space<vmem>>
        %dma_start3A_147 = tpu.memref_squeeze %dma_start3A_146 : memref<1x128xi32, #tpu.memory_space<vmem>> -> memref<128xi32, #tpu.memory_space<vmem>>
        %dma_start3A_148 = arith.constant 0 : i32
        %dma_start3A_149 = arith.constant 0 : i32
        %dma_start3A_150 = tpu.memref_slice %arg8[%dma_start3A_148, %dma_start3A_149] : memref<10240x128xf32, #tpu.memory_space<vmem_shared>> -> memref<10240x128xf32, #tpu.memory_space<vmem_shared>>
        tpu.enqueue_indirect_dma source(%arg6 : memref<128x128xf32, #tpu.memory_space<vmem>>) target(%dma_start3A_150 : memref<10240x128xf32, #tpu.memory_space<vmem_shared>>) offsets(%dma_start3A_147 : memref<128xi32, #tpu.memory_space<vmem>>) semaphore(%run_scoped3A_145 : memref<!tpu.dma_semaphore, #tpu.memory_space<semaphore_mem>>) {add = true}
        %dma_wait3A_151 = tpu.memref_slice %arg5[%run_scoped3A, %mul3A_127] : memref<2x5120xi32, #tpu.memory_space<vmem>> -> memref<1x128xi32, #tpu.memory_space<vmem>>
        %dma_wait3A_152 = tpu.memref_squeeze %dma_wait3A_151 : memref<1x128xi32, #tpu.memory_space<vmem>> -> memref<128xi32, #tpu.memory_space<vmem>>
        %dma_wait3A_153 = arith.constant 0 : i32
        %dma_wait3A_154 = arith.constant 0 : i32
        %dma_wait3A_155 = tpu.memref_slice %arg8[%dma_wait3A_153, %dma_wait3A_154] : memref<10240x128xf32, #tpu.memory_space<vmem_shared>> -> memref<10240x128xf32, #tpu.memory_space<vmem_shared>>
        tpu.wait_indirect_dma semaphore(%run_scoped3A_145 : memref<!tpu.dma_semaphore, #tpu.memory_space<semaphore_mem>>) src(%arg6 : memref<128x128xf32, #tpu.memory_space<vmem>>) dst(%dma_wait3A_155 : memref<10240x128xf32, #tpu.memory_space<vmem_shared>>)
        tpu.yield
      }) : () -> ()
      %lt3A = arith.constant 19 : i32
      %lt3A_128 = arith.cmpi slt, %scan3A_105, %lt3A : i32
      %convert_element_type3A = arith.extui %lt3A_128 : i1 to i32
      %cond3A = arith.constant 0 : i32
      %cond3A_129 = arith.cmpi ne, %convert_element_type3A, %cond3A : i32
      scf.if %cond3A_129 {
        %add3A_145 = arith.constant 2 : i32
        %add3A_146 = arith.addi %mul3A_107, %add3A_145 : i32
        %mul3A_147 = arith.constant 128 : i32
        %mul3A_148 = arith.muli %add3A_146, %mul3A_147 : i32
        %dma_start3A_149 = arith.constant 0 : i32
        %dma_start3A_150 = tpu.memref_slice %arg5[%dma_start3A_149, %mul3A_148] : memref<2x5120xi32, #tpu.memory_space<vmem>> -> memref<1x128xi32, #tpu.memory_space<vmem>>
        %dma_start3A_151 = tpu.memref_squeeze %dma_start3A_150 : memref<1x128xi32, #tpu.memory_space<vmem>> -> memref<128xi32, #tpu.memory_space<vmem>>
        %dma_start3A_152 = arith.constant 0 : i32
        %dma_start3A_153 = arith.constant 0 : i32
        %dma_start3A_154 = tpu.memref_slice %arg3[%dma_start3A_152, %dma_start3A_153] : memref<10240x128xf32, #tpu.memory_space<hbm>> -> memref<10240x128xf32, #tpu.memory_space<hbm>>
        tpu.enqueue_indirect_dma source(%dma_start3A_154 : memref<10240x128xf32, #tpu.memory_space<hbm>>) target(%arg6 : memref<128x128xf32, #tpu.memory_space<vmem>>) offsets(%dma_start3A_151 : memref<128xi32, #tpu.memory_space<vmem>>) semaphore(%arg9 : memref<!tpu.dma_semaphore, #tpu.memory_space<semaphore_mem>>)
      } else {
      }
      %add3A_130 = arith.constant 1 : i32
      %add3A_131 = arith.addi %mul3A_107, %add3A_130 : i32
      %mul3A_132 = arith.constant 128 : i32
      %mul3A_133 = arith.muli %add3A_131, %mul3A_132 : i32
      %dma_wait3A_134 = arith.constant 0 : i32
      %dma_wait3A_135 = tpu.memref_slice %arg5[%dma_wait3A_134, %mul3A_133] : memref<2x5120xi32, #tpu.memory_space<vmem>> -> memref<1x128xi32, #tpu.memory_space<vmem>>
      %dma_wait3A_136 = tpu.memref_squeeze %dma_wait3A_135 : memref<1x128xi32, #tpu.memory_space<vmem>> -> memref<128xi32, #tpu.memory_space<vmem>>
      %dma_wait3A_137 = arith.constant 0 : i32
      %dma_wait3A_138 = arith.constant 0 : i32
      %dma_wait3A_139 = tpu.memref_slice %arg3[%dma_wait3A_137, %dma_wait3A_138] : memref<10240x128xf32, #tpu.memory_space<hbm>> -> memref<10240x128xf32, #tpu.memory_space<hbm>>
      tpu.wait_indirect_dma semaphore(%arg10 : memref<!tpu.dma_semaphore, #tpu.memory_space<semaphore_mem>>) src(%dma_wait3A_139 : memref<10240x128xf32, #tpu.memory_space<hbm>>) dst(%arg7 : memref<128x128xf32, #tpu.memory_space<vmem>>)
      %add3A_140 = arith.constant 1 : i32
      %add3A_141 = arith.addi %mul3A_107, %add3A_140 : i32
      %mul3A_142 = arith.constant 128 : i32
      %mul3A_143 = arith.muli %add3A_141, %mul3A_142 : i32
      %run_scoped3A_144 = arith.constant 1 : i32
      "tpu.region"() ({
        %run_scoped3A_145 = tpu.sem_alloc : memref<!tpu.dma_semaphore, #tpu.memory_space<semaphore_mem>>
        %dma_start3A_146 = tpu.memref_slice %arg5[%run_scoped3A_144, %mul3A_143] : memref<2x5120xi32, #tpu.memory_space<vmem>> -> memref<1x128xi32, #tpu.memory_space<vmem>>
        %dma_start3A_147 = tpu.memref_squeeze %dma_start3A_146 : memref<1x128xi32, #tpu.memory_space<vmem>> -> memref<128xi32, #tpu.memory_space<vmem>>
        %dma_start3A_148 = arith.constant 0 : i32
        %dma_start3A_149 = arith.constant 0 : i32
        %dma_start3A_150 = tpu.memref_slice %arg8[%dma_start3A_148, %dma_start3A_149] : memref<10240x128xf32, #tpu.memory_space<vmem_shared>> -> memref<10240x128xf32, #tpu.memory_space<vmem_shared>>
        tpu.enqueue_indirect_dma source(%arg7 : memref<128x128xf32, #tpu.memory_space<vmem>>) target(%dma_start3A_150 : memref<10240x128xf32, #tpu.memory_space<vmem_shared>>) offsets(%dma_start3A_147 : memref<128xi32, #tpu.memory_space<vmem>>) semaphore(%run_scoped3A_145 : memref<!tpu.dma_semaphore, #tpu.memory_space<semaphore_mem>>) {add = true}
        %dma_wait3A_151 = tpu.memref_slice %arg5[%run_scoped3A_144, %mul3A_143] : memref<2x5120xi32, #tpu.memory_space<vmem>> -> memref<1x128xi32, #tpu.memory_space<vmem>>
        %dma_wait3A_152 = tpu.memref_squeeze %dma_wait3A_151 : memref<1x128xi32, #tpu.memory_space<vmem>> -> memref<128xi32, #tpu.memory_space<vmem>>
        %dma_wait3A_153 = arith.constant 0 : i32
        %dma_wait3A_154 = arith.constant 0 : i32
        %dma_wait3A_155 = tpu.memref_slice %arg8[%dma_wait3A_153, %dma_wait3A_154] : memref<10240x128xf32, #tpu.memory_space<vmem_shared>> -> memref<10240x128xf32, #tpu.memory_space<vmem_shared>>
        tpu.wait_indirect_dma semaphore(%run_scoped3A_145 : memref<!tpu.dma_semaphore, #tpu.memory_space<semaphore_mem>>) src(%arg7 : memref<128x128xf32, #tpu.memory_space<vmem>>) dst(%dma_wait3A_155 : memref<10240x128xf32, #tpu.memory_space<vmem_shared>>)
        tpu.yield
      }) : () -> ()
    }
    %scan3A_99 = arith.constant 20 : i32
    %barrier3A_100 = arith.constant 0 : index
    tpu.barrier barrier_id(%barrier3A_100)
    %mul3A_101 = arith.constant 640 : i32
    %mul3A_102 = arith.muli %arg1, %mul3A_101 : i32
    %mul3A_103 = arith.constant 640 : i32
    %mul3A_104 = arith.muli %arg1, %mul3A_103 : i32
    "tpu.region"() ({
      %run_scoped3A = tpu.sem_alloc : memref<!tpu.dma_semaphore, #tpu.memory_space<semaphore_mem>>
      %dma_start3A_105 = arith.constant 0 : i32
      %dma_start3A_106 = tpu.memref_slice %arg4[%arg0, %mul3A_104, %dma_start3A_105] : memref<2x10240x128xf32, #tpu.memory_space<hbm>> -> memref<1x640x128xf32, #tpu.memory_space<hbm>>
      %dma_start3A_107 = tpu.memref_squeeze %dma_start3A_106 : memref<1x640x128xf32, #tpu.memory_space<hbm>> -> memref<640x128xf32, #tpu.memory_space<hbm>>
      %dma_start3A_108 = arith.constant 0 : i32
      %dma_start3A_109 = tpu.memref_slice %arg8[%mul3A_102, %dma_start3A_108] : memref<10240x128xf32, #tpu.memory_space<vmem_shared>> -> memref<640x128xf32, #tpu.memory_space<vmem_shared>>
      tpu.enqueue_dma source(%dma_start3A_109 : memref<640x128xf32, #tpu.memory_space<vmem_shared>>) target(%dma_start3A_107 : memref<640x128xf32, #tpu.memory_space<hbm>>) target_semaphore(%run_scoped3A : memref<!tpu.dma_semaphore, #tpu.memory_space<semaphore_mem>>)
      %dma_wait3A_110 = arith.constant 0 : i32
      %dma_wait3A_111 = tpu.memref_slice %arg4[%arg0, %mul3A_104, %dma_wait3A_110] : memref<2x10240x128xf32, #tpu.memory_space<hbm>> -> memref<1x640x128xf32, #tpu.memory_space<hbm>>
      %dma_wait3A_112 = tpu.memref_squeeze %dma_wait3A_111 : memref<1x640x128xf32, #tpu.memory_space<hbm>> -> memref<640x128xf32, #tpu.memory_space<hbm>>
      %dma_wait3A_113 = arith.constant 0 : i32
      %dma_wait3A_114 = tpu.memref_slice %arg8[%mul3A_102, %dma_wait3A_113] : memref<10240x128xf32, #tpu.memory_space<vmem_shared>> -> memref<640x128xf32, #tpu.memory_space<vmem_shared>>
      tpu.wait_dma2 semaphore(%run_scoped3A : memref<!tpu.dma_semaphore, #tpu.memory_space<semaphore_mem>>) src(%dma_wait3A_114 : memref<640x128xf32, #tpu.memory_space<vmem_shared>>) dst(%dma_wait3A_112 : memref<640x128xf32, #tpu.memory_space<hbm>>)
      tpu.yield
    }) : () -> ()
    return
  }
}

#map = affine_map<(d0, d1) -> (0, 0)>
#map1 = affine_map<(d0, d1) -> (0, 0, 0)>
module attributes {stable_mosaic.version = 14 : i64} {
  func.func @_seg_kernel(%arg0: i32, %arg1: i32, %arg2: memref<2x327680xi32, #tpu.memory_space<hbm>>, %arg3: memref<10240x128xf32, #tpu.memory_space<hbm>>, %arg4: memref<2x10240x128xf32, #tpu.memory_space<hbm>>, %arg5: memref<2x5120xi32, #tpu.memory_space<vmem>>, %arg6: memref<128x128xf32, #tpu.memory_space<vmem>>, %arg7: memref<128x128xf32, #tpu.memory_space<vmem>>, %arg8: memref<10240x128xf32, #tpu.memory_space<vmem_shared>>, %arg9: memref<!tpu.dma_semaphore, #tpu.memory_space<semaphore_mem>>, %arg10: memref<!tpu.dma_semaphore, #tpu.memory_space<semaphore_mem>>) attributes {dimension_semantics = [#tpu.dimension_semantics<core_parallel>, #tpu.dimension_semantics<subcore_parallel>], iteration_bounds = array<i64: 2, 16>, scalar_prefetch = 0 : i64, scratch_operands = 6 : i64, tpu.core_type = #tpu.core_type<sc_vector_subcore>, window_params = [{transform_indices = #map}, {transform_indices = #map}, {transform_indices = #map1}]} {
    %mul3A = arith.constant 16 : i32
    %mul3A_0 = arith.muli %arg0, %mul3A : i32
    %add3A = arith.addi %mul3A_0, %arg1 : i32
    %scan3A = arith.constant 0 : i32
    %scan3A_1 = arith.constant 0 : i32
    %scan3A_2 = arith.constant 1024 : i32
    %scan3A_3 = arith.addi %scan3A_1, %scan3A_2 : i32
    %scan3A_4 = arith.constant 1 : i32
    scf.for %scan3A_105 = %scan3A_1 to %scan3A_3 step %scan3A_4  : i32 {
      %broadcast_in_dim3A = arith.constant 0.000000e+00 : f32
      %broadcast_in_dim3A_106 = vector.broadcast %broadcast_in_dim3A : f32 to vector<16xf32>
      %jit3A = arith.constant 8 : i32
      %div3A = arith.divsi %scan3A_105, %jit3A : i32
      %sign3A = arith.constant 0 : i32
      %sign3A_107 = arith.cmpi sgt, %scan3A_105, %sign3A : i32
      %sign3A_108 = arith.extui %sign3A_107 : i1 to i32
      %sign3A_109 = arith.constant 0 : i32
      %sign3A_110 = arith.cmpi slt, %scan3A_105, %sign3A_109 : i32
      %sign3A_111 = arith.extui %sign3A_110 : i1 to i32
      %sign3A_112 = arith.subi %sign3A_108, %sign3A_111 : i32
      %sign3A_113 = arith.constant 0 : i32
      %sign3A_114 = arith.cmpi sgt, %jit3A, %sign3A_113 : i32
      %sign3A_115 = arith.extui %sign3A_114 : i1 to i32
      %sign3A_116 = arith.constant 0 : i32
      %sign3A_117 = arith.cmpi slt, %jit3A, %sign3A_116 : i32
      %sign3A_118 = arith.extui %sign3A_117 : i1 to i32
      %sign3A_119 = arith.subi %sign3A_115, %sign3A_118 : i32
      %ne3A = arith.cmpi ne, %sign3A_112, %sign3A_119 : i32
      %rem3A = arith.remsi %scan3A_105, %jit3A : i32
      %ne3A_120 = arith.constant 0 : i32
      %ne3A_121 = arith.cmpi ne, %rem3A, %ne3A_120 : i32
      %and3A = arith.andi %ne3A, %ne3A_121 : i1
      %sub3A = arith.constant 1 : i32
      %sub3A_122 = arith.subi %div3A, %sub3A : i32
      %select_n3A = arith.select %and3A, %sub3A_122, %div3A : i32
      %jit3A_123 = arith.constant 8 : i32
      %eq3A = arith.constant 0 : i32
      %eq3A_124 = arith.cmpi eq, %jit3A_123, %eq3A : i32
      %jit3A_125 = arith.constant 1 : i32
      %select_n3A_126 = arith.select %eq3A_124, %jit3A_125, %jit3A_123 : i32
      %rem3A_127 = arith.remsi %scan3A_105, %select_n3A_126 : i32
      %ne3A_128 = arith.constant 0 : i32
      %ne3A_129 = arith.cmpi ne, %rem3A_127, %ne3A_128 : i32
      %lt3A = arith.constant 0 : i32
      %lt3A_130 = arith.cmpi slt, %rem3A_127, %lt3A : i32
      %lt3A_131 = arith.constant 0 : i32
      %lt3A_132 = arith.cmpi slt, %select_n3A_126, %lt3A_131 : i32
      %ne3A_133 = arith.xori %lt3A_130, %lt3A_132 : i1
      %and3A_134 = arith.andi %ne3A_133, %ne3A_129 : i1
      %add3A_135 = arith.addi %rem3A_127, %select_n3A_126 : i32
      %select_n3A_136 = arith.select %and3A_134, %add3A_135, %rem3A_127 : i32
      %mul3A_137 = arith.constant 16 : i32
      %mul3A_138 = arith.muli %select_n3A_136, %mul3A_137 : i32
      %swap3A = arith.index_cast %select_n3A : i32 to index
      %swap3A_139 = arith.index_cast %mul3A_138 : i32 to index
      %swap3A_140 = tpu.vector_load %arg7[%swap3A, %swap3A_139] {strides = array<i32>} : memref<128x128xf32, #tpu.memory_space<vmem>>, vector<16xf32>,
      tpu.vector_store %arg7[%swap3A, %swap3A_139], %broadcast_in_dim3A_106 {strides = array<i32>} : memref<128x128xf32, #tpu.memory_space<vmem>>, vector<16xf32>,
    }
    %scan3A_5 = arith.constant 1024 : i32
    %mul3A_6 = arith.constant 640 : i32
    %mul3A_7 = arith.muli %arg1, %mul3A_6 : i32
    %add3A_8 = arith.constant 0 : i32
    %add3A_9 = arith.addi %mul3A_7, %add3A_8 : i32
    %dma_start3A = arith.constant 0 : i32
    %dma_start3A_10 = tpu.memref_slice %arg8[%add3A_9, %dma_start3A] : memref<10240x128xf32, #tpu.memory_space<vmem_shared>> -> memref<128x128xf32, #tpu.memory_space<vmem_shared>>
    %dma_start3A_11 = arith.constant 0 : i32
    %dma_start3A_12 = tpu.memref_slice %arg8[%add3A_9, %dma_start3A_11] : memref<10240x128xf32, #tpu.memory_space<vmem_shared>> -> memref<128x128xf32, #tpu.memory_space<vmem_shared>>
    tpu.enqueue_dma source(%arg7 : memref<128x128xf32, #tpu.memory_space<vmem>>) target(%dma_start3A_12 : memref<128x128xf32, #tpu.memory_space<vmem_shared>>) target_semaphore(%arg10 : memref<!tpu.dma_semaphore, #tpu.memory_space<semaphore_mem>>)
    %mul3A_13 = arith.constant 640 : i32
    %mul3A_14 = arith.muli %arg1, %mul3A_13 : i32
    %add3A_15 = arith.constant 128 : i32
    %add3A_16 = arith.addi %mul3A_14, %add3A_15 : i32
    %dma_start3A_17 = arith.constant 0 : i32
    %dma_start3A_18 = tpu.memref_slice %arg8[%add3A_16, %dma_start3A_17] : memref<10240x128xf32, #tpu.memory_space<vmem_shared>> -> memref<128x128xf32, #tpu.memory_space<vmem_shared>>
    %dma_start3A_19 = arith.constant 0 : i32
    %dma_start3A_20 = tpu.memref_slice %arg8[%add3A_16, %dma_start3A_19] : memref<10240x128xf32, #tpu.memory_space<vmem_shared>> -> memref<128x128xf32, #tpu.memory_space<vmem_shared>>
    tpu.enqueue_dma source(%arg7 : memref<128x128xf32, #tpu.memory_space<vmem>>) target(%dma_start3A_20 : memref<128x128xf32, #tpu.memory_space<vmem_shared>>) target_semaphore(%arg10 : memref<!tpu.dma_semaphore, #tpu.memory_space<semaphore_mem>>)
    %mul3A_21 = arith.constant 640 : i32
    %mul3A_22 = arith.muli %arg1, %mul3A_21 : i32
    %add3A_23 = arith.constant 256 : i32
    %add3A_24 = arith.addi %mul3A_22, %add3A_23 : i32
    %dma_start3A_25 = arith.constant 0 : i32
    %dma_start3A_26 = tpu.memref_slice %arg8[%add3A_24, %dma_start3A_25] : memref<10240x128xf32, #tpu.memory_space<vmem_shared>> -> memref<128x128xf32, #tpu.memory_space<vmem_shared>>
    %dma_start3A_27 = arith.constant 0 : i32
    %dma_start3A_28 = tpu.memref_slice %arg8[%add3A_24, %dma_start3A_27] : memref<10240x128xf32, #tpu.memory_space<vmem_shared>> -> memref<128x128xf32, #tpu.memory_space<vmem_shared>>
    tpu.enqueue_dma source(%arg7 : memref<128x128xf32, #tpu.memory_space<vmem>>) target(%dma_start3A_28 : memref<128x128xf32, #tpu.memory_space<vmem_shared>>) target_semaphore(%arg10 : memref<!tpu.dma_semaphore, #tpu.memory_space<semaphore_mem>>)
    %mul3A_29 = arith.constant 640 : i32
    %mul3A_30 = arith.muli %arg1, %mul3A_29 : i32
    %add3A_31 = arith.constant 384 : i32
    %add3A_32 = arith.addi %mul3A_30, %add3A_31 : i32
    %dma_start3A_33 = arith.constant 0 : i32
    %dma_start3A_34 = tpu.memref_slice %arg8[%add3A_32, %dma_start3A_33] : memref<10240x128xf32, #tpu.memory_space<vmem_shared>> -> memref<128x128xf32, #tpu.memory_space<vmem_shared>>
    %dma_start3A_35 = arith.constant 0 : i32
    %dma_start3A_36 = tpu.memref_slice %arg8[%add3A_32, %dma_start3A_35] : memref<10240x128xf32, #tpu.memory_space<vmem_shared>> -> memref<128x128xf32, #tpu.memory_space<vmem_shared>>
    tpu.enqueue_dma source(%arg7 : memref<128x128xf32, #tpu.memory_space<vmem>>) target(%dma_start3A_36 : memref<128x128xf32, #tpu.memory_space<vmem_shared>>) target_semaphore(%arg10 : memref<!tpu.dma_semaphore, #tpu.memory_space<semaphore_mem>>)
    %mul3A_37 = arith.constant 640 : i32
    %mul3A_38 = arith.muli %arg1, %mul3A_37 : i32
    %add3A_39 = arith.constant 512 : i32
    %add3A_40 = arith.addi %mul3A_38, %add3A_39 : i32
    %dma_start3A_41 = arith.constant 0 : i32
    %dma_start3A_42 = tpu.memref_slice %arg8[%add3A_40, %dma_start3A_41] : memref<10240x128xf32, #tpu.memory_space<vmem_shared>> -> memref<128x128xf32, #tpu.memory_space<vmem_shared>>
    %dma_start3A_43 = arith.constant 0 : i32
    %dma_start3A_44 = tpu.memref_slice %arg8[%add3A_40, %dma_start3A_43] : memref<10240x128xf32, #tpu.memory_space<vmem_shared>> -> memref<128x128xf32, #tpu.memory_space<vmem_shared>>
    tpu.enqueue_dma source(%arg7 : memref<128x128xf32, #tpu.memory_space<vmem>>) target(%dma_start3A_44 : memref<128x128xf32, #tpu.memory_space<vmem_shared>>) target_semaphore(%arg10 : memref<!tpu.dma_semaphore, #tpu.memory_space<semaphore_mem>>)
    %mul3A_45 = arith.constant 80 : i32
    %mul3A_46 = arith.muli %add3A, %mul3A_45 : i32
    %mul3A_47 = arith.constant 128 : i32
    %mul3A_48 = arith.muli %mul3A_46, %mul3A_47 : i32
    "tpu.region"() ({
      %run_scoped3A = tpu.sem_alloc : memref<!tpu.dma_semaphore, #tpu.memory_space<semaphore_mem>>
      %dma_start3A_105 = arith.constant 0 : i32
      %dma_start3A_106 = tpu.memref_slice %arg2[%dma_start3A_105, %mul3A_48] : memref<2x327680xi32, #tpu.memory_space<hbm>> -> memref<2x5120xi32, #tpu.memory_space<hbm>>
      %dma_start3A_107 = arith.constant 0 : i32
      %dma_start3A_108 = tpu.memref_slice %arg2[%dma_start3A_107, %mul3A_48] : memref<2x327680xi32, #tpu.memory_space<hbm>> -> memref<2x5120xi32, #tpu.memory_space<hbm>>
      tpu.enqueue_dma source(%dma_start3A_108 : memref<2x5120xi32, #tpu.memory_space<hbm>>) target(%arg5 : memref<2x5120xi32, #tpu.memory_space<vmem>>) target_semaphore(%run_scoped3A : memref<!tpu.dma_semaphore, #tpu.memory_space<semaphore_mem>>)
      %dma_wait3A_109 = arith.constant 0 : i32
      %dma_wait3A_110 = tpu.memref_slice %arg2[%dma_wait3A_109, %mul3A_48] : memref<2x327680xi32, #tpu.memory_space<hbm>> -> memref<2x5120xi32, #tpu.memory_space<hbm>>
      %dma_wait3A_111 = arith.constant 0 : i32
      %dma_wait3A_112 = tpu.memref_slice %arg2[%dma_wait3A_111, %mul3A_48] : memref<2x327680xi32, #tpu.memory_space<hbm>> -> memref<2x5120xi32, #tpu.memory_space<hbm>>
      tpu.wait_dma2 semaphore(%run_scoped3A : memref<!tpu.dma_semaphore, #tpu.memory_space<semaphore_mem>>) src(%dma_wait3A_112 : memref<2x5120xi32, #tpu.memory_space<hbm>>) dst(%arg5 : memref<2x5120xi32, #tpu.memory_space<vmem>>)
      tpu.yield
    }) : () -> ()
    %dma_start3A_49 = arith.constant 0 : i32
    %dma_start3A_50 = arith.constant 0 : i32
    %dma_start3A_51 = tpu.memref_slice %arg5[%dma_start3A_49, %dma_start3A_50] : memref<2x5120xi32, #tpu.memory_space<vmem>> -> memref<1x128xi32, #tpu.memory_space<vmem>>
    %dma_start3A_52 = tpu.memref_squeeze %dma_start3A_51 : memref<1x128xi32, #tpu.memory_space<vmem>> -> memref<128xi32, #tpu.memory_space<vmem>>
    %dma_start3A_53 = arith.constant 0 : i32
    %dma_start3A_54 = arith.constant 0 : i32
    %dma_start3A_55 = tpu.memref_slice %arg3[%dma_start3A_53, %dma_start3A_54] : memref<10240x128xf32, #tpu.memory_space<hbm>> -> memref<10240x128xf32, #tpu.memory_space<hbm>>
    tpu.enqueue_indirect_dma source(%dma_start3A_55 : memref<10240x128xf32, #tpu.memory_space<hbm>>) target(%arg6 : memref<128x128xf32, #tpu.memory_space<vmem>>) offsets(%dma_start3A_52 : memref<128xi32, #tpu.memory_space<vmem>>) semaphore(%arg9 : memref<!tpu.dma_semaphore, #tpu.memory_space<semaphore_mem>>)
    %dma_wait3A = arith.constant 0 : i32
    %dma_wait3A_56 = tpu.memref_slice %arg8[%add3A_9, %dma_wait3A] : memref<10240x128xf32, #tpu.memory_space<vmem_shared>> -> memref<128x128xf32, #tpu.memory_space<vmem_shared>>
    %dma_wait3A_57 = arith.constant 0 : i32
    %dma_wait3A_58 = tpu.memref_slice %arg8[%add3A_9, %dma_wait3A_57] : memref<10240x128xf32, #tpu.memory_space<vmem_shared>> -> memref<128x128xf32, #tpu.memory_space<vmem_shared>>
    tpu.wait_dma2 semaphore(%arg10 : memref<!tpu.dma_semaphore, #tpu.memory_space<semaphore_mem>>) src(%arg7 : memref<128x128xf32, #tpu.memory_space<vmem>>) dst(%dma_wait3A_58 : memref<128x128xf32, #tpu.memory_space<vmem_shared>>)
    %dma_wait3A_59 = arith.constant 0 : i32
    %dma_wait3A_60 = tpu.memref_slice %arg8[%add3A_16, %dma_wait3A_59] : memref<10240x128xf32, #tpu.memory_space<vmem_shared>> -> memref<128x128xf32, #tpu.memory_space<vmem_shared>>
    %dma_wait3A_61 = arith.constant 0 : i32
    %dma_wait3A_62 = tpu.memref_slice %arg8[%add3A_16, %dma_wait3A_61] : memref<10240x128xf32, #tpu.memory_space<vmem_shared>> -> memref<128x128xf32, #tpu.memory_space<vmem_shared>>
    tpu.wait_dma2 semaphore(%arg10 : memref<!tpu.dma_semaphore, #tpu.memory_space<semaphore_mem>>) src(%arg7 : memref<128x128xf32, #tpu.memory_space<vmem>>) dst(%dma_wait3A_62 : memref<128x128xf32, #tpu.memory_space<vmem_shared>>)
    %dma_wait3A_63 = arith.constant 0 : i32
    %dma_wait3A_64 = tpu.memref_slice %arg8[%add3A_24, %dma_wait3A_63] : memref<10240x128xf32, #tpu.memory_space<vmem_shared>> -> memref<128x128xf32, #tpu.memory_space<vmem_shared>>
    %dma_wait3A_65 = arith.constant 0 : i32
    %dma_wait3A_66 = tpu.memref_slice %arg8[%add3A_24, %dma_wait3A_65] : memref<10240x128xf32, #tpu.memory_space<vmem_shared>> -> memref<128x128xf32, #tpu.memory_space<vmem_shared>>
    tpu.wait_dma2 semaphore(%arg10 : memref<!tpu.dma_semaphore, #tpu.memory_space<semaphore_mem>>) src(%arg7 : memref<128x128xf32, #tpu.memory_space<vmem>>) dst(%dma_wait3A_66 : memref<128x128xf32, #tpu.memory_space<vmem_shared>>)
    %dma_wait3A_67 = arith.constant 0 : i32
    %dma_wait3A_68 = tpu.memref_slice %arg8[%add3A_32, %dma_wait3A_67] : memref<10240x128xf32, #tpu.memory_space<vmem_shared>> -> memref<128x128xf32, #tpu.memory_space<vmem_shared>>
    %dma_wait3A_69 = arith.constant 0 : i32
    %dma_wait3A_70 = tpu.memref_slice %arg8[%add3A_32, %dma_wait3A_69] : memref<10240x128xf32, #tpu.memory_space<vmem_shared>> -> memref<128x128xf32, #tpu.memory_space<vmem_shared>>
    tpu.wait_dma2 semaphore(%arg10 : memref<!tpu.dma_semaphore, #tpu.memory_space<semaphore_mem>>) src(%arg7 : memref<128x128xf32, #tpu.memory_space<vmem>>) dst(%dma_wait3A_70 : memref<128x128xf32, #tpu.memory_space<vmem_shared>>)
    %dma_wait3A_71 = arith.constant 0 : i32
    %dma_wait3A_72 = tpu.memref_slice %arg8[%add3A_40, %dma_wait3A_71] : memref<10240x128xf32, #tpu.memory_space<vmem_shared>> -> memref<128x128xf32, #tpu.memory_space<vmem_shared>>
    %dma_wait3A_73 = arith.constant 0 : i32
    %dma_wait3A_74 = tpu.memref_slice %arg8[%add3A_40, %dma_wait3A_73] : memref<10240x128xf32, #tpu.memory_space<vmem_shared>> -> memref<128x128xf32, #tpu.memory_space<vmem_shared>>
    tpu.wait_dma2 semaphore(%arg10 : memref<!tpu.dma_semaphore, #tpu.memory_space<semaphore_mem>>) src(%arg7 : memref<128x128xf32, #tpu.memory_space<vmem>>) dst(%dma_wait3A_74 : memref<128x128xf32, #tpu.memory_space<vmem_shared>>)
    %barrier3A = arith.constant 0 : index
    tpu.barrier barrier_id(%barrier3A)
    %scan3A_75 = arith.constant 0 : i32
    %scan3A_76 = arith.constant 0 : i32
    %scan3A_77 = arith.constant 20 : i32
    %scan3A_78 = arith.addi %scan3A_76, %scan3A_77 : i32
    %scan3A_79 = arith.constant 1 : i32
    scf.for %scan3A_105 = %scan3A_76 to %scan3A_78 step %scan3A_79  : i32 {
      %mul3A_106 = arith.constant 2 : i32
      %mul3A_107 = arith.muli %mul3A_106, %scan3A_105 : i32
      %add3A_108 = arith.constant 1 : i32
      %add3A_109 = arith.addi %mul3A_107, %add3A_108 : i32
      %mul3A_110 = arith.constant 128 : i32
      %mul3A_111 = arith.muli %add3A_109, %mul3A_110 : i32
      %dma_start3A_112 = arith.constant 0 : i32
      %dma_start3A_113 = tpu.memref_slice %arg5[%dma_start3A_112, %mul3A_111] : memref<2x5120xi32, #tpu.memory_space<vmem>> -> memref<1x128xi32, #tpu.memory_space<vmem>>
      %dma_start3A_114 = tpu.memref_squeeze %dma_start3A_113 : memref<1x128xi32, #tpu.memory_space<vmem>> -> memref<128xi32, #tpu.memory_space<vmem>>
      %dma_start3A_115 = arith.constant 0 : i32
      %dma_start3A_116 = arith.constant 0 : i32
      %dma_start3A_117 = tpu.memref_slice %arg3[%dma_start3A_115, %dma_start3A_116] : memref<10240x128xf32, #tpu.memory_space<hbm>> -> memref<10240x128xf32, #tpu.memory_space<hbm>>
      tpu.enqueue_indirect_dma source(%dma_start3A_117 : memref<10240x128xf32, #tpu.memory_space<hbm>>) target(%arg7 : memref<128x128xf32, #tpu.memory_space<vmem>>) offsets(%dma_start3A_114 : memref<128xi32, #tpu.memory_space<vmem>>) semaphore(%arg10 : memref<!tpu.dma_semaphore, #tpu.memory_space<semaphore_mem>>)
      %mul3A_118 = arith.constant 128 : i32
      %mul3A_119 = arith.muli %mul3A_107, %mul3A_118 : i32
      %dma_wait3A_120 = arith.constant 0 : i32
      %dma_wait3A_121 = tpu.memref_slice %arg5[%dma_wait3A_120, %mul3A_119] : memref<2x5120xi32, #tpu.memory_space<vmem>> -> memref<1x128xi32, #tpu.memory_space<vmem>>
      %dma_wait3A_122 = tpu.memref_squeeze %dma_wait3A_121 : memref<1x128xi32, #tpu.memory_space<vmem>> -> memref<128xi32, #tpu.memory_space<vmem>>
      %dma_wait3A_123 = arith.constant 0 : i32
      %dma_wait3A_124 = arith.constant 0 : i32
      %dma_wait3A_125 = tpu.memref_slice %arg3[%dma_wait3A_123, %dma_wait3A_124] : memref<10240x128xf32, #tpu.memory_space<hbm>> -> memref<10240x128xf32, #tpu.memory_space<hbm>>
      tpu.wait_indirect_dma semaphore(%arg9 : memref<!tpu.dma_semaphore, #tpu.memory_space<semaphore_mem>>) src(%dma_wait3A_125 : memref<10240x128xf32, #tpu.memory_space<hbm>>) dst(%arg6 : memref<128x128xf32, #tpu.memory_space<vmem>>)
      %mul3A_126 = arith.constant 128 : i32
      %mul3A_127 = arith.muli %mul3A_107, %mul3A_126 : i32
      %run_scoped3A = arith.constant 1 : i32
      "tpu.region"() ({
        %run_scoped3A_145 = tpu.sem_alloc : memref<!tpu.dma_semaphore, #tpu.memory_space<semaphore_mem>>
        %dma_start3A_146 = tpu.memref_slice %arg5[%run_scoped3A, %mul3A_127] : memref<2x5120xi32, #tpu.memory_space<vmem>> -> memref<1x128xi32, #tpu.memory_space<vmem>>
        %dma_start3A_147 = tpu.memref_squeeze %dma_start3A_146 : memref<1x128xi32, #tpu.memory_space<vmem>> -> memref<128xi32, #tpu.memory_space<vmem>>
        %dma_start3A_148 = arith.constant 0 : i32
        %dma_start3A_149 = arith.constant 0 : i32
        %dma_start3A_150 = tpu.memref_slice %arg8[%dma_start3A_148, %dma_start3A_149] : memref<10240x128xf32, #tpu.memory_space<vmem_shared>> -> memref<10240x128xf32, #tpu.memory_space<vmem_shared>>
        tpu.enqueue_indirect_dma source(%arg6 : memref<128x128xf32, #tpu.memory_space<vmem>>) target(%dma_start3A_150 : memref<10240x128xf32, #tpu.memory_space<vmem_shared>>) offsets(%dma_start3A_147 : memref<128xi32, #tpu.memory_space<vmem>>) semaphore(%run_scoped3A_145 : memref<!tpu.dma_semaphore, #tpu.memory_space<semaphore_mem>>) {add = true}
        %dma_wait3A_151 = tpu.memref_slice %arg5[%run_scoped3A, %mul3A_127] : memref<2x5120xi32, #tpu.memory_space<vmem>> -> memref<1x128xi32, #tpu.memory_space<vmem>>
        %dma_wait3A_152 = tpu.memref_squeeze %dma_wait3A_151 : memref<1x128xi32, #tpu.memory_space<vmem>> -> memref<128xi32, #tpu.memory_space<vmem>>
        %dma_wait3A_153 = arith.constant 0 : i32
        %dma_wait3A_154 = arith.constant 0 : i32
        %dma_wait3A_155 = tpu.memref_slice %arg8[%dma_wait3A_153, %dma_wait3A_154] : memref<10240x128xf32, #tpu.memory_space<vmem_shared>> -> memref<10240x128xf32, #tpu.memory_space<vmem_shared>>
        tpu.wait_indirect_dma semaphore(%run_scoped3A_145 : memref<!tpu.dma_semaphore, #tpu.memory_space<semaphore_mem>>) src(%arg6 : memref<128x128xf32, #tpu.memory_space<vmem>>) dst(%dma_wait3A_155 : memref<10240x128xf32, #tpu.memory_space<vmem_shared>>)
        tpu.yield
      }) : () -> ()
      %lt3A = arith.constant 19 : i32
      %lt3A_128 = arith.cmpi slt, %scan3A_105, %lt3A : i32
      %convert_element_type3A = arith.extui %lt3A_128 : i1 to i32
      %cond3A = arith.constant 0 : i32
      %cond3A_129 = arith.cmpi ne, %convert_element_type3A, %cond3A : i32
      scf.if %cond3A_129 {
        %add3A_145 = arith.constant 2 : i32
        %add3A_146 = arith.addi %mul3A_107, %add3A_145 : i32
        %mul3A_147 = arith.constant 128 : i32
        %mul3A_148 = arith.muli %add3A_146, %mul3A_147 : i32
        %dma_start3A_149 = arith.constant 0 : i32
        %dma_start3A_150 = tpu.memref_slice %arg5[%dma_start3A_149, %mul3A_148] : memref<2x5120xi32, #tpu.memory_space<vmem>> -> memref<1x128xi32, #tpu.memory_space<vmem>>
        %dma_start3A_151 = tpu.memref_squeeze %dma_start3A_150 : memref<1x128xi32, #tpu.memory_space<vmem>> -> memref<128xi32, #tpu.memory_space<vmem>>
        %dma_start3A_152 = arith.constant 0 : i32
        %dma_start3A_153 = arith.constant 0 : i32
        %dma_start3A_154 = tpu.memref_slice %arg3[%dma_start3A_152, %dma_start3A_153] : memref<10240x128xf32, #tpu.memory_space<hbm>> -> memref<10240x128xf32, #tpu.memory_space<hbm>>
        tpu.enqueue_indirect_dma source(%dma_start3A_154 : memref<10240x128xf32, #tpu.memory_space<hbm>>) target(%arg6 : memref<128x128xf32, #tpu.memory_space<vmem>>) offsets(%dma_start3A_151 : memref<128xi32, #tpu.memory_space<vmem>>) semaphore(%arg9 : memref<!tpu.dma_semaphore, #tpu.memory_space<semaphore_mem>>)
      } else {
      }
      %add3A_130 = arith.constant 1 : i32
      %add3A_131 = arith.addi %mul3A_107, %add3A_130 : i32
      %mul3A_132 = arith.constant 128 : i32
      %mul3A_133 = arith.muli %add3A_131, %mul3A_132 : i32
      %dma_wait3A_134 = arith.constant 0 : i32
      %dma_wait3A_135 = tpu.memref_slice %arg5[%dma_wait3A_134, %mul3A_133] : memref<2x5120xi32, #tpu.memory_space<vmem>> -> memref<1x128xi32, #tpu.memory_space<vmem>>
      %dma_wait3A_136 = tpu.memref_squeeze %dma_wait3A_135 : memref<1x128xi32, #tpu.memory_space<vmem>> -> memref<128xi32, #tpu.memory_space<vmem>>
      %dma_wait3A_137 = arith.constant 0 : i32
      %dma_wait3A_138 = arith.constant 0 : i32
      %dma_wait3A_139 = tpu.memref_slice %arg3[%dma_wait3A_137, %dma_wait3A_138] : memref<10240x128xf32, #tpu.memory_space<hbm>> -> memref<10240x128xf32, #tpu.memory_space<hbm>>
      tpu.wait_indirect_dma semaphore(%arg10 : memref<!tpu.dma_semaphore, #tpu.memory_space<semaphore_mem>>) src(%dma_wait3A_139 : memref<10240x128xf32, #tpu.memory_space<hbm>>) dst(%arg7 : memref<128x128xf32, #tpu.memory_space<vmem>>)
      %add3A_140 = arith.constant 1 : i32
      %add3A_141 = arith.addi %mul3A_107, %add3A_140 : i32
      %mul3A_142 = arith.constant 128 : i32
      %mul3A_143 = arith.muli %add3A_141, %mul3A_142 : i32
      %run_scoped3A_144 = arith.constant 1 : i32
      "tpu.region"() ({
        %run_scoped3A_145 = tpu.sem_alloc : memref<!tpu.dma_semaphore, #tpu.memory_space<semaphore_mem>>
        %dma_start3A_146 = tpu.memref_slice %arg5[%run_scoped3A_144, %mul3A_143] : memref<2x5120xi32, #tpu.memory_space<vmem>> -> memref<1x128xi32, #tpu.memory_space<vmem>>
        %dma_start3A_147 = tpu.memref_squeeze %dma_start3A_146 : memref<1x128xi32, #tpu.memory_space<vmem>> -> memref<128xi32, #tpu.memory_space<vmem>>
        %dma_start3A_148 = arith.constant 0 : i32
        %dma_start3A_149 = arith.constant 0 : i32
        %dma_start3A_150 = tpu.memref_slice %arg8[%dma_start3A_148, %dma_start3A_149] : memref<10240x128xf32, #tpu.memory_space<vmem_shared>> -> memref<10240x128xf32, #tpu.memory_space<vmem_shared>>
        tpu.enqueue_indirect_dma source(%arg7 : memref<128x128xf32, #tpu.memory_space<vmem>>) target(%dma_start3A_150 : memref<10240x128xf32, #tpu.memory_space<vmem_shared>>) offsets(%dma_start3A_147 : memref<128xi32, #tpu.memory_space<vmem>>) semaphore(%run_scoped3A_145 : memref<!tpu.dma_semaphore, #tpu.memory_space<semaphore_mem>>) {add = true}
        %dma_wait3A_151 = tpu.memref_slice %arg5[%run_scoped3A_144, %mul3A_143] : memref<2x5120xi32, #tpu.memory_space<vmem>> -> memref<1x128xi32, #tpu.memory_space<vmem>>
        %dma_wait3A_152 = tpu.memref_squeeze %dma_wait3A_151 : memref<1x128xi32, #tpu.memory_space<vmem>> -> memref<128xi32, #tpu.memory_space<vmem>>
        %dma_wait3A_153 = arith.constant 0 : i32
        %dma_wait3A_154 = arith.constant 0 : i32
        %dma_wait3A_155 = tpu.memref_slice %arg8[%dma_wait3A_153, %dma_wait3A_154] : memref<10240x128xf32, #tpu.memory_space<vmem_shared>> -> memref<10240x128xf32, #tpu.memory_space<vmem_shared>>
        tpu.wait_indirect_dma semaphore(%run_scoped3A_145 : memref<!tpu.dma_semaphore, #tpu.memory_space<semaphore_mem>>) src(%arg7 : memref<128x128xf32, #tpu.memory_space<vmem>>) dst(%dma_wait3A_155 : memref<10240x128xf32, #tpu.memory_space<vmem_shared>>)
        tpu.yield
      }) : () -> ()
    }
    %scan3A_80 = arith.constant 20 : i32
    %mul3A_81 = arith.constant 80 : i32
    %mul3A_82 = arith.muli %add3A, %mul3A_81 : i32
    %add3A_83 = arith.constant 40 : i32
    %add3A_84 = arith.addi %mul3A_82, %add3A_83 : i32
    %mul3A_85 = arith.constant 128 : i32
    %mul3A_86 = arith.muli %add3A_84, %mul3A_85 : i32
    "tpu.region"() ({
      %run_scoped3A = tpu.sem_alloc : memref<!tpu.dma_semaphore, #tpu.memory_space<semaphore_mem>>
      %dma_start3A_105 = arith.constant 0 : i32
      %dma_start3A_106 = tpu.memref_slice %arg2[%dma_start3A_105, %mul3A_86] : memref<2x327680xi32, #tpu.memory_space<hbm>> -> memref<2x5120xi32, #tpu.memory_space<hbm>>
      %dma_start3A_107 = arith.constant 0 : i32
      %dma_start3A_108 = tpu.memref_slice %arg2[%dma_start3A_107, %mul3A_86] : memref<2x327680xi32, #tpu.memory_space<hbm>> -> memref<2x5120xi32, #tpu.memory_space<hbm>>
      tpu.enqueue_dma source(%dma_start3A_108 : memref<2x5120xi32, #tpu.memory_space<hbm>>) target(%arg5 : memref<2x5120xi32, #tpu.memory_space<vmem>>) target_semaphore(%run_scoped3A : memref<!tpu.dma_semaphore, #tpu.memory_space<semaphore_mem>>)
      %dma_wait3A_109 = arith.constant 0 : i32
      %dma_wait3A_110 = tpu.memref_slice %arg2[%dma_wait3A_109, %mul3A_86] : memref<2x327680xi32, #tpu.memory_space<hbm>> -> memref<2x5120xi32, #tpu.memory_space<hbm>>
      %dma_wait3A_111 = arith.constant 0 : i32
      %dma_wait3A_112 = tpu.memref_slice %arg2[%dma_wait3A_111, %mul3A_86] : memref<2x327680xi32, #tpu.memory_space<hbm>> -> memref<2x5120xi32, #tpu.memory_space<hbm>>
      tpu.wait_dma2 semaphore(%run_scoped3A : memref<!tpu.dma_semaphore, #tpu.memory_space<semaphore_mem>>) src(%dma_wait3A_112 : memref<2x5120xi32, #tpu.memory_space<hbm>>) dst(%arg5 : memref<2x5120xi32, #tpu.memory_space<vmem>>)
      tpu.yield
    }) : () -> ()
    %dma_start3A_87 = arith.constant 0 : i32
    %dma_start3A_88 = arith.constant 0 : i32
    %dma_start3A_89 = tpu.memref_slice %arg5[%dma_start3A_87, %dma_start3A_88] : memref<2x5120xi32, #tpu.memory_space<vmem>> -> memref<1x128xi32, #tpu.memory_space<vmem>>
    %dma_start3A_90 = tpu.memref_squeeze %dma_start3A_89 : memref<1x128xi32, #tpu.memory_space<vmem>> -> memref<128xi32, #tpu.memory_space<vmem>>
    %dma_start3A_91 = arith.constant 0 : i32
    %dma_start3A_92 = arith.constant 0 : i32
    %dma_start3A_93 = tpu.memref_slice %arg3[%dma_start3A_91, %dma_start3A_92] : memref<10240x128xf32, #tpu.memory_space<hbm>> -> memref<10240x128xf32, #tpu.memory_space<hbm>>
    tpu.enqueue_indirect_dma source(%dma_start3A_93 : memref<10240x128xf32, #tpu.memory_space<hbm>>) target(%arg6 : memref<128x128xf32, #tpu.memory_space<vmem>>) offsets(%dma_start3A_90 : memref<128xi32, #tpu.memory_space<vmem>>) semaphore(%arg9 : memref<!tpu.dma_semaphore, #tpu.memory_space<semaphore_mem>>)
    %scan3A_94 = arith.constant 0 : i32
    %scan3A_95 = arith.constant 0 : i32
    %scan3A_96 = arith.constant 20 : i32
    %scan3A_97 = arith.addi %scan3A_95, %scan3A_96 : i32
    %scan3A_98 = arith.constant 1 : i32
    scf.for %scan3A_105 = %scan3A_95 to %scan3A_97 step %scan3A_98  : i32 {
      %mul3A_106 = arith.constant 2 : i32
      %mul3A_107 = arith.muli %mul3A_106, %scan3A_105 : i32
      %add3A_108 = arith.constant 1 : i32
      %add3A_109 = arith.addi %mul3A_107, %add3A_108 : i32
      %mul3A_110 = arith.constant 128 : i32
      %mul3A_111 = arith.muli %add3A_109, %mul3A_110 : i32
      %dma_start3A_112 = arith.constant 0 : i32
      %dma_start3A_113 = tpu.memref_slice %arg5[%dma_start3A_112, %mul3A_111] : memref<2x5120xi32, #tpu.memory_space<vmem>> -> memref<1x128xi32, #tpu.memory_space<vmem>>
      %dma_start3A_114 = tpu.memref_squeeze %dma_start3A_113 : memref<1x128xi32, #tpu.memory_space<vmem>> -> memref<128xi32, #tpu.memory_space<vmem>>
      %dma_start3A_115 = arith.constant 0 : i32
      %dma_start3A_116 = arith.constant 0 : i32
      %dma_start3A_117 = tpu.memref_slice %arg3[%dma_start3A_115, %dma_start3A_116] : memref<10240x128xf32, #tpu.memory_space<hbm>> -> memref<10240x128xf32, #tpu.memory_space<hbm>>
      tpu.enqueue_indirect_dma source(%dma_start3A_117 : memref<10240x128xf32, #tpu.memory_space<hbm>>) target(%arg7 : memref<128x128xf32, #tpu.memory_space<vmem>>) offsets(%dma_start3A_114 : memref<128xi32, #tpu.memory_space<vmem>>) semaphore(%arg10 : memref<!tpu.dma_semaphore, #tpu.memory_space<semaphore_mem>>)
      %mul3A_118 = arith.constant 128 : i32
      %mul3A_119 = arith.muli %mul3A_107, %mul3A_118 : i32
      %dma_wait3A_120 = arith.constant 0 : i32
      %dma_wait3A_121 = tpu.memref_slice %arg5[%dma_wait3A_120, %mul3A_119] : memref<2x5120xi32, #tpu.memory_space<vmem>> -> memref<1x128xi32, #tpu.memory_space<vmem>>
      %dma_wait3A_122 = tpu.memref_squeeze %dma_wait3A_121 : memref<1x128xi32, #tpu.memory_space<vmem>> -> memref<128xi32, #tpu.memory_space<vmem>>
      %dma_wait3A_123 = arith.constant 0 : i32
      %dma_wait3A_124 = arith.constant 0 : i32
      %dma_wait3A_125 = tpu.memref_slice %arg3[%dma_wait3A_123, %dma_wait3A_124] : memref<10240x128xf32, #tpu.memory_space<hbm>> -> memref<10240x128xf32, #tpu.memory_space<hbm>>
      tpu.wait_indirect_dma semaphore(%arg9 : memref<!tpu.dma_semaphore, #tpu.memory_space<semaphore_mem>>) src(%dma_wait3A_125 : memref<10240x128xf32, #tpu.memory_space<hbm>>) dst(%arg6 : memref<128x128xf32, #tpu.memory_space<vmem>>)
      %mul3A_126 = arith.constant 128 : i32
      %mul3A_127 = arith.muli %mul3A_107, %mul3A_126 : i32
      %run_scoped3A = arith.constant 1 : i32
      "tpu.region"() ({
        %run_scoped3A_145 = tpu.sem_alloc : memref<!tpu.dma_semaphore, #tpu.memory_space<semaphore_mem>>
        %dma_start3A_146 = tpu.memref_slice %arg5[%run_scoped3A, %mul3A_127] : memref<2x5120xi32, #tpu.memory_space<vmem>> -> memref<1x128xi32, #tpu.memory_space<vmem>>
        %dma_start3A_147 = tpu.memref_squeeze %dma_start3A_146 : memref<1x128xi32, #tpu.memory_space<vmem>> -> memref<128xi32, #tpu.memory_space<vmem>>
        %dma_start3A_148 = arith.constant 0 : i32
        %dma_start3A_149 = arith.constant 0 : i32
        %dma_start3A_150 = tpu.memref_slice %arg8[%dma_start3A_148, %dma_start3A_149] : memref<10240x128xf32, #tpu.memory_space<vmem_shared>> -> memref<10240x128xf32, #tpu.memory_space<vmem_shared>>
        tpu.enqueue_indirect_dma source(%arg6 : memref<128x128xf32, #tpu.memory_space<vmem>>) target(%dma_start3A_150 : memref<10240x128xf32, #tpu.memory_space<vmem_shared>>) offsets(%dma_start3A_147 : memref<128xi32, #tpu.memory_space<vmem>>) semaphore(%run_scoped3A_145 : memref<!tpu.dma_semaphore, #tpu.memory_space<semaphore_mem>>) {add = true}
        %dma_wait3A_151 = tpu.memref_slice %arg5[%run_scoped3A, %mul3A_127] : memref<2x5120xi32, #tpu.memory_space<vmem>> -> memref<1x128xi32, #tpu.memory_space<vmem>>
        %dma_wait3A_152 = tpu.memref_squeeze %dma_wait3A_151 : memref<1x128xi32, #tpu.memory_space<vmem>> -> memref<128xi32, #tpu.memory_space<vmem>>
        %dma_wait3A_153 = arith.constant 0 : i32
        %dma_wait3A_154 = arith.constant 0 : i32
        %dma_wait3A_155 = tpu.memref_slice %arg8[%dma_wait3A_153, %dma_wait3A_154] : memref<10240x128xf32, #tpu.memory_space<vmem_shared>> -> memref<10240x128xf32, #tpu.memory_space<vmem_shared>>
        tpu.wait_indirect_dma semaphore(%run_scoped3A_145 : memref<!tpu.dma_semaphore, #tpu.memory_space<semaphore_mem>>) src(%arg6 : memref<128x128xf32, #tpu.memory_space<vmem>>) dst(%dma_wait3A_155 : memref<10240x128xf32, #tpu.memory_space<vmem_shared>>)
        tpu.yield
      }) : () -> ()
      %lt3A = arith.constant 19 : i32
      %lt3A_128 = arith.cmpi slt, %scan3A_105, %lt3A : i32
      %convert_element_type3A = arith.extui %lt3A_128 : i1 to i32
      %cond3A = arith.constant 0 : i32
      %cond3A_129 = arith.cmpi ne, %convert_element_type3A, %cond3A : i32
      scf.if %cond3A_129 {
        %add3A_145 = arith.constant 2 : i32
        %add3A_146 = arith.addi %mul3A_107, %add3A_145 : i32
        %mul3A_147 = arith.constant 128 : i32
        %mul3A_148 = arith.muli %add3A_146, %mul3A_147 : i32
        %dma_start3A_149 = arith.constant 0 : i32
        %dma_start3A_150 = tpu.memref_slice %arg5[%dma_start3A_149, %mul3A_148] : memref<2x5120xi32, #tpu.memory_space<vmem>> -> memref<1x128xi32, #tpu.memory_space<vmem>>
        %dma_start3A_151 = tpu.memref_squeeze %dma_start3A_150 : memref<1x128xi32, #tpu.memory_space<vmem>> -> memref<128xi32, #tpu.memory_space<vmem>>
        %dma_start3A_152 = arith.constant 0 : i32
        %dma_start3A_153 = arith.constant 0 : i32
        %dma_start3A_154 = tpu.memref_slice %arg3[%dma_start3A_152, %dma_start3A_153] : memref<10240x128xf32, #tpu.memory_space<hbm>> -> memref<10240x128xf32, #tpu.memory_space<hbm>>
        tpu.enqueue_indirect_dma source(%dma_start3A_154 : memref<10240x128xf32, #tpu.memory_space<hbm>>) target(%arg6 : memref<128x128xf32, #tpu.memory_space<vmem>>) offsets(%dma_start3A_151 : memref<128xi32, #tpu.memory_space<vmem>>) semaphore(%arg9 : memref<!tpu.dma_semaphore, #tpu.memory_space<semaphore_mem>>)
      } else {
      }
      %add3A_130 = arith.constant 1 : i32
      %add3A_131 = arith.addi %mul3A_107, %add3A_130 : i32
      %mul3A_132 = arith.constant 128 : i32
      %mul3A_133 = arith.muli %add3A_131, %mul3A_132 : i32
      %dma_wait3A_134 = arith.constant 0 : i32
      %dma_wait3A_135 = tpu.memref_slice %arg5[%dma_wait3A_134, %mul3A_133] : memref<2x5120xi32, #tpu.memory_space<vmem>> -> memref<1x128xi32, #tpu.memory_space<vmem>>
      %dma_wait3A_136 = tpu.memref_squeeze %dma_wait3A_135 : memref<1x128xi32, #tpu.memory_space<vmem>> -> memref<128xi32, #tpu.memory_space<vmem>>
      %dma_wait3A_137 = arith.constant 0 : i32
      %dma_wait3A_138 = arith.constant 0 : i32
      %dma_wait3A_139 = tpu.memref_slice %arg3[%dma_wait3A_137, %dma_wait3A_138] : memref<10240x128xf32, #tpu.memory_space<hbm>> -> memref<10240x128xf32, #tpu.memory_space<hbm>>
      tpu.wait_indirect_dma semaphore(%arg10 : memref<!tpu.dma_semaphore, #tpu.memory_space<semaphore_mem>>) src(%dma_wait3A_139 : memref<10240x128xf32, #tpu.memory_space<hbm>>) dst(%arg7 : memref<128x128xf32, #tpu.memory_space<vmem>>)
      %add3A_140 = arith.constant 1 : i32
      %add3A_141 = arith.addi %mul3A_107, %add3A_140 : i32
      %mul3A_142 = arith.constant 128 : i32
      %mul3A_143 = arith.muli %add3A_141, %mul3A_142 : i32
      %run_scoped3A_144 = arith.constant 1 : i32
      "tpu.region"() ({
        %run_scoped3A_145 = tpu.sem_alloc : memref<!tpu.dma_semaphore, #tpu.memory_space<semaphore_mem>>
        %dma_start3A_146 = tpu.memref_slice %arg5[%run_scoped3A_144, %mul3A_143] : memref<2x5120xi32, #tpu.memory_space<vmem>> -> memref<1x128xi32, #tpu.memory_space<vmem>>
        %dma_start3A_147 = tpu.memref_squeeze %dma_start3A_146 : memref<1x128xi32, #tpu.memory_space<vmem>> -> memref<128xi32, #tpu.memory_space<vmem>>
        %dma_start3A_148 = arith.constant 0 : i32
        %dma_start3A_149 = arith.constant 0 : i32
        %dma_start3A_150 = tpu.memref_slice %arg8[%dma_start3A_148, %dma_start3A_149] : memref<10240x128xf32, #tpu.memory_space<vmem_shared>> -> memref<10240x128xf32, #tpu.memory_space<vmem_shared>>
        tpu.enqueue_indirect_dma source(%arg7 : memref<128x128xf32, #tpu.memory_space<vmem>>) target(%dma_start3A_150 : memref<10240x128xf32, #tpu.memory_space<vmem_shared>>) offsets(%dma_start3A_147 : memref<128xi32, #tpu.memory_space<vmem>>) semaphore(%run_scoped3A_145 : memref<!tpu.dma_semaphore, #tpu.memory_space<semaphore_mem>>) {add = true}
        %dma_wait3A_151 = tpu.memref_slice %arg5[%run_scoped3A_144, %mul3A_143] : memref<2x5120xi32, #tpu.memory_space<vmem>> -> memref<1x128xi32, #tpu.memory_space<vmem>>
        %dma_wait3A_152 = tpu.memref_squeeze %dma_wait3A_151 : memref<1x128xi32, #tpu.memory_space<vmem>> -> memref<128xi32, #tpu.memory_space<vmem>>
        %dma_wait3A_153 = arith.constant 0 : i32
        %dma_wait3A_154 = arith.constant 0 : i32
        %dma_wait3A_155 = tpu.memref_slice %arg8[%dma_wait3A_153, %dma_wait3A_154] : memref<10240x128xf32, #tpu.memory_space<vmem_shared>> -> memref<10240x128xf32, #tpu.memory_space<vmem_shared>>
        tpu.wait_indirect_dma semaphore(%run_scoped3A_145 : memref<!tpu.dma_semaphore, #tpu.memory_space<semaphore_mem>>) src(%arg7 : memref<128x128xf32, #tpu.memory_space<vmem>>) dst(%dma_wait3A_155 : memref<10240x128xf32, #tpu.memory_space<vmem_shared>>)
        tpu.yield
      }) : () -> ()
    }
    %scan3A_99 = arith.constant 20 : i32
    %barrier3A_100 = arith.constant 0 : index
    tpu.barrier barrier_id(%barrier3A_100)
    %mul3A_101 = arith.constant 640 : i32
    %mul3A_102 = arith.muli %arg1, %mul3A_101 : i32
    %mul3A_103 = arith.constant 640 : i32
    %mul3A_104 = arith.muli %arg1, %mul3A_103 : i32
    "tpu.region"() ({
      %run_scoped3A = tpu.sem_alloc : memref<!tpu.dma_semaphore, #tpu.memory_space<semaphore_mem>>
      %dma_start3A_105 = arith.constant 0 : i32
      %dma_start3A_106 = tpu.memref_slice %arg4[%arg0, %mul3A_104, %dma_start3A_105] : memref<2x10240x128xf32, #tpu.memory_space<hbm>> -> memref<1x640x128xf32, #tpu.memory_space<hbm>>
      %dma_start3A_107 = tpu.memref_squeeze %dma_start3A_106 : memref<1x640x128xf32, #tpu.memory_space<hbm>> -> memref<640x128xf32, #tpu.memory_space<hbm>>
      %dma_start3A_108 = arith.constant 0 : i32
      %dma_start3A_109 = tpu.memref_slice %arg8[%mul3A_102, %dma_start3A_108] : memref<10240x128xf32, #tpu.memory_space<vmem_shared>> -> memref<640x128xf32, #tpu.memory_space<vmem_shared>>
      tpu.enqueue_dma source(%dma_start3A_109 : memref<640x128xf32, #tpu.memory_space<vmem_shared>>) target(%dma_start3A_107 : memref<640x128xf32, #tpu.memory_space<hbm>>) target_semaphore(%run_scoped3A : memref<!tpu.dma_semaphore, #tpu.memory_space<semaphore_mem>>)
      %dma_wait3A_110 = arith.constant 0 : i32
      %dma_wait3A_111 = tpu.memref_slice %arg4[%arg0, %mul3A_104, %dma_wait3A_110] : memref<2x10240x128xf32, #tpu.memory_space<hbm>> -> memref<1x640x128xf32, #tpu.memory_space<hbm>>
      %dma_wait3A_112 = tpu.memref_squeeze %dma_wait3A_111 : memref<1x640x128xf32, #tpu.memory_space<hbm>> -> memref<640x128xf32, #tpu.memory_space<hbm>>
      %dma_wait3A_113 = arith.constant 0 : i32
      %dma_wait3A_114 = tpu.memref_slice %arg8[%mul3A_102, %dma_wait3A_113] : memref<10240x128xf32, #tpu.memory_space<vmem_shared>> -> memref<640x128xf32, #tpu.memory_space<vmem_shared>>
      tpu.wait_dma2 semaphore(%run_scoped3A : memref<!tpu.dma_semaphore, #tpu.memory_space<semaphore_mem>>) src(%dma_wait3A_114 : memref<640x128xf32, #tpu.memory_space<vmem_shared>>) dst(%dma_wait3A_112 : memref<640x128xf32, #tpu.memory_space<hbm>>)
      tpu.yield
    }) : () -> ()
    return
  }
}

#map = affine_map<(d0, d1) -> (0, 0)>
#map1 = affine_map<(d0, d1) -> (0, 0, 0)>
module attributes {stable_mosaic.version = 14 : i64} {
  func.func @_seg_kernel(%arg0: i32, %arg1: i32, %arg2: memref<2x327680xi32, #tpu.memory_space<hbm>>, %arg3: memref<10240x128xf32, #tpu.memory_space<hbm>>, %arg4: memref<2x10240x128xf32, #tpu.memory_space<hbm>>, %arg5: memref<2x5120xi32, #tpu.memory_space<vmem>>, %arg6: memref<128x128xf32, #tpu.memory_space<vmem>>, %arg7: memref<128x128xf32, #tpu.memory_space<vmem>>, %arg8: memref<10240x128xf32, #tpu.memory_space<vmem_shared>>, %arg9: memref<!tpu.dma_semaphore, #tpu.memory_space<semaphore_mem>>, %arg10: memref<!tpu.dma_semaphore, #tpu.memory_space<semaphore_mem>>) attributes {dimension_semantics = [#tpu.dimension_semantics<core_parallel>, #tpu.dimension_semantics<subcore_parallel>], iteration_bounds = array<i64: 2, 16>, scalar_prefetch = 0 : i64, scratch_operands = 6 : i64, tpu.core_type = #tpu.core_type<sc_vector_subcore>, window_params = [{transform_indices = #map}, {transform_indices = #map}, {transform_indices = #map1}]} {
    %mul3A = arith.constant 16 : i32
    %mul3A_0 = arith.muli %arg0, %mul3A : i32
    %add3A = arith.addi %mul3A_0, %arg1 : i32
    %scan3A = arith.constant 0 : i32
    %scan3A_1 = arith.constant 0 : i32
    %scan3A_2 = arith.constant 1024 : i32
    %scan3A_3 = arith.addi %scan3A_1, %scan3A_2 : i32
    %scan3A_4 = arith.constant 1 : i32
    scf.for %scan3A_105 = %scan3A_1 to %scan3A_3 step %scan3A_4  : i32 {
      %broadcast_in_dim3A = arith.constant 0.000000e+00 : f32
      %broadcast_in_dim3A_106 = vector.broadcast %broadcast_in_dim3A : f32 to vector<16xf32>
      %jit3A = arith.constant 8 : i32
      %div3A = arith.divsi %scan3A_105, %jit3A : i32
      %sign3A = arith.constant 0 : i32
      %sign3A_107 = arith.cmpi sgt, %scan3A_105, %sign3A : i32
      %sign3A_108 = arith.extui %sign3A_107 : i1 to i32
      %sign3A_109 = arith.constant 0 : i32
      %sign3A_110 = arith.cmpi slt, %scan3A_105, %sign3A_109 : i32
      %sign3A_111 = arith.extui %sign3A_110 : i1 to i32
      %sign3A_112 = arith.subi %sign3A_108, %sign3A_111 : i32
      %sign3A_113 = arith.constant 0 : i32
      %sign3A_114 = arith.cmpi sgt, %jit3A, %sign3A_113 : i32
      %sign3A_115 = arith.extui %sign3A_114 : i1 to i32
      %sign3A_116 = arith.constant 0 : i32
      %sign3A_117 = arith.cmpi slt, %jit3A, %sign3A_116 : i32
      %sign3A_118 = arith.extui %sign3A_117 : i1 to i32
      %sign3A_119 = arith.subi %sign3A_115, %sign3A_118 : i32
      %ne3A = arith.cmpi ne, %sign3A_112, %sign3A_119 : i32
      %rem3A = arith.remsi %scan3A_105, %jit3A : i32
      %ne3A_120 = arith.constant 0 : i32
      %ne3A_121 = arith.cmpi ne, %rem3A, %ne3A_120 : i32
      %and3A = arith.andi %ne3A, %ne3A_121 : i1
      %sub3A = arith.constant 1 : i32
      %sub3A_122 = arith.subi %div3A, %sub3A : i32
      %select_n3A = arith.select %and3A, %sub3A_122, %div3A : i32
      %jit3A_123 = arith.constant 8 : i32
      %eq3A = arith.constant 0 : i32
      %eq3A_124 = arith.cmpi eq, %jit3A_123, %eq3A : i32
      %jit3A_125 = arith.constant 1 : i32
      %select_n3A_126 = arith.select %eq3A_124, %jit3A_125, %jit3A_123 : i32
      %rem3A_127 = arith.remsi %scan3A_105, %select_n3A_126 : i32
      %ne3A_128 = arith.constant 0 : i32
      %ne3A_129 = arith.cmpi ne, %rem3A_127, %ne3A_128 : i32
      %lt3A = arith.constant 0 : i32
      %lt3A_130 = arith.cmpi slt, %rem3A_127, %lt3A : i32
      %lt3A_131 = arith.constant 0 : i32
      %lt3A_132 = arith.cmpi slt, %select_n3A_126, %lt3A_131 : i32
      %ne3A_133 = arith.xori %lt3A_130, %lt3A_132 : i1
      %and3A_134 = arith.andi %ne3A_133, %ne3A_129 : i1
      %add3A_135 = arith.addi %rem3A_127, %select_n3A_126 : i32
      %select_n3A_136 = arith.select %and3A_134, %add3A_135, %rem3A_127 : i32
      %mul3A_137 = arith.constant 16 : i32
      %mul3A_138 = arith.muli %select_n3A_136, %mul3A_137 : i32
      %swap3A = arith.index_cast %select_n3A : i32 to index
      %swap3A_139 = arith.index_cast %mul3A_138 : i32 to index
      %swap3A_140 = tpu.vector_load %arg7[%swap3A, %swap3A_139] {strides = array<i32>} : memref<128x128xf32, #tpu.memory_space<vmem>>, vector<16xf32>,
      tpu.vector_store %arg7[%swap3A, %swap3A_139], %broadcast_in_dim3A_106 {strides = array<i32>} : memref<128x128xf32, #tpu.memory_space<vmem>>, vector<16xf32>,
    }
    %scan3A_5 = arith.constant 1024 : i32
    %mul3A_6 = arith.constant 640 : i32
    %mul3A_7 = arith.muli %arg1, %mul3A_6 : i32
    %add3A_8 = arith.constant 0 : i32
    %add3A_9 = arith.addi %mul3A_7, %add3A_8 : i32
    %dma_start3A = arith.constant 0 : i32
    %dma_start3A_10 = tpu.memref_slice %arg8[%add3A_9, %dma_start3A] : memref<10240x128xf32, #tpu.memory_space<vmem_shared>> -> memref<128x128xf32, #tpu.memory_space<vmem_shared>>
    %dma_start3A_11 = arith.constant 0 : i32
    %dma_start3A_12 = tpu.memref_slice %arg8[%add3A_9, %dma_start3A_11] : memref<10240x128xf32, #tpu.memory_space<vmem_shared>> -> memref<128x128xf32, #tpu.memory_space<vmem_shared>>
    tpu.enqueue_dma source(%arg7 : memref<128x128xf32, #tpu.memory_space<vmem>>) target(%dma_start3A_12 : memref<128x128xf32, #tpu.memory_space<vmem_shared>>) target_semaphore(%arg10 : memref<!tpu.dma_semaphore, #tpu.memory_space<semaphore_mem>>)
    %mul3A_13 = arith.constant 640 : i32
    %mul3A_14 = arith.muli %arg1, %mul3A_13 : i32
    %add3A_15 = arith.constant 128 : i32
    %add3A_16 = arith.addi %mul3A_14, %add3A_15 : i32
    %dma_start3A_17 = arith.constant 0 : i32
    %dma_start3A_18 = tpu.memref_slice %arg8[%add3A_16, %dma_start3A_17] : memref<10240x128xf32, #tpu.memory_space<vmem_shared>> -> memref<128x128xf32, #tpu.memory_space<vmem_shared>>
    %dma_start3A_19 = arith.constant 0 : i32
    %dma_start3A_20 = tpu.memref_slice %arg8[%add3A_16, %dma_start3A_19] : memref<10240x128xf32, #tpu.memory_space<vmem_shared>> -> memref<128x128xf32, #tpu.memory_space<vmem_shared>>
    tpu.enqueue_dma source(%arg7 : memref<128x128xf32, #tpu.memory_space<vmem>>) target(%dma_start3A_20 : memref<128x128xf32, #tpu.memory_space<vmem_shared>>) target_semaphore(%arg10 : memref<!tpu.dma_semaphore, #tpu.memory_space<semaphore_mem>>)
    %mul3A_21 = arith.constant 640 : i32
    %mul3A_22 = arith.muli %arg1, %mul3A_21 : i32
    %add3A_23 = arith.constant 256 : i32
    %add3A_24 = arith.addi %mul3A_22, %add3A_23 : i32
    %dma_start3A_25 = arith.constant 0 : i32
    %dma_start3A_26 = tpu.memref_slice %arg8[%add3A_24, %dma_start3A_25] : memref<10240x128xf32, #tpu.memory_space<vmem_shared>> -> memref<128x128xf32, #tpu.memory_space<vmem_shared>>
    %dma_start3A_27 = arith.constant 0 : i32
    %dma_start3A_28 = tpu.memref_slice %arg8[%add3A_24, %dma_start3A_27] : memref<10240x128xf32, #tpu.memory_space<vmem_shared>> -> memref<128x128xf32, #tpu.memory_space<vmem_shared>>
    tpu.enqueue_dma source(%arg7 : memref<128x128xf32, #tpu.memory_space<vmem>>) target(%dma_start3A_28 : memref<128x128xf32, #tpu.memory_space<vmem_shared>>) target_semaphore(%arg10 : memref<!tpu.dma_semaphore, #tpu.memory_space<semaphore_mem>>)
    %mul3A_29 = arith.constant 640 : i32
    %mul3A_30 = arith.muli %arg1, %mul3A_29 : i32
    %add3A_31 = arith.constant 384 : i32
    %add3A_32 = arith.addi %mul3A_30, %add3A_31 : i32
    %dma_start3A_33 = arith.constant 0 : i32
    %dma_start3A_34 = tpu.memref_slice %arg8[%add3A_32, %dma_start3A_33] : memref<10240x128xf32, #tpu.memory_space<vmem_shared>> -> memref<128x128xf32, #tpu.memory_space<vmem_shared>>
    %dma_start3A_35 = arith.constant 0 : i32
    %dma_start3A_36 = tpu.memref_slice %arg8[%add3A_32, %dma_start3A_35] : memref<10240x128xf32, #tpu.memory_space<vmem_shared>> -> memref<128x128xf32, #tpu.memory_space<vmem_shared>>
    tpu.enqueue_dma source(%arg7 : memref<128x128xf32, #tpu.memory_space<vmem>>) target(%dma_start3A_36 : memref<128x128xf32, #tpu.memory_space<vmem_shared>>) target_semaphore(%arg10 : memref<!tpu.dma_semaphore, #tpu.memory_space<semaphore_mem>>)
    %mul3A_37 = arith.constant 640 : i32
    %mul3A_38 = arith.muli %arg1, %mul3A_37 : i32
    %add3A_39 = arith.constant 512 : i32
    %add3A_40 = arith.addi %mul3A_38, %add3A_39 : i32
    %dma_start3A_41 = arith.constant 0 : i32
    %dma_start3A_42 = tpu.memref_slice %arg8[%add3A_40, %dma_start3A_41] : memref<10240x128xf32, #tpu.memory_space<vmem_shared>> -> memref<128x128xf32, #tpu.memory_space<vmem_shared>>
    %dma_start3A_43 = arith.constant 0 : i32
    %dma_start3A_44 = tpu.memref_slice %arg8[%add3A_40, %dma_start3A_43] : memref<10240x128xf32, #tpu.memory_space<vmem_shared>> -> memref<128x128xf32, #tpu.memory_space<vmem_shared>>
    tpu.enqueue_dma source(%arg7 : memref<128x128xf32, #tpu.memory_space<vmem>>) target(%dma_start3A_44 : memref<128x128xf32, #tpu.memory_space<vmem_shared>>) target_semaphore(%arg10 : memref<!tpu.dma_semaphore, #tpu.memory_space<semaphore_mem>>)
    %mul3A_45 = arith.constant 80 : i32
    %mul3A_46 = arith.muli %add3A, %mul3A_45 : i32
    %mul3A_47 = arith.constant 128 : i32
    %mul3A_48 = arith.muli %mul3A_46, %mul3A_47 : i32
    "tpu.region"() ({
      %run_scoped3A = tpu.sem_alloc : memref<!tpu.dma_semaphore, #tpu.memory_space<semaphore_mem>>
      %dma_start3A_105 = arith.constant 0 : i32
      %dma_start3A_106 = tpu.memref_slice %arg2[%dma_start3A_105, %mul3A_48] : memref<2x327680xi32, #tpu.memory_space<hbm>> -> memref<2x5120xi32, #tpu.memory_space<hbm>>
      %dma_start3A_107 = arith.constant 0 : i32
      %dma_start3A_108 = tpu.memref_slice %arg2[%dma_start3A_107, %mul3A_48] : memref<2x327680xi32, #tpu.memory_space<hbm>> -> memref<2x5120xi32, #tpu.memory_space<hbm>>
      tpu.enqueue_dma source(%dma_start3A_108 : memref<2x5120xi32, #tpu.memory_space<hbm>>) target(%arg5 : memref<2x5120xi32, #tpu.memory_space<vmem>>) target_semaphore(%run_scoped3A : memref<!tpu.dma_semaphore, #tpu.memory_space<semaphore_mem>>)
      %dma_wait3A_109 = arith.constant 0 : i32
      %dma_wait3A_110 = tpu.memref_slice %arg2[%dma_wait3A_109, %mul3A_48] : memref<2x327680xi32, #tpu.memory_space<hbm>> -> memref<2x5120xi32, #tpu.memory_space<hbm>>
      %dma_wait3A_111 = arith.constant 0 : i32
      %dma_wait3A_112 = tpu.memref_slice %arg2[%dma_wait3A_111, %mul3A_48] : memref<2x327680xi32, #tpu.memory_space<hbm>> -> memref<2x5120xi32, #tpu.memory_space<hbm>>
      tpu.wait_dma2 semaphore(%run_scoped3A : memref<!tpu.dma_semaphore, #tpu.memory_space<semaphore_mem>>) src(%dma_wait3A_112 : memref<2x5120xi32, #tpu.memory_space<hbm>>) dst(%arg5 : memref<2x5120xi32, #tpu.memory_space<vmem>>)
      tpu.yield
    }) : () -> ()
    %dma_start3A_49 = arith.constant 0 : i32
    %dma_start3A_50 = arith.constant 0 : i32
    %dma_start3A_51 = tpu.memref_slice %arg5[%dma_start3A_49, %dma_start3A_50] : memref<2x5120xi32, #tpu.memory_space<vmem>> -> memref<1x128xi32, #tpu.memory_space<vmem>>
    %dma_start3A_52 = tpu.memref_squeeze %dma_start3A_51 : memref<1x128xi32, #tpu.memory_space<vmem>> -> memref<128xi32, #tpu.memory_space<vmem>>
    %dma_start3A_53 = arith.constant 0 : i32
    %dma_start3A_54 = arith.constant 0 : i32
    %dma_start3A_55 = tpu.memref_slice %arg3[%dma_start3A_53, %dma_start3A_54] : memref<10240x128xf32, #tpu.memory_space<hbm>> -> memref<10240x128xf32, #tpu.memory_space<hbm>>
    tpu.enqueue_indirect_dma source(%dma_start3A_55 : memref<10240x128xf32, #tpu.memory_space<hbm>>) target(%arg6 : memref<128x128xf32, #tpu.memory_space<vmem>>) offsets(%dma_start3A_52 : memref<128xi32, #tpu.memory_space<vmem>>) semaphore(%arg9 : memref<!tpu.dma_semaphore, #tpu.memory_space<semaphore_mem>>)
    %dma_wait3A = arith.constant 0 : i32
    %dma_wait3A_56 = tpu.memref_slice %arg8[%add3A_9, %dma_wait3A] : memref<10240x128xf32, #tpu.memory_space<vmem_shared>> -> memref<128x128xf32, #tpu.memory_space<vmem_shared>>
    %dma_wait3A_57 = arith.constant 0 : i32
    %dma_wait3A_58 = tpu.memref_slice %arg8[%add3A_9, %dma_wait3A_57] : memref<10240x128xf32, #tpu.memory_space<vmem_shared>> -> memref<128x128xf32, #tpu.memory_space<vmem_shared>>
    tpu.wait_dma2 semaphore(%arg10 : memref<!tpu.dma_semaphore, #tpu.memory_space<semaphore_mem>>) src(%arg7 : memref<128x128xf32, #tpu.memory_space<vmem>>) dst(%dma_wait3A_58 : memref<128x128xf32, #tpu.memory_space<vmem_shared>>)
    %dma_wait3A_59 = arith.constant 0 : i32
    %dma_wait3A_60 = tpu.memref_slice %arg8[%add3A_16, %dma_wait3A_59] : memref<10240x128xf32, #tpu.memory_space<vmem_shared>> -> memref<128x128xf32, #tpu.memory_space<vmem_shared>>
    %dma_wait3A_61 = arith.constant 0 : i32
    %dma_wait3A_62 = tpu.memref_slice %arg8[%add3A_16, %dma_wait3A_61] : memref<10240x128xf32, #tpu.memory_space<vmem_shared>> -> memref<128x128xf32, #tpu.memory_space<vmem_shared>>
    tpu.wait_dma2 semaphore(%arg10 : memref<!tpu.dma_semaphore, #tpu.memory_space<semaphore_mem>>) src(%arg7 : memref<128x128xf32, #tpu.memory_space<vmem>>) dst(%dma_wait3A_62 : memref<128x128xf32, #tpu.memory_space<vmem_shared>>)
    %dma_wait3A_63 = arith.constant 0 : i32
    %dma_wait3A_64 = tpu.memref_slice %arg8[%add3A_24, %dma_wait3A_63] : memref<10240x128xf32, #tpu.memory_space<vmem_shared>> -> memref<128x128xf32, #tpu.memory_space<vmem_shared>>
    %dma_wait3A_65 = arith.constant 0 : i32
    %dma_wait3A_66 = tpu.memref_slice %arg8[%add3A_24, %dma_wait3A_65] : memref<10240x128xf32, #tpu.memory_space<vmem_shared>> -> memref<128x128xf32, #tpu.memory_space<vmem_shared>>
    tpu.wait_dma2 semaphore(%arg10 : memref<!tpu.dma_semaphore, #tpu.memory_space<semaphore_mem>>) src(%arg7 : memref<128x128xf32, #tpu.memory_space<vmem>>) dst(%dma_wait3A_66 : memref<128x128xf32, #tpu.memory_space<vmem_shared>>)
    %dma_wait3A_67 = arith.constant 0 : i32
    %dma_wait3A_68 = tpu.memref_slice %arg8[%add3A_32, %dma_wait3A_67] : memref<10240x128xf32, #tpu.memory_space<vmem_shared>> -> memref<128x128xf32, #tpu.memory_space<vmem_shared>>
    %dma_wait3A_69 = arith.constant 0 : i32
    %dma_wait3A_70 = tpu.memref_slice %arg8[%add3A_32, %dma_wait3A_69] : memref<10240x128xf32, #tpu.memory_space<vmem_shared>> -> memref<128x128xf32, #tpu.memory_space<vmem_shared>>
    tpu.wait_dma2 semaphore(%arg10 : memref<!tpu.dma_semaphore, #tpu.memory_space<semaphore_mem>>) src(%arg7 : memref<128x128xf32, #tpu.memory_space<vmem>>) dst(%dma_wait3A_70 : memref<128x128xf32, #tpu.memory_space<vmem_shared>>)
    %dma_wait3A_71 = arith.constant 0 : i32
    %dma_wait3A_72 = tpu.memref_slice %arg8[%add3A_40, %dma_wait3A_71] : memref<10240x128xf32, #tpu.memory_space<vmem_shared>> -> memref<128x128xf32, #tpu.memory_space<vmem_shared>>
    %dma_wait3A_73 = arith.constant 0 : i32
    %dma_wait3A_74 = tpu.memref_slice %arg8[%add3A_40, %dma_wait3A_73] : memref<10240x128xf32, #tpu.memory_space<vmem_shared>> -> memref<128x128xf32, #tpu.memory_space<vmem_shared>>
    tpu.wait_dma2 semaphore(%arg10 : memref<!tpu.dma_semaphore, #tpu.memory_space<semaphore_mem>>) src(%arg7 : memref<128x128xf32, #tpu.memory_space<vmem>>) dst(%dma_wait3A_74 : memref<128x128xf32, #tpu.memory_space<vmem_shared>>)
    %barrier3A = arith.constant 0 : index
    tpu.barrier barrier_id(%barrier3A)
    %scan3A_75 = arith.constant 0 : i32
    %scan3A_76 = arith.constant 0 : i32
    %scan3A_77 = arith.constant 20 : i32
    %scan3A_78 = arith.addi %scan3A_76, %scan3A_77 : i32
    %scan3A_79 = arith.constant 1 : i32
    scf.for %scan3A_105 = %scan3A_76 to %scan3A_78 step %scan3A_79  : i32 {
      %mul3A_106 = arith.constant 2 : i32
      %mul3A_107 = arith.muli %mul3A_106, %scan3A_105 : i32
      %add3A_108 = arith.constant 1 : i32
      %add3A_109 = arith.addi %mul3A_107, %add3A_108 : i32
      %mul3A_110 = arith.constant 128 : i32
      %mul3A_111 = arith.muli %add3A_109, %mul3A_110 : i32
      %dma_start3A_112 = arith.constant 0 : i32
      %dma_start3A_113 = tpu.memref_slice %arg5[%dma_start3A_112, %mul3A_111] : memref<2x5120xi32, #tpu.memory_space<vmem>> -> memref<1x128xi32, #tpu.memory_space<vmem>>
      %dma_start3A_114 = tpu.memref_squeeze %dma_start3A_113 : memref<1x128xi32, #tpu.memory_space<vmem>> -> memref<128xi32, #tpu.memory_space<vmem>>
      %dma_start3A_115 = arith.constant 0 : i32
      %dma_start3A_116 = arith.constant 0 : i32
      %dma_start3A_117 = tpu.memref_slice %arg3[%dma_start3A_115, %dma_start3A_116] : memref<10240x128xf32, #tpu.memory_space<hbm>> -> memref<10240x128xf32, #tpu.memory_space<hbm>>
      tpu.enqueue_indirect_dma source(%dma_start3A_117 : memref<10240x128xf32, #tpu.memory_space<hbm>>) target(%arg7 : memref<128x128xf32, #tpu.memory_space<vmem>>) offsets(%dma_start3A_114 : memref<128xi32, #tpu.memory_space<vmem>>) semaphore(%arg10 : memref<!tpu.dma_semaphore, #tpu.memory_space<semaphore_mem>>)
      %mul3A_118 = arith.constant 128 : i32
      %mul3A_119 = arith.muli %mul3A_107, %mul3A_118 : i32
      %dma_wait3A_120 = arith.constant 0 : i32
      %dma_wait3A_121 = tpu.memref_slice %arg5[%dma_wait3A_120, %mul3A_119] : memref<2x5120xi32, #tpu.memory_space<vmem>> -> memref<1x128xi32, #tpu.memory_space<vmem>>
      %dma_wait3A_122 = tpu.memref_squeeze %dma_wait3A_121 : memref<1x128xi32, #tpu.memory_space<vmem>> -> memref<128xi32, #tpu.memory_space<vmem>>
      %dma_wait3A_123 = arith.constant 0 : i32
      %dma_wait3A_124 = arith.constant 0 : i32
      %dma_wait3A_125 = tpu.memref_slice %arg3[%dma_wait3A_123, %dma_wait3A_124] : memref<10240x128xf32, #tpu.memory_space<hbm>> -> memref<10240x128xf32, #tpu.memory_space<hbm>>
      tpu.wait_indirect_dma semaphore(%arg9 : memref<!tpu.dma_semaphore, #tpu.memory_space<semaphore_mem>>) src(%dma_wait3A_125 : memref<10240x128xf32, #tpu.memory_space<hbm>>) dst(%arg6 : memref<128x128xf32, #tpu.memory_space<vmem>>)
      %mul3A_126 = arith.constant 128 : i32
      %mul3A_127 = arith.muli %mul3A_107, %mul3A_126 : i32
      %run_scoped3A = arith.constant 1 : i32
      "tpu.region"() ({
        %run_scoped3A_145 = tpu.sem_alloc : memref<!tpu.dma_semaphore, #tpu.memory_space<semaphore_mem>>
        %dma_start3A_146 = tpu.memref_slice %arg5[%run_scoped3A, %mul3A_127] : memref<2x5120xi32, #tpu.memory_space<vmem>> -> memref<1x128xi32, #tpu.memory_space<vmem>>
        %dma_start3A_147 = tpu.memref_squeeze %dma_start3A_146 : memref<1x128xi32, #tpu.memory_space<vmem>> -> memref<128xi32, #tpu.memory_space<vmem>>
        %dma_start3A_148 = arith.constant 0 : i32
        %dma_start3A_149 = arith.constant 0 : i32
        %dma_start3A_150 = tpu.memref_slice %arg8[%dma_start3A_148, %dma_start3A_149] : memref<10240x128xf32, #tpu.memory_space<vmem_shared>> -> memref<10240x128xf32, #tpu.memory_space<vmem_shared>>
        tpu.enqueue_indirect_dma source(%arg6 : memref<128x128xf32, #tpu.memory_space<vmem>>) target(%dma_start3A_150 : memref<10240x128xf32, #tpu.memory_space<vmem_shared>>) offsets(%dma_start3A_147 : memref<128xi32, #tpu.memory_space<vmem>>) semaphore(%run_scoped3A_145 : memref<!tpu.dma_semaphore, #tpu.memory_space<semaphore_mem>>) {add = true}
        %dma_wait3A_151 = tpu.memref_slice %arg5[%run_scoped3A, %mul3A_127] : memref<2x5120xi32, #tpu.memory_space<vmem>> -> memref<1x128xi32, #tpu.memory_space<vmem>>
        %dma_wait3A_152 = tpu.memref_squeeze %dma_wait3A_151 : memref<1x128xi32, #tpu.memory_space<vmem>> -> memref<128xi32, #tpu.memory_space<vmem>>
        %dma_wait3A_153 = arith.constant 0 : i32
        %dma_wait3A_154 = arith.constant 0 : i32
        %dma_wait3A_155 = tpu.memref_slice %arg8[%dma_wait3A_153, %dma_wait3A_154] : memref<10240x128xf32, #tpu.memory_space<vmem_shared>> -> memref<10240x128xf32, #tpu.memory_space<vmem_shared>>
        tpu.wait_indirect_dma semaphore(%run_scoped3A_145 : memref<!tpu.dma_semaphore, #tpu.memory_space<semaphore_mem>>) src(%arg6 : memref<128x128xf32, #tpu.memory_space<vmem>>) dst(%dma_wait3A_155 : memref<10240x128xf32, #tpu.memory_space<vmem_shared>>)
        tpu.yield
      }) : () -> ()
      %lt3A = arith.constant 19 : i32
      %lt3A_128 = arith.cmpi slt, %scan3A_105, %lt3A : i32
      %convert_element_type3A = arith.extui %lt3A_128 : i1 to i32
      %cond3A = arith.constant 0 : i32
      %cond3A_129 = arith.cmpi ne, %convert_element_type3A, %cond3A : i32
      scf.if %cond3A_129 {
        %add3A_145 = arith.constant 2 : i32
        %add3A_146 = arith.addi %mul3A_107, %add3A_145 : i32
        %mul3A_147 = arith.constant 128 : i32
        %mul3A_148 = arith.muli %add3A_146, %mul3A_147 : i32
        %dma_start3A_149 = arith.constant 0 : i32
        %dma_start3A_150 = tpu.memref_slice %arg5[%dma_start3A_149, %mul3A_148] : memref<2x5120xi32, #tpu.memory_space<vmem>> -> memref<1x128xi32, #tpu.memory_space<vmem>>
        %dma_start3A_151 = tpu.memref_squeeze %dma_start3A_150 : memref<1x128xi32, #tpu.memory_space<vmem>> -> memref<128xi32, #tpu.memory_space<vmem>>
        %dma_start3A_152 = arith.constant 0 : i32
        %dma_start3A_153 = arith.constant 0 : i32
        %dma_start3A_154 = tpu.memref_slice %arg3[%dma_start3A_152, %dma_start3A_153] : memref<10240x128xf32, #tpu.memory_space<hbm>> -> memref<10240x128xf32, #tpu.memory_space<hbm>>
        tpu.enqueue_indirect_dma source(%dma_start3A_154 : memref<10240x128xf32, #tpu.memory_space<hbm>>) target(%arg6 : memref<128x128xf32, #tpu.memory_space<vmem>>) offsets(%dma_start3A_151 : memref<128xi32, #tpu.memory_space<vmem>>) semaphore(%arg9 : memref<!tpu.dma_semaphore, #tpu.memory_space<semaphore_mem>>)
      } else {
      }
      %add3A_130 = arith.constant 1 : i32
      %add3A_131 = arith.addi %mul3A_107, %add3A_130 : i32
      %mul3A_132 = arith.constant 128 : i32
      %mul3A_133 = arith.muli %add3A_131, %mul3A_132 : i32
      %dma_wait3A_134 = arith.constant 0 : i32
      %dma_wait3A_135 = tpu.memref_slice %arg5[%dma_wait3A_134, %mul3A_133] : memref<2x5120xi32, #tpu.memory_space<vmem>> -> memref<1x128xi32, #tpu.memory_space<vmem>>
      %dma_wait3A_136 = tpu.memref_squeeze %dma_wait3A_135 : memref<1x128xi32, #tpu.memory_space<vmem>> -> memref<128xi32, #tpu.memory_space<vmem>>
      %dma_wait3A_137 = arith.constant 0 : i32
      %dma_wait3A_138 = arith.constant 0 : i32
      %dma_wait3A_139 = tpu.memref_slice %arg3[%dma_wait3A_137, %dma_wait3A_138] : memref<10240x128xf32, #tpu.memory_space<hbm>> -> memref<10240x128xf32, #tpu.memory_space<hbm>>
      tpu.wait_indirect_dma semaphore(%arg10 : memref<!tpu.dma_semaphore, #tpu.memory_space<semaphore_mem>>) src(%dma_wait3A_139 : memref<10240x128xf32, #tpu.memory_space<hbm>>) dst(%arg7 : memref<128x128xf32, #tpu.memory_space<vmem>>)
      %add3A_140 = arith.constant 1 : i32
      %add3A_141 = arith.addi %mul3A_107, %add3A_140 : i32
      %mul3A_142 = arith.constant 128 : i32
      %mul3A_143 = arith.muli %add3A_141, %mul3A_142 : i32
      %run_scoped3A_144 = arith.constant 1 : i32
      "tpu.region"() ({
        %run_scoped3A_145 = tpu.sem_alloc : memref<!tpu.dma_semaphore, #tpu.memory_space<semaphore_mem>>
        %dma_start3A_146 = tpu.memref_slice %arg5[%run_scoped3A_144, %mul3A_143] : memref<2x5120xi32, #tpu.memory_space<vmem>> -> memref<1x128xi32, #tpu.memory_space<vmem>>
        %dma_start3A_147 = tpu.memref_squeeze %dma_start3A_146 : memref<1x128xi32, #tpu.memory_space<vmem>> -> memref<128xi32, #tpu.memory_space<vmem>>
        %dma_start3A_148 = arith.constant 0 : i32
        %dma_start3A_149 = arith.constant 0 : i32
        %dma_start3A_150 = tpu.memref_slice %arg8[%dma_start3A_148, %dma_start3A_149] : memref<10240x128xf32, #tpu.memory_space<vmem_shared>> -> memref<10240x128xf32, #tpu.memory_space<vmem_shared>>
        tpu.enqueue_indirect_dma source(%arg7 : memref<128x128xf32, #tpu.memory_space<vmem>>) target(%dma_start3A_150 : memref<10240x128xf32, #tpu.memory_space<vmem_shared>>) offsets(%dma_start3A_147 : memref<128xi32, #tpu.memory_space<vmem>>) semaphore(%run_scoped3A_145 : memref<!tpu.dma_semaphore, #tpu.memory_space<semaphore_mem>>) {add = true}
        %dma_wait3A_151 = tpu.memref_slice %arg5[%run_scoped3A_144, %mul3A_143] : memref<2x5120xi32, #tpu.memory_space<vmem>> -> memref<1x128xi32, #tpu.memory_space<vmem>>
        %dma_wait3A_152 = tpu.memref_squeeze %dma_wait3A_151 : memref<1x128xi32, #tpu.memory_space<vmem>> -> memref<128xi32, #tpu.memory_space<vmem>>
        %dma_wait3A_153 = arith.constant 0 : i32
        %dma_wait3A_154 = arith.constant 0 : i32
        %dma_wait3A_155 = tpu.memref_slice %arg8[%dma_wait3A_153, %dma_wait3A_154] : memref<10240x128xf32, #tpu.memory_space<vmem_shared>> -> memref<10240x128xf32, #tpu.memory_space<vmem_shared>>
        tpu.wait_indirect_dma semaphore(%run_scoped3A_145 : memref<!tpu.dma_semaphore, #tpu.memory_space<semaphore_mem>>) src(%arg7 : memref<128x128xf32, #tpu.memory_space<vmem>>) dst(%dma_wait3A_155 : memref<10240x128xf32, #tpu.memory_space<vmem_shared>>)
        tpu.yield
      }) : () -> ()
    }
    %scan3A_80 = arith.constant 20 : i32
    %mul3A_81 = arith.constant 80 : i32
    %mul3A_82 = arith.muli %add3A, %mul3A_81 : i32
    %add3A_83 = arith.constant 40 : i32
    %add3A_84 = arith.addi %mul3A_82, %add3A_83 : i32
    %mul3A_85 = arith.constant 128 : i32
    %mul3A_86 = arith.muli %add3A_84, %mul3A_85 : i32
    "tpu.region"() ({
      %run_scoped3A = tpu.sem_alloc : memref<!tpu.dma_semaphore, #tpu.memory_space<semaphore_mem>>
      %dma_start3A_105 = arith.constant 0 : i32
      %dma_start3A_106 = tpu.memref_slice %arg2[%dma_start3A_105, %mul3A_86] : memref<2x327680xi32, #tpu.memory_space<hbm>> -> memref<2x5120xi32, #tpu.memory_space<hbm>>
      %dma_start3A_107 = arith.constant 0 : i32
      %dma_start3A_108 = tpu.memref_slice %arg2[%dma_start3A_107, %mul3A_86] : memref<2x327680xi32, #tpu.memory_space<hbm>> -> memref<2x5120xi32, #tpu.memory_space<hbm>>
      tpu.enqueue_dma source(%dma_start3A_108 : memref<2x5120xi32, #tpu.memory_space<hbm>>) target(%arg5 : memref<2x5120xi32, #tpu.memory_space<vmem>>) target_semaphore(%run_scoped3A : memref<!tpu.dma_semaphore, #tpu.memory_space<semaphore_mem>>)
      %dma_wait3A_109 = arith.constant 0 : i32
      %dma_wait3A_110 = tpu.memref_slice %arg2[%dma_wait3A_109, %mul3A_86] : memref<2x327680xi32, #tpu.memory_space<hbm>> -> memref<2x5120xi32, #tpu.memory_space<hbm>>
      %dma_wait3A_111 = arith.constant 0 : i32
      %dma_wait3A_112 = tpu.memref_slice %arg2[%dma_wait3A_111, %mul3A_86] : memref<2x327680xi32, #tpu.memory_space<hbm>> -> memref<2x5120xi32, #tpu.memory_space<hbm>>
      tpu.wait_dma2 semaphore(%run_scoped3A : memref<!tpu.dma_semaphore, #tpu.memory_space<semaphore_mem>>) src(%dma_wait3A_112 : memref<2x5120xi32, #tpu.memory_space<hbm>>) dst(%arg5 : memref<2x5120xi32, #tpu.memory_space<vmem>>)
      tpu.yield
    }) : () -> ()
    %dma_start3A_87 = arith.constant 0 : i32
    %dma_start3A_88 = arith.constant 0 : i32
    %dma_start3A_89 = tpu.memref_slice %arg5[%dma_start3A_87, %dma_start3A_88] : memref<2x5120xi32, #tpu.memory_space<vmem>> -> memref<1x128xi32, #tpu.memory_space<vmem>>
    %dma_start3A_90 = tpu.memref_squeeze %dma_start3A_89 : memref<1x128xi32, #tpu.memory_space<vmem>> -> memref<128xi32, #tpu.memory_space<vmem>>
    %dma_start3A_91 = arith.constant 0 : i32
    %dma_start3A_92 = arith.constant 0 : i32
    %dma_start3A_93 = tpu.memref_slice %arg3[%dma_start3A_91, %dma_start3A_92] : memref<10240x128xf32, #tpu.memory_space<hbm>> -> memref<10240x128xf32, #tpu.memory_space<hbm>>
    tpu.enqueue_indirect_dma source(%dma_start3A_93 : memref<10240x128xf32, #tpu.memory_space<hbm>>) target(%arg6 : memref<128x128xf32, #tpu.memory_space<vmem>>) offsets(%dma_start3A_90 : memref<128xi32, #tpu.memory_space<vmem>>) semaphore(%arg9 : memref<!tpu.dma_semaphore, #tpu.memory_space<semaphore_mem>>)
    %scan3A_94 = arith.constant 0 : i32
    %scan3A_95 = arith.constant 0 : i32
    %scan3A_96 = arith.constant 20 : i32
    %scan3A_97 = arith.addi %scan3A_95, %scan3A_96 : i32
    %scan3A_98 = arith.constant 1 : i32
    scf.for %scan3A_105 = %scan3A_95 to %scan3A_97 step %scan3A_98  : i32 {
      %mul3A_106 = arith.constant 2 : i32
      %mul3A_107 = arith.muli %mul3A_106, %scan3A_105 : i32
      %add3A_108 = arith.constant 1 : i32
      %add3A_109 = arith.addi %mul3A_107, %add3A_108 : i32
      %mul3A_110 = arith.constant 128 : i32
      %mul3A_111 = arith.muli %add3A_109, %mul3A_110 : i32
      %dma_start3A_112 = arith.constant 0 : i32
      %dma_start3A_113 = tpu.memref_slice %arg5[%dma_start3A_112, %mul3A_111] : memref<2x5120xi32, #tpu.memory_space<vmem>> -> memref<1x128xi32, #tpu.memory_space<vmem>>
      %dma_start3A_114 = tpu.memref_squeeze %dma_start3A_113 : memref<1x128xi32, #tpu.memory_space<vmem>> -> memref<128xi32, #tpu.memory_space<vmem>>
      %dma_start3A_115 = arith.constant 0 : i32
      %dma_start3A_116 = arith.constant 0 : i32
      %dma_start3A_117 = tpu.memref_slice %arg3[%dma_start3A_115, %dma_start3A_116] : memref<10240x128xf32, #tpu.memory_space<hbm>> -> memref<10240x128xf32, #tpu.memory_space<hbm>>
      tpu.enqueue_indirect_dma source(%dma_start3A_117 : memref<10240x128xf32, #tpu.memory_space<hbm>>) target(%arg7 : memref<128x128xf32, #tpu.memory_space<vmem>>) offsets(%dma_start3A_114 : memref<128xi32, #tpu.memory_space<vmem>>) semaphore(%arg10 : memref<!tpu.dma_semaphore, #tpu.memory_space<semaphore_mem>>)
      %mul3A_118 = arith.constant 128 : i32
      %mul3A_119 = arith.muli %mul3A_107, %mul3A_118 : i32
      %dma_wait3A_120 = arith.constant 0 : i32
      %dma_wait3A_121 = tpu.memref_slice %arg5[%dma_wait3A_120, %mul3A_119] : memref<2x5120xi32, #tpu.memory_space<vmem>> -> memref<1x128xi32, #tpu.memory_space<vmem>>
      %dma_wait3A_122 = tpu.memref_squeeze %dma_wait3A_121 : memref<1x128xi32, #tpu.memory_space<vmem>> -> memref<128xi32, #tpu.memory_space<vmem>>
      %dma_wait3A_123 = arith.constant 0 : i32
      %dma_wait3A_124 = arith.constant 0 : i32
      %dma_wait3A_125 = tpu.memref_slice %arg3[%dma_wait3A_123, %dma_wait3A_124] : memref<10240x128xf32, #tpu.memory_space<hbm>> -> memref<10240x128xf32, #tpu.memory_space<hbm>>
      tpu.wait_indirect_dma semaphore(%arg9 : memref<!tpu.dma_semaphore, #tpu.memory_space<semaphore_mem>>) src(%dma_wait3A_125 : memref<10240x128xf32, #tpu.memory_space<hbm>>) dst(%arg6 : memref<128x128xf32, #tpu.memory_space<vmem>>)
      %mul3A_126 = arith.constant 128 : i32
      %mul3A_127 = arith.muli %mul3A_107, %mul3A_126 : i32
      %run_scoped3A = arith.constant 1 : i32
      "tpu.region"() ({
        %run_scoped3A_145 = tpu.sem_alloc : memref<!tpu.dma_semaphore, #tpu.memory_space<semaphore_mem>>
        %dma_start3A_146 = tpu.memref_slice %arg5[%run_scoped3A, %mul3A_127] : memref<2x5120xi32, #tpu.memory_space<vmem>> -> memref<1x128xi32, #tpu.memory_space<vmem>>
        %dma_start3A_147 = tpu.memref_squeeze %dma_start3A_146 : memref<1x128xi32, #tpu.memory_space<vmem>> -> memref<128xi32, #tpu.memory_space<vmem>>
        %dma_start3A_148 = arith.constant 0 : i32
        %dma_start3A_149 = arith.constant 0 : i32
        %dma_start3A_150 = tpu.memref_slice %arg8[%dma_start3A_148, %dma_start3A_149] : memref<10240x128xf32, #tpu.memory_space<vmem_shared>> -> memref<10240x128xf32, #tpu.memory_space<vmem_shared>>
        tpu.enqueue_indirect_dma source(%arg6 : memref<128x128xf32, #tpu.memory_space<vmem>>) target(%dma_start3A_150 : memref<10240x128xf32, #tpu.memory_space<vmem_shared>>) offsets(%dma_start3A_147 : memref<128xi32, #tpu.memory_space<vmem>>) semaphore(%run_scoped3A_145 : memref<!tpu.dma_semaphore, #tpu.memory_space<semaphore_mem>>) {add = true}
        %dma_wait3A_151 = tpu.memref_slice %arg5[%run_scoped3A, %mul3A_127] : memref<2x5120xi32, #tpu.memory_space<vmem>> -> memref<1x128xi32, #tpu.memory_space<vmem>>
        %dma_wait3A_152 = tpu.memref_squeeze %dma_wait3A_151 : memref<1x128xi32, #tpu.memory_space<vmem>> -> memref<128xi32, #tpu.memory_space<vmem>>
        %dma_wait3A_153 = arith.constant 0 : i32
        %dma_wait3A_154 = arith.constant 0 : i32
        %dma_wait3A_155 = tpu.memref_slice %arg8[%dma_wait3A_153, %dma_wait3A_154] : memref<10240x128xf32, #tpu.memory_space<vmem_shared>> -> memref<10240x128xf32, #tpu.memory_space<vmem_shared>>
        tpu.wait_indirect_dma semaphore(%run_scoped3A_145 : memref<!tpu.dma_semaphore, #tpu.memory_space<semaphore_mem>>) src(%arg6 : memref<128x128xf32, #tpu.memory_space<vmem>>) dst(%dma_wait3A_155 : memref<10240x128xf32, #tpu.memory_space<vmem_shared>>)
        tpu.yield
      }) : () -> ()
      %lt3A = arith.constant 19 : i32
      %lt3A_128 = arith.cmpi slt, %scan3A_105, %lt3A : i32
      %convert_element_type3A = arith.extui %lt3A_128 : i1 to i32
      %cond3A = arith.constant 0 : i32
      %cond3A_129 = arith.cmpi ne, %convert_element_type3A, %cond3A : i32
      scf.if %cond3A_129 {
        %add3A_145 = arith.constant 2 : i32
        %add3A_146 = arith.addi %mul3A_107, %add3A_145 : i32
        %mul3A_147 = arith.constant 128 : i32
        %mul3A_148 = arith.muli %add3A_146, %mul3A_147 : i32
        %dma_start3A_149 = arith.constant 0 : i32
        %dma_start3A_150 = tpu.memref_slice %arg5[%dma_start3A_149, %mul3A_148] : memref<2x5120xi32, #tpu.memory_space<vmem>> -> memref<1x128xi32, #tpu.memory_space<vmem>>
        %dma_start3A_151 = tpu.memref_squeeze %dma_start3A_150 : memref<1x128xi32, #tpu.memory_space<vmem>> -> memref<128xi32, #tpu.memory_space<vmem>>
        %dma_start3A_152 = arith.constant 0 : i32
        %dma_start3A_153 = arith.constant 0 : i32
        %dma_start3A_154 = tpu.memref_slice %arg3[%dma_start3A_152, %dma_start3A_153] : memref<10240x128xf32, #tpu.memory_space<hbm>> -> memref<10240x128xf32, #tpu.memory_space<hbm>>
        tpu.enqueue_indirect_dma source(%dma_start3A_154 : memref<10240x128xf32, #tpu.memory_space<hbm>>) target(%arg6 : memref<128x128xf32, #tpu.memory_space<vmem>>) offsets(%dma_start3A_151 : memref<128xi32, #tpu.memory_space<vmem>>) semaphore(%arg9 : memref<!tpu.dma_semaphore, #tpu.memory_space<semaphore_mem>>)
      } else {
      }
      %add3A_130 = arith.constant 1 : i32
      %add3A_131 = arith.addi %mul3A_107, %add3A_130 : i32
      %mul3A_132 = arith.constant 128 : i32
      %mul3A_133 = arith.muli %add3A_131, %mul3A_132 : i32
      %dma_wait3A_134 = arith.constant 0 : i32
      %dma_wait3A_135 = tpu.memref_slice %arg5[%dma_wait3A_134, %mul3A_133] : memref<2x5120xi32, #tpu.memory_space<vmem>> -> memref<1x128xi32, #tpu.memory_space<vmem>>
      %dma_wait3A_136 = tpu.memref_squeeze %dma_wait3A_135 : memref<1x128xi32, #tpu.memory_space<vmem>> -> memref<128xi32, #tpu.memory_space<vmem>>
      %dma_wait3A_137 = arith.constant 0 : i32
      %dma_wait3A_138 = arith.constant 0 : i32
      %dma_wait3A_139 = tpu.memref_slice %arg3[%dma_wait3A_137, %dma_wait3A_138] : memref<10240x128xf32, #tpu.memory_space<hbm>> -> memref<10240x128xf32, #tpu.memory_space<hbm>>
      tpu.wait_indirect_dma semaphore(%arg10 : memref<!tpu.dma_semaphore, #tpu.memory_space<semaphore_mem>>) src(%dma_wait3A_139 : memref<10240x128xf32, #tpu.memory_space<hbm>>) dst(%arg7 : memref<128x128xf32, #tpu.memory_space<vmem>>)
      %add3A_140 = arith.constant 1 : i32
      %add3A_141 = arith.addi %mul3A_107, %add3A_140 : i32
      %mul3A_142 = arith.constant 128 : i32
      %mul3A_143 = arith.muli %add3A_141, %mul3A_142 : i32
      %run_scoped3A_144 = arith.constant 1 : i32
      "tpu.region"() ({
        %run_scoped3A_145 = tpu.sem_alloc : memref<!tpu.dma_semaphore, #tpu.memory_space<semaphore_mem>>
        %dma_start3A_146 = tpu.memref_slice %arg5[%run_scoped3A_144, %mul3A_143] : memref<2x5120xi32, #tpu.memory_space<vmem>> -> memref<1x128xi32, #tpu.memory_space<vmem>>
        %dma_start3A_147 = tpu.memref_squeeze %dma_start3A_146 : memref<1x128xi32, #tpu.memory_space<vmem>> -> memref<128xi32, #tpu.memory_space<vmem>>
        %dma_start3A_148 = arith.constant 0 : i32
        %dma_start3A_149 = arith.constant 0 : i32
        %dma_start3A_150 = tpu.memref_slice %arg8[%dma_start3A_148, %dma_start3A_149] : memref<10240x128xf32, #tpu.memory_space<vmem_shared>> -> memref<10240x128xf32, #tpu.memory_space<vmem_shared>>
        tpu.enqueue_indirect_dma source(%arg7 : memref<128x128xf32, #tpu.memory_space<vmem>>) target(%dma_start3A_150 : memref<10240x128xf32, #tpu.memory_space<vmem_shared>>) offsets(%dma_start3A_147 : memref<128xi32, #tpu.memory_space<vmem>>) semaphore(%run_scoped3A_145 : memref<!tpu.dma_semaphore, #tpu.memory_space<semaphore_mem>>) {add = true}
        %dma_wait3A_151 = tpu.memref_slice %arg5[%run_scoped3A_144, %mul3A_143] : memref<2x5120xi32, #tpu.memory_space<vmem>> -> memref<1x128xi32, #tpu.memory_space<vmem>>
        %dma_wait3A_152 = tpu.memref_squeeze %dma_wait3A_151 : memref<1x128xi32, #tpu.memory_space<vmem>> -> memref<128xi32, #tpu.memory_space<vmem>>
        %dma_wait3A_153 = arith.constant 0 : i32
        %dma_wait3A_154 = arith.constant 0 : i32
        %dma_wait3A_155 = tpu.memref_slice %arg8[%dma_wait3A_153, %dma_wait3A_154] : memref<10240x128xf32, #tpu.memory_space<vmem_shared>> -> memref<10240x128xf32, #tpu.memory_space<vmem_shared>>
        tpu.wait_indirect_dma semaphore(%run_scoped3A_145 : memref<!tpu.dma_semaphore, #tpu.memory_space<semaphore_mem>>) src(%arg7 : memref<128x128xf32, #tpu.memory_space<vmem>>) dst(%dma_wait3A_155 : memref<10240x128xf32, #tpu.memory_space<vmem_shared>>)
        tpu.yield
      }) : () -> ()
    }
    %scan3A_99 = arith.constant 20 : i32
    %barrier3A_100 = arith.constant 0 : index
    tpu.barrier barrier_id(%barrier3A_100)
    %mul3A_101 = arith.constant 640 : i32
    %mul3A_102 = arith.muli %arg1, %mul3A_101 : i32
    %mul3A_103 = arith.constant 640 : i32
    %mul3A_104 = arith.muli %arg1, %mul3A_103 : i32
    "tpu.region"() ({
      %run_scoped3A = tpu.sem_alloc : memref<!tpu.dma_semaphore, #tpu.memory_space<semaphore_mem>>
      %dma_start3A_105 = arith.constant 0 : i32
      %dma_start3A_106 = tpu.memref_slice %arg4[%arg0, %mul3A_104, %dma_start3A_105] : memref<2x10240x128xf32, #tpu.memory_space<hbm>> -> memref<1x640x128xf32, #tpu.memory_space<hbm>>
      %dma_start3A_107 = tpu.memref_squeeze %dma_start3A_106 : memref<1x640x128xf32, #tpu.memory_space<hbm>> -> memref<640x128xf32, #tpu.memory_space<hbm>>
      %dma_start3A_108 = arith.constant 0 : i32
      %dma_start3A_109 = tpu.memref_slice %arg8[%mul3A_102, %dma_start3A_108] : memref<10240x128xf32, #tpu.memory_space<vmem_shared>> -> memref<640x128xf32, #tpu.memory_space<vmem_shared>>
      tpu.enqueue_dma source(%dma_start3A_109 : memref<640x128xf32, #tpu.memory_space<vmem_shared>>) target(%dma_start3A_107 : memref<640x128xf32, #tpu.memory_space<hbm>>) target_semaphore(%run_scoped3A : memref<!tpu.dma_semaphore, #tpu.memory_space<semaphore_mem>>)
      %dma_wait3A_110 = arith.constant 0 : i32
      %dma_wait3A_111 = tpu.memref_slice %arg4[%arg0, %mul3A_104, %dma_wait3A_110] : memref<2x10240x128xf32, #tpu.memory_space<hbm>> -> memref<1x640x128xf32, #tpu.memory_space<hbm>>
      %dma_wait3A_112 = tpu.memref_squeeze %dma_wait3A_111 : memref<1x640x128xf32, #tpu.memory_space<hbm>> -> memref<640x128xf32, #tpu.memory_space<hbm>>
      %dma_wait3A_113 = arith.constant 0 : i32
      %dma_wait3A_114 = tpu.memref_slice %arg8[%mul3A_102, %dma_wait3A_113] : memref<10240x128xf32, #tpu.memory_space<vmem_shared>> -> memref<640x128xf32, #tpu.memory_space<vmem_shared>>
      tpu.wait_dma2 semaphore(%run_scoped3A : memref<!tpu.dma_semaphore, #tpu.memory_space<semaphore_mem>>) src(%dma_wait3A_114 : memref<640x128xf32, #tpu.memory_space<vmem_shared>>) dst(%dma_wait3A_112 : memref<640x128xf32, #tpu.memory_space<hbm>>)
      tpu.yield
    }) : () -> ()
    return
  }
}

#map = affine_map<(d0, d1) -> (0, 0)>
#map1 = affine_map<(d0, d1) -> (0, 0, 0)>
module attributes {stable_mosaic.version = 14 : i64} {
  func.func @_deg_kernel(%arg0: i32, %arg1: i32, %arg2: memref<2x327680xi32, #tpu.memory_space<hbm>>, %arg3: memref<32x1x10240xf32, #tpu.memory_space<hbm>>, %arg4: memref<10240xf32, #tpu.memory_space<vmem>>, %arg5: memref<2x10240xi32, #tpu.memory_space<vmem>>) attributes {dimension_semantics = [#tpu.dimension_semantics<core_parallel>, #tpu.dimension_semantics<subcore_parallel>], iteration_bounds = array<i64: 2, 16>, scalar_prefetch = 0 : i64, scratch_operands = 2 : i64, tpu.core_type = #tpu.core_type<sc_vector_subcore>, window_params = [{transform_indices = #map}, {transform_indices = #map1}]} {
    %mul3A = arith.constant 16 : i32
    %mul3A_0 = arith.muli %arg0, %mul3A : i32
    %add3A = arith.addi %mul3A_0, %arg1 : i32
    %scan3A = arith.constant 0 : i32
    %scan3A_1 = arith.constant 0 : i32
    %scan3A_2 = arith.constant 640 : i32
    %scan3A_3 = arith.addi %scan3A_1, %scan3A_2 : i32
    %scan3A_4 = arith.constant 1 : i32
    scf.for %scan3A_15 = %scan3A_1 to %scan3A_3 step %scan3A_4  : i32 {
      %broadcast_in_dim3A_16 = arith.constant 0.000000e+00 : f32
      %broadcast_in_dim3A_17 = vector.broadcast %broadcast_in_dim3A_16 : f32 to vector<16xf32>
      %mul3A_18 = arith.constant 16 : i32
      %mul3A_19 = arith.muli %scan3A_15, %mul3A_18 : i32
      %swap3A = arith.index_cast %mul3A_19 : i32 to index
      %swap3A_20 = tpu.vector_load %arg4[%swap3A] {strides = array<i32>} : memref<10240xf32, #tpu.memory_space<vmem>>, vector<16xf32>,
      tpu.vector_store %arg4[%swap3A], %broadcast_in_dim3A_17 {strides = array<i32>} : memref<10240xf32, #tpu.memory_space<vmem>>, vector<16xf32>,
    }
    %scan3A_5 = arith.constant 640 : i32
    %mul3A_6 = arith.constant 10240 : i32
    %mul3A_7 = arith.muli %add3A, %mul3A_6 : i32
    "tpu.region"() ({
      %run_scoped3A_15 = tpu.sem_alloc : memref<!tpu.dma_semaphore, #tpu.memory_space<semaphore_mem>>
      %dma_start3A = arith.constant 0 : i32
      %dma_start3A_16 = tpu.memref_slice %arg2[%dma_start3A, %mul3A_7] : memref<2x327680xi32, #tpu.memory_space<hbm>> -> memref<2x10240xi32, #tpu.memory_space<hbm>>
      %dma_start3A_17 = arith.constant 0 : i32
      %dma_start3A_18 = tpu.memref_slice %arg2[%dma_start3A_17, %mul3A_7] : memref<2x327680xi32, #tpu.memory_space<hbm>> -> memref<2x10240xi32, #tpu.memory_space<hbm>>
      tpu.enqueue_dma source(%dma_start3A_18 : memref<2x10240xi32, #tpu.memory_space<hbm>>) target(%arg5 : memref<2x10240xi32, #tpu.memory_space<vmem>>) target_semaphore(%run_scoped3A_15 : memref<!tpu.dma_semaphore, #tpu.memory_space<semaphore_mem>>)
      %dma_wait3A = arith.constant 0 : i32
      %dma_wait3A_19 = tpu.memref_slice %arg2[%dma_wait3A, %mul3A_7] : memref<2x327680xi32, #tpu.memory_space<hbm>> -> memref<2x10240xi32, #tpu.memory_space<hbm>>
      %dma_wait3A_20 = arith.constant 0 : i32
      %dma_wait3A_21 = tpu.memref_slice %arg2[%dma_wait3A_20, %mul3A_7] : memref<2x327680xi32, #tpu.memory_space<hbm>> -> memref<2x10240xi32, #tpu.memory_space<hbm>>
      tpu.wait_dma2 semaphore(%run_scoped3A_15 : memref<!tpu.dma_semaphore, #tpu.memory_space<semaphore_mem>>) src(%dma_wait3A_21 : memref<2x10240xi32, #tpu.memory_space<hbm>>) dst(%arg5 : memref<2x10240xi32, #tpu.memory_space<vmem>>)
      tpu.yield
    }) : () -> ()
    %broadcast_in_dim3A = arith.constant 1.000000e+00 : f32
    %broadcast_in_dim3A_8 = vector.broadcast %broadcast_in_dim3A : f32 to vector<16xf32>
    %scan3A_9 = arith.constant 0 : i32
    %scan3A_10 = arith.constant 0 : i32
    %scan3A_11 = arith.constant 640 : i32
    %scan3A_12 = arith.addi %scan3A_10, %scan3A_11 : i32
    %scan3A_13 = arith.constant 1 : i32
    scf.for %scan3A_15 = %scan3A_10 to %scan3A_12 step %scan3A_13  : i32 {
      %mul3A_16 = arith.constant 16 : i32
      %mul3A_17 = arith.muli %scan3A_15, %mul3A_16 : i32
      %get3A = arith.constant 1 : i32
      %get3A_18 = arith.index_cast %get3A : i32 to index
      %get3A_19 = arith.index_cast %mul3A_17 : i32 to index
      %get3A_20 = tpu.vector_load %arg5[%get3A_18, %get3A_19] {strides = array<i32>} : memref<2x10240xi32, #tpu.memory_space<vmem>>, vector<16xi32>,
      tpu.vector_store_idx %arg4[%get3A_20], %broadcast_in_dim3A_8 {add = true} : memref<10240xf32, #tpu.memory_space<vmem>>[vector<16xi32>], vector<16xf32>,
    }
    %scan3A_14 = arith.constant 640 : i32
    %run_scoped3A = arith.constant 0 : i32
    "tpu.region"() ({
      %run_scoped3A_15 = tpu.sem_alloc : memref<!tpu.dma_semaphore, #tpu.memory_space<semaphore_mem>>
      %dma_start3A = arith.constant 0 : i32
      %dma_start3A_16 = tpu.memref_slice %arg3[%add3A, %run_scoped3A, %dma_start3A] : memref<32x1x10240xf32, #tpu.memory_space<hbm>> -> memref<1x1x10240xf32, #tpu.memory_space<hbm>>
      %dma_start3A_17 = tpu.memref_squeeze %dma_start3A_16 : memref<1x1x10240xf32, #tpu.memory_space<hbm>> -> memref<10240xf32, #tpu.memory_space<hbm>>
      %dma_start3A_18 = arith.constant 0 : i32
      %dma_start3A_19 = tpu.memref_slice %arg3[%add3A, %run_scoped3A, %dma_start3A_18] : memref<32x1x10240xf32, #tpu.memory_space<hbm>> -> memref<1x1x10240xf32, #tpu.memory_space<hbm>>
      %dma_start3A_20 = tpu.memref_squeeze %dma_start3A_19 : memref<1x1x10240xf32, #tpu.memory_space<hbm>> -> memref<10240xf32, #tpu.memory_space<hbm>>
      tpu.enqueue_dma source(%arg4 : memref<10240xf32, #tpu.memory_space<vmem>>) target(%dma_start3A_20 : memref<10240xf32, #tpu.memory_space<hbm>>) target_semaphore(%run_scoped3A_15 : memref<!tpu.dma_semaphore, #tpu.memory_space<semaphore_mem>>)
      %dma_wait3A = arith.constant 0 : i32
      %dma_wait3A_21 = tpu.memref_slice %arg3[%add3A, %run_scoped3A, %dma_wait3A] : memref<32x1x10240xf32, #tpu.memory_space<hbm>> -> memref<1x1x10240xf32, #tpu.memory_space<hbm>>
      %dma_wait3A_22 = tpu.memref_squeeze %dma_wait3A_21 : memref<1x1x10240xf32, #tpu.memory_space<hbm>> -> memref<10240xf32, #tpu.memory_space<hbm>>
      %dma_wait3A_23 = arith.constant 0 : i32
      %dma_wait3A_24 = tpu.memref_slice %arg3[%add3A, %run_scoped3A, %dma_wait3A_23] : memref<32x1x10240xf32, #tpu.memory_space<hbm>> -> memref<1x1x10240xf32, #tpu.memory_space<hbm>>
      %dma_wait3A_25 = tpu.memref_squeeze %dma_wait3A_24 : memref<1x1x10240xf32, #tpu.memory_space<hbm>> -> memref<10240xf32, #tpu.memory_space<hbm>>
      tpu.wait_dma2 semaphore(%run_scoped3A_15 : memref<!tpu.dma_semaphore, #tpu.memory_space<semaphore_mem>>) src(%arg4 : memref<10240xf32, #tpu.memory_space<vmem>>) dst(%dma_wait3A_25 : memref<10240xf32, #tpu.memory_space<hbm>>)
      tpu.yield
    }) : () -> ()
    return
  }
}

module attributes {stable_mosaic.version = 14 : i64} {
  func.func @_k1_body(%arg0: i32, %arg1: memref<2000x32xf32, #tpu.memory_space<vmem>>, %arg2: memref<2000x128xf32, #tpu.memory_space<vmem>>, %arg3: memref<128x128xf32, #tpu.memory_space<vmem>>, %arg4: memref<2000x1xf32, #tpu.memory_space<vmem>>, %arg5: memref<2000x128xf32, #tpu.memory_space<vmem>>) attributes {dimension_semantics = [#tpu.dimension_semantics<arbitrary>], iteration_bounds = array<i64: 5>, scalar_prefetch = 0 : i64, scratch_operands = 0 : i64, tpu.core_type = #tpu.core_type<tc>, window_params = [{transform_indices = @transform_0, window_bounds = array<i64: 2000, 32>}, {transform_indices = @transform_1, window_bounds = array<i64: 2000, 128>}, {pipeline_mode = #tpu.pipeline_mode<synchronous>, transform_indices = @transform_2, window_bounds = array<i64: 128, 128>}, {transform_indices = @transform_3, window_bounds = array<i64: 2000, 1>}, {transform_indices = @transform_4, window_bounds = array<i64: 2000, 128>}]} {
    %get3A = arith.constant 0 : index
    %get3A_0 = arith.constant 0 : index
    %get3A_1 = vector.load %arg1[%get3A, %get3A_0] : memref<2000x32xf32, #tpu.memory_space<vmem>>, vector<2000x32xf32>
    %reduce_sum3A = arith.constant dense<0.000000e+00> : vector<2000xf32>
    %reduce_sum3A_2 = vector.multi_reduction <add>, %get3A_1, %reduce_sum3A [1] : vector<2000x32xf32> to vector<2000xf32>
    %broadcast_in_dim3A = vector.shape_cast %reduce_sum3A_2 : vector<2000xf32> to vector<2000x1xf32>
    %add3A = arith.constant 1.000000e+00 : f32
    %add3A_3 = vector.broadcast %add3A : f32 to vector<2000x1xf32>
    %add3A_4 = arith.addf %broadcast_in_dim3A, %add3A_3 : vector<2000x1xf32>
    %rsqrt3A = math.rsqrt %add3A_4 : vector<2000x1xf32>
    %swap3A = arith.constant 0 : index
    %swap3A_5 = arith.constant 0 : index
    %swap3A_6 = vector.load %arg4[%swap3A, %swap3A_5] : memref<2000x1xf32, #tpu.memory_space<vmem>>, vector<2000x1xf32>
    tpu.vector_store %arg4[%swap3A, %swap3A_5], %rsqrt3A {strides = array<i32>} : memref<2000x1xf32, #tpu.memory_space<vmem>>, vector<2000x1xf32>,
    %get3A_7 = arith.constant 0 : index
    %get3A_8 = arith.constant 0 : index
    %get3A_9 = vector.load %arg2[%get3A_7, %get3A_8] : memref<2000x128xf32, #tpu.memory_space<vmem>>, vector<2000x128xf32>
    %get3A_10 = arith.constant 0 : index
    %get3A_11 = arith.constant 0 : index
    %get3A_12 = vector.load %arg3[%get3A_10, %get3A_11] : memref<128x128xf32, #tpu.memory_space<vmem>>, vector<128x128xf32>
    %dot_general3A = arith.constant dense<0.000000e+00> : vector<2000x128xf32>
    %dot_general3A_13 = tpu.matmul %get3A_9, %get3A_12, %dot_general3A {dimension_numbers = #tpu.dot_dimension_numbers<[1], [0], [0], [1], [0, 0, 1, 1], [], []>, transpose_lhs_hint = false} : vector<2000x128xf32>, vector<128x128xf32>, vector<2000x128xf32> -> vector<2000x128xf32>
    %mul3A = vector.broadcast %rsqrt3A : vector<2000x1xf32> to vector<2000x128xf32>
    %mul3A_14 = arith.mulf %mul3A, %dot_general3A_13 : vector<2000x128xf32>
    %swap3A_15 = arith.constant 0 : index
    %swap3A_16 = arith.constant 0 : index
    %swap3A_17 = vector.load %arg5[%swap3A_15, %swap3A_16] : memref<2000x128xf32, #tpu.memory_space<vmem>>, vector<2000x128xf32>
    tpu.vector_store %arg5[%swap3A_15, %swap3A_16], %mul3A_14 {strides = array<i32>} : memref<2000x128xf32, #tpu.memory_space<vmem>>, vector<2000x128xf32>,
    return
  }
  func.func @transform_0(%arg0: i32) -> (i32, i32) {
    %c0_i32 = arith.constant 0 : i32
    %c0_i32_0 = arith.constant 0 : i32
    return %arg0, %c0_i32 : i32, i32
  }
  func.func @transform_1(%arg0: i32) -> (i32, i32) {
    %c0_i32 = arith.constant 0 : i32
    %c0_i32_0 = arith.constant 0 : i32
    return %arg0, %c0_i32 : i32, i32
  }
  func.func @transform_2(%arg0: i32) -> (i32, i32) {
    %c0_i32 = arith.constant 0 : i32
    %c0_i32_0 = arith.constant 0 : i32
    %c0_i32_1 = arith.constant 0 : i32
    return %c0_i32, %c0_i32_0 : i32, i32
  }
  func.func @transform_3(%arg0: i32) -> (i32, i32) {
    %c0_i32 = arith.constant 0 : i32
    %c0_i32_0 = arith.constant 0 : i32
    return %arg0, %c0_i32 : i32, i32
  }
  func.func @transform_4(%arg0: i32) -> (i32, i32) {
    %c0_i32 = arith.constant 0 : i32
    %c0_i32_0 = arith.constant 0 : i32
    return %arg0, %c0_i32 : i32, i32
  }
}

module attributes {stable_mosaic.version = 14 : i64} {
  func.func @_k2_body(%arg0: i32, %arg1: memref<2x2560x128xf32, #tpu.memory_space<vmem>>, %arg2: memref<2560x128xf32, #tpu.memory_space<vmem>>, %arg3: memref<2560x1xf32, #tpu.memory_space<vmem>>, %arg4: memref<1x128xf32, #tpu.memory_space<vmem>>, %arg5: memref<128x128xf32, #tpu.memory_space<vmem>>, %arg6: memref<2560x128xf32, #tpu.memory_space<vmem>>, %arg7: memref<2560x128xf32, #tpu.memory_space<vmem>>) attributes {dimension_semantics = [#tpu.dimension_semantics<arbitrary>], iteration_bounds = array<i64: 4>, scalar_prefetch = 0 : i64, scratch_operands = 0 : i64, tpu.core_type = #tpu.core_type<tc>, window_params = [{transform_indices = @transform_0, window_bounds = array<i64: 2, 2560, 128>}, {transform_indices = @transform_1, window_bounds = array<i64: 2560, 128>}, {transform_indices = @transform_2, window_bounds = array<i64: 2560, 1>}, {pipeline_mode = #tpu.pipeline_mode<synchronous>, transform_indices = @transform_3, window_bounds = array<i64: 1, 128>}, {pipeline_mode = #tpu.pipeline_mode<synchronous>, transform_indices = @transform_4, window_bounds = array<i64: 128, 128>}, {transform_indices = @transform_5, window_bounds = array<i64: 2560, 128>}, {transform_indices = @transform_6, window_bounds = array<i64: 2560, 128>}]} {
    %get3A = arith.constant 0 : index
    %get3A_0 = arith.constant 0 : index
    %get3A_1 = vector.load %arg3[%get3A, %get3A_0] : memref<2560x1xf32, #tpu.memory_space<vmem>>, vector<2560x1xf32>
    %get3A_2 = arith.constant 0 : index
    %get3A_3 = arith.constant 0 : index
    %get3A_4 = arith.constant 0 : index
    %get3A_5 = vector.load %arg1[%get3A_2, %get3A_3, %get3A_4] : memref<2x2560x128xf32, #tpu.memory_space<vmem>>, vector<1x2560x128xf32>
    %get3A_6 = vector.shape_cast %get3A_5 : vector<1x2560x128xf32> to vector<2560x128xf32>
    %get3A_7 = arith.constant 1 : index
    %get3A_8 = arith.constant 0 : index
    %get3A_9 = arith.constant 0 : index
    %get3A_10 = vector.load %arg1[%get3A_7, %get3A_8, %get3A_9] : memref<2x2560x128xf32, #tpu.memory_space<vmem>>, vector<1x2560x128xf32>
    %get3A_11 = vector.shape_cast %get3A_10 : vector<1x2560x128xf32> to vector<2560x128xf32>
    %add3A = arith.addf %get3A_6, %get3A_11 : vector<2560x128xf32>
    %get3A_12 = arith.constant 0 : index
    %get3A_13 = arith.constant 0 : index
    %get3A_14 = vector.load %arg2[%get3A_12, %get3A_13] : memref<2560x128xf32, #tpu.memory_space<vmem>>, vector<2560x128xf32>
    %add3A_15 = arith.addf %add3A, %get3A_14 : vector<2560x128xf32>
    %mul3A = vector.broadcast %get3A_1 : vector<2560x1xf32> to vector<2560x128xf32>
    %mul3A_16 = arith.mulf %mul3A, %add3A_15 : vector<2560x128xf32>
    %get3A_17 = arith.constant 0 : index
    %get3A_18 = arith.constant 0 : index
    %get3A_19 = vector.load %arg4[%get3A_17, %get3A_18] : memref<1x128xf32, #tpu.memory_space<vmem>>, vector<1x128xf32>
    %add3A_20 = vector.broadcast %get3A_19 : vector<1x128xf32> to vector<2560x128xf32>
    %add3A_21 = arith.addf %mul3A_16, %add3A_20 : vector<2560x128xf32>
    %swap3A = arith.constant 0 : index
    %swap3A_22 = arith.constant 0 : index
    %swap3A_23 = vector.load %arg6[%swap3A, %swap3A_22] : memref<2560x128xf32, #tpu.memory_space<vmem>>, vector<2560x128xf32>
    tpu.vector_store %arg6[%swap3A, %swap3A_22], %add3A_21 {strides = array<i32>} : memref<2560x128xf32, #tpu.memory_space<vmem>>, vector<2560x128xf32>,
    %get3A_24 = arith.constant 0 : index
    %get3A_25 = arith.constant 0 : index
    %get3A_26 = vector.load %arg5[%get3A_24, %get3A_25] : memref<128x128xf32, #tpu.memory_space<vmem>>, vector<128x128xf32>
    %dot_general3A = arith.constant dense<0.000000e+00> : vector<2560x128xf32>
    %dot_general3A_27 = tpu.matmul %add3A_21, %get3A_26, %dot_general3A {dimension_numbers = #tpu.dot_dimension_numbers<[1], [0], [0], [1], [0, 0, 1, 1], [], []>, transpose_lhs_hint = false} : vector<2560x128xf32>, vector<128x128xf32>, vector<2560x128xf32> -> vector<2560x128xf32>
    %mul3A_28 = vector.broadcast %get3A_1 : vector<2560x1xf32> to vector<2560x128xf32>
    %mul3A_29 = arith.mulf %mul3A_28, %dot_general3A_27 : vector<2560x128xf32>
    %swap3A_30 = arith.constant 0 : index
    %swap3A_31 = arith.constant 0 : index
    %swap3A_32 = vector.load %arg7[%swap3A_30, %swap3A_31] : memref<2560x128xf32, #tpu.memory_space<vmem>>, vector<2560x128xf32>
    tpu.vector_store %arg7[%swap3A_30, %swap3A_31], %mul3A_29 {strides = array<i32>} : memref<2560x128xf32, #tpu.memory_space<vmem>>, vector<2560x128xf32>,
    return
  }
  func.func @transform_0(%arg0: i32) -> (i32, i32, i32) {
    %c0_i32 = arith.constant 0 : i32
    %c0_i32_0 = arith.constant 0 : i32
    %c0_i32_1 = arith.constant 0 : i32
    return %c0_i32, %arg0, %c0_i32_0 : i32, i32, i32
  }
  func.func @transform_1(%arg0: i32) -> (i32, i32) {
    %c0_i32 = arith.constant 0 : i32
    %c0_i32_0 = arith.constant 0 : i32
    return %arg0, %c0_i32 : i32, i32
  }
  func.func @transform_2(%arg0: i32) -> (i32, i32) {
    %c0_i32 = arith.constant 0 : i32
    %c0_i32_0 = arith.constant 0 : i32
    return %arg0, %c0_i32 : i32, i32
  }
  func.func @transform_3(%arg0: i32) -> (i32, i32) {
    %c0_i32 = arith.constant 0 : i32
    %c0_i32_0 = arith.constant 0 : i32
    %c0_i32_1 = arith.constant 0 : i32
    return %c0_i32, %c0_i32_0 : i32, i32
  }
  func.func @transform_4(%arg0: i32) -> (i32, i32) {
    %c0_i32 = arith.constant 0 : i32
    %c0_i32_0 = arith.constant 0 : i32
    %c0_i32_1 = arith.constant 0 : i32
    return %c0_i32, %c0_i32_0 : i32, i32
  }
  func.func @transform_5(%arg0: i32) -> (i32, i32) {
    %c0_i32 = arith.constant 0 : i32
    %c0_i32_0 = arith.constant 0 : i32
    return %arg0, %c0_i32 : i32, i32
  }
  func.func @transform_6(%arg0: i32) -> (i32, i32) {
    %c0_i32 = arith.constant 0 : i32
    %c0_i32_0 = arith.constant 0 : i32
    return %arg0, %c0_i32 : i32, i32
  }
}

module attributes {stable_mosaic.version = 14 : i64} {
  func.func @_k3_body(%arg0: i32, %arg1: memref<2x2000x128xf32, #tpu.memory_space<vmem>>, %arg2: memref<2000x128xf32, #tpu.memory_space<vmem>>, %arg3: memref<2000x1xf32, #tpu.memory_space<vmem>>, %arg4: memref<1x128xf32, #tpu.memory_space<vmem>>, %arg5: memref<2000x128xf32, #tpu.memory_space<vmem>>, %arg6: memref<2000x128xf32, #tpu.memory_space<vmem>>, %arg7: memref<2000x128xf32, #tpu.memory_space<vmem>>, %arg8: memref<128x128xf32, #tpu.memory_space<vmem>>, %arg9: memref<128x128xf32, #tpu.memory_space<vmem>>, %arg10: memref<128x128xf32, #tpu.memory_space<vmem>>, %arg11: memref<128x128xf32, #tpu.memory_space<vmem>>, %arg12: memref<1x128xf32, #tpu.memory_space<vmem>>, %arg13: memref<2000x128xf32, #tpu.memory_space<vmem>>) attributes {dimension_semantics = [#tpu.dimension_semantics<arbitrary>], iteration_bounds = array<i64: 5>, scalar_prefetch = 0 : i64, scratch_operands = 0 : i64, tpu.core_type = #tpu.core_type<tc>, window_params = [{transform_indices = @transform_0, window_bounds = array<i64: 2, 2000, 128>}, {transform_indices = @transform_1, window_bounds = array<i64: 2000, 128>}, {transform_indices = @transform_2, window_bounds = array<i64: 2000, 1>}, {pipeline_mode = #tpu.pipeline_mode<synchronous>, transform_indices = @transform_3, window_bounds = array<i64: 1, 128>}, {transform_indices = @transform_4, window_bounds = array<i64: 2000, 128>}, {transform_indices = @transform_5, window_bounds = array<i64: 2000, 128>}, {transform_indices = @transform_6, window_bounds = array<i64: 2000, 128>}, {pipeline_mode = #tpu.pipeline_mode<synchronous>, transform_indices = @transform_7, window_bounds = array<i64: 128, 128>}, {pipeline_mode = #tpu.pipeline_mode<synchronous>, transform_indices = @transform_8, window_bounds = array<i64: 128, 128>}, {pipeline_mode = #tpu.pipeline_mode<synchronous>, transform_indices = @transform_9, window_bounds = array<i64: 128, 128>}, {pipeline_mode = #tpu.pipeline_mode<synchronous>, transform_indices = @transform_10, window_bounds = array<i64: 128, 128>}, {pipeline_mode = #tpu.pipeline_mode<synchronous>, transform_indices = @transform_11, window_bounds = array<i64: 1, 128>}, {transform_indices = @transform_12, window_bounds = array<i64: 2000, 128>}]} {
    %get3A = arith.constant 0 : index
    %get3A_0 = arith.constant 0 : index
    %get3A_1 = vector.load %arg3[%get3A, %get3A_0] : memref<2000x1xf32, #tpu.memory_space<vmem>>, vector<2000x1xf32>
    %get3A_2 = arith.constant 0 : index
    %get3A_3 = arith.constant 0 : index
    %get3A_4 = arith.constant 0 : index
    %get3A_5 = vector.load %arg1[%get3A_2, %get3A_3, %get3A_4] : memref<2x2000x128xf32, #tpu.memory_space<vmem>>, vector<1x2000x128xf32>
    %get3A_6 = vector.shape_cast %get3A_5 : vector<1x2000x128xf32> to vector<2000x128xf32>
    %get3A_7 = arith.constant 1 : index
    %get3A_8 = arith.constant 0 : index
    %get3A_9 = arith.constant 0 : index
    %get3A_10 = vector.load %arg1[%get3A_7, %get3A_8, %get3A_9] : memref<2x2000x128xf32, #tpu.memory_space<vmem>>, vector<1x2000x128xf32>
    %get3A_11 = vector.shape_cast %get3A_10 : vector<1x2000x128xf32> to vector<2000x128xf32>
    %add3A = arith.addf %get3A_6, %get3A_11 : vector<2000x128xf32>
    %get3A_12 = arith.constant 0 : index
    %get3A_13 = arith.constant 0 : index
    %get3A_14 = vector.load %arg2[%get3A_12, %get3A_13] : memref<2000x128xf32, #tpu.memory_space<vmem>>, vector<2000x128xf32>
    %add3A_15 = arith.addf %add3A, %get3A_14 : vector<2000x128xf32>
    %mul3A = vector.broadcast %get3A_1 : vector<2000x1xf32> to vector<2000x128xf32>
    %mul3A_16 = arith.mulf %mul3A, %add3A_15 : vector<2000x128xf32>
    %get3A_17 = arith.constant 0 : index
    %get3A_18 = arith.constant 0 : index
    %get3A_19 = vector.load %arg4[%get3A_17, %get3A_18] : memref<1x128xf32, #tpu.memory_space<vmem>>, vector<1x128xf32>
    %add3A_20 = vector.broadcast %get3A_19 : vector<1x128xf32> to vector<2000x128xf32>
    %add3A_21 = arith.addf %mul3A_16, %add3A_20 : vector<2000x128xf32>
    %get3A_22 = arith.constant 0 : index
    %get3A_23 = arith.constant 0 : index
    %get3A_24 = vector.load %arg5[%get3A_22, %get3A_23] : memref<2000x128xf32, #tpu.memory_space<vmem>>, vector<2000x128xf32>
    %get3A_25 = arith.constant 0 : index
    %get3A_26 = arith.constant 0 : index
    %get3A_27 = vector.load %arg8[%get3A_25, %get3A_26] : memref<128x128xf32, #tpu.memory_space<vmem>>, vector<128x128xf32>
    %dot_general3A = arith.constant dense<0.000000e+00> : vector<2000x128xf32>
    %dot_general3A_28 = tpu.matmul %get3A_24, %get3A_27, %dot_general3A {dimension_numbers = #tpu.dot_dimension_numbers<[1], [0], [0], [1], [0, 0, 1, 1], [], []>, transpose_lhs_hint = false} : vector<2000x128xf32>, vector<128x128xf32>, vector<2000x128xf32> -> vector<2000x128xf32>
    %get3A_29 = arith.constant 0 : index
    %get3A_30 = arith.constant 0 : index
    %get3A_31 = vector.load %arg6[%get3A_29, %get3A_30] : memref<2000x128xf32, #tpu.memory_space<vmem>>, vector<2000x128xf32>
    %get3A_32 = arith.constant 0 : index
    %get3A_33 = arith.constant 0 : index
    %get3A_34 = vector.load %arg9[%get3A_32, %get3A_33] : memref<128x128xf32, #tpu.memory_space<vmem>>, vector<128x128xf32>
    %dot_general3A_35 = arith.constant dense<0.000000e+00> : vector<2000x128xf32>
    %dot_general3A_36 = tpu.matmul %get3A_31, %get3A_34, %dot_general3A_35 {dimension_numbers = #tpu.dot_dimension_numbers<[1], [0], [0], [1], [0, 0, 1, 1], [], []>, transpose_lhs_hint = false} : vector<2000x128xf32>, vector<128x128xf32>, vector<2000x128xf32> -> vector<2000x128xf32>
    %add3A_37 = arith.addf %dot_general3A_28, %dot_general3A_36 : vector<2000x128xf32>
    %get3A_38 = arith.constant 0 : index
    %get3A_39 = arith.constant 0 : index
    %get3A_40 = vector.load %arg7[%get3A_38, %get3A_39] : memref<2000x128xf32, #tpu.memory_space<vmem>>, vector<2000x128xf32>
    %get3A_41 = arith.constant 0 : index
    %get3A_42 = arith.constant 0 : index
    %get3A_43 = vector.load %arg10[%get3A_41, %get3A_42] : memref<128x128xf32, #tpu.memory_space<vmem>>, vector<128x128xf32>
    %dot_general3A_44 = arith.constant dense<0.000000e+00> : vector<2000x128xf32>
    %dot_general3A_45 = tpu.matmul %get3A_40, %get3A_43, %dot_general3A_44 {dimension_numbers = #tpu.dot_dimension_numbers<[1], [0], [0], [1], [0, 0, 1, 1], [], []>, transpose_lhs_hint = false} : vector<2000x128xf32>, vector<128x128xf32>, vector<2000x128xf32> -> vector<2000x128xf32>
    %add3A_46 = arith.addf %add3A_37, %dot_general3A_45 : vector<2000x128xf32>
    %get3A_47 = arith.constant 0 : index
    %get3A_48 = arith.constant 0 : index
    %get3A_49 = vector.load %arg11[%get3A_47, %get3A_48] : memref<128x128xf32, #tpu.memory_space<vmem>>, vector<128x128xf32>
    %dot_general3A_50 = arith.constant dense<0.000000e+00> : vector<2000x128xf32>
    %dot_general3A_51 = tpu.matmul %add3A_21, %get3A_49, %dot_general3A_50 {dimension_numbers = #tpu.dot_dimension_numbers<[1], [0], [0], [1], [0, 0, 1, 1], [], []>, transpose_lhs_hint = false} : vector<2000x128xf32>, vector<128x128xf32>, vector<2000x128xf32> -> vector<2000x128xf32>
    %add3A_52 = arith.addf %add3A_46, %dot_general3A_51 : vector<2000x128xf32>
    %get3A_53 = arith.constant 0 : index
    %get3A_54 = arith.constant 0 : index
    %get3A_55 = vector.load %arg12[%get3A_53, %get3A_54] : memref<1x128xf32, #tpu.memory_space<vmem>>, vector<1x128xf32>
    %add3A_56 = vector.broadcast %get3A_55 : vector<1x128xf32> to vector<2000x128xf32>
    %add3A_57 = arith.addf %add3A_52, %add3A_56 : vector<2000x128xf32>
    %swap3A = arith.constant 0 : index
    %swap3A_58 = arith.constant 0 : index
    %swap3A_59 = vector.load %arg13[%swap3A, %swap3A_58] : memref<2000x128xf32, #tpu.memory_space<vmem>>, vector<2000x128xf32>
    tpu.vector_store %arg13[%swap3A, %swap3A_58], %add3A_57 {strides = array<i32>} : memref<2000x128xf32, #tpu.memory_space<vmem>>, vector<2000x128xf32>,
    return
  }
  func.func @transform_0(%arg0: i32) -> (i32, i32, i32) {
    %c0_i32 = arith.constant 0 : i32
    %c0_i32_0 = arith.constant 0 : i32
    %c0_i32_1 = arith.constant 0 : i32
    return %c0_i32, %arg0, %c0_i32_0 : i32, i32, i32
  }
  func.func @transform_1(%arg0: i32) -> (i32, i32) {
    %c0_i32 = arith.constant 0 : i32
    %c0_i32_0 = arith.constant 0 : i32
    return %arg0, %c0_i32 : i32, i32
  }
  func.func @transform_2(%arg0: i32) -> (i32, i32) {
    %c0_i32 = arith.constant 0 : i32
    %c0_i32_0 = arith.constant 0 : i32
    return %arg0, %c0_i32 : i32, i32
  }
  func.func @transform_3(%arg0: i32) -> (i32, i32) {
    %c0_i32 = arith.constant 0 : i32
    %c0_i32_0 = arith.constant 0 : i32
    %c0_i32_1 = arith.constant 0 : i32
    return %c0_i32, %c0_i32_0 : i32, i32
  }
  func.func @transform_4(%arg0: i32) -> (i32, i32) {
    %c0_i32 = arith.constant 0 : i32
    %c0_i32_0 = arith.constant 0 : i32
    return %arg0, %c0_i32 : i32, i32
  }
  func.func @transform_5(%arg0: i32) -> (i32, i32) {
    %c0_i32 = arith.constant 0 : i32
    %c0_i32_0 = arith.constant 0 : i32
    return %arg0, %c0_i32 : i32, i32
  }
  func.func @transform_6(%arg0: i32) -> (i32, i32) {
    %c0_i32 = arith.constant 0 : i32
    %c0_i32_0 = arith.constant 0 : i32
    return %arg0, %c0_i32 : i32, i32
  }
  func.func @transform_7(%arg0: i32) -> (i32, i32) {
    %c0_i32 = arith.constant 0 : i32
    %c0_i32_0 = arith.constant 0 : i32
    %c0_i32_1 = arith.constant 0 : i32
    return %c0_i32, %c0_i32_0 : i32, i32
  }
  func.func @transform_8(%arg0: i32) -> (i32, i32) {
    %c0_i32 = arith.constant 0 : i32
    %c0_i32_0 = arith.constant 0 : i32
    %c0_i32_1 = arith.constant 0 : i32
    return %c0_i32, %c0_i32_0 : i32, i32
  }
  func.func @transform_9(%arg0: i32) -> (i32, i32) {
    %c0_i32 = arith.constant 0 : i32
    %c0_i32_0 = arith.constant 0 : i32
    %c0_i32_1 = arith.constant 0 : i32
    return %c0_i32, %c0_i32_0 : i32, i32
  }
  func.func @transform_10(%arg0: i32) -> (i32, i32) {
    %c0_i32 = arith.constant 0 : i32
    %c0_i32_0 = arith.constant 0 : i32
    %c0_i32_1 = arith.constant 0 : i32
    return %c0_i32, %c0_i32_0 : i32, i32
  }
  func.func @transform_11(%arg0: i32) -> (i32, i32) {
    %c0_i32 = arith.constant 0 : i32
    %c0_i32_0 = arith.constant 0 : i32
    %c0_i32_1 = arith.constant 0 : i32
    return %c0_i32, %c0_i32_0 : i32, i32
  }
  func.func @transform_12(%arg0: i32) -> (i32, i32) {
    %c0_i32 = arith.constant 0 : i32
    %c0_i32_0 = arith.constant 0 : i32
    return %arg0, %c0_i32 : i32, i32
  }
}

</mosaic_0001>

<sc_bundles>
// kernel: kernel.10.cloned.1.call-start
scs
__scs_entry_jumppad:
0x0: {  	(pc) =	sbr.rel $0x88, $3  }
0x1: {  	(tag) =	ssettag $0x0;
	lr =	simm.s32 $0x1  }
0x2: {  	[smem:$0x3F97] =	sst lr;
	_ =	strace $0xD0000000  }
0x3: {  	_ = 	snop  }
0x4: {  	_ = 	snop  }
0x5: {  	_ = 	snop  }
0x6: {  	_ = 	snop  }
0x7: {  	_ = 	snop  }
__scs_overlays_trampoline_lowered:
0x8: {  	[smem:$0x3FA6] =	sst s0  }
0x9: {  	[smem:$0x3FA7] =	sst s1  }
0xa: {  	[smem:$0x3FA8] =	sst s2  }
0xb: {  	[smem:$0x3FA9] =	sst s3  }
0xc: {  	[smem:$0x3FAA] =	sst s4  }
0xd: {  	[smem:$0x3FAB] =	sst s5  }
0xe: {  	[smem:$0x3FAC] =	sst s6  }
0xf: {  	[smem:$0x3FAD] =	sst s7  }
0x10: {  	[smem:$0x3FAE] =	sst s8  }
0x11: {  	[smem:$0x3FAF] =	sst s9;
	s0 =	simm.s32 @!p0 $0x0  }
0x12: {  	s1 =	sld [smem:$0x3F95];
	s0 =	simm.s32 @p0 $0x1  }
0x13: {  	[smem:$0x3FB0] =	sst s0;
	s0 =	simm.s32 @!p1 $0x0  }
0x14: {  	s2 =	sld [smem:$0x3F94];
	s0 =	simm.s32 @p1 $0x1  }
0x15: {  	[smem:$0x3FB1] =	sst s0;
	s0 =	simm.s32 @!p2 $0x0  }
0x16: {  	s3 =	sld [smem:$0x3FDB];
	s0 =	simm.s32 @p2 $0x1  }
0x17: {  	s4 =	simm.s32 $0x1BF5;
	[smem:$0x3FB3] =	sst s0  }
0x18: {  	s0 =	sld [smem:$0x3F96];
	_ =	swait.ge [sflag:s4], $0x0  }
0x19: {  	s7 =	sld [smem:$0x3F97]  }
0x1a: {  	s8 =	sadd.s32 $0xFFFFE003, lr  }
0x1b: {  	s9 =	sadd.s32 $0xFFFFFEF7, lr;
	s5 =	simm.s32 $0xFFFFFFFF;
	p2 =	slt.u32 s8, $0xFFFFF086  }
0x1c: {  	p1 =	slt.u32 s9, $0xF7A;
	s5 =	simm.s32 @!p2 $0x0  }
0x1d: {  	s5 =	simm.s32 @p1 $0x1;
	p0 =	seq.s32 s7, s2  }
0x1e: {  	s7 =	smul.u32 @!p0 $0xF7A, s2;
	p2 =	seq.s32 @!p0 s5, $0x0  }
0x1f: {  	s9 =	smul.u32 $0xF7A, s1;
	s8 =	simm.s32 @!p0 $0x1BF5;
	p2 =	por !p2, p0  }
0x20: {  	[sflag:s8] =	ssyncset.s32 @!p0 $0xFFFFF086;
	s6 =	sadd.s32 @!p0 s3, s7;
	s7 =	simm.s32 @!p0 $0x108  }
0x21: {  	s3 =	sadd.s32 s3, s9;
	s6 =	sadd.s32 @!p0 $0x88, s6;
	s7 =	simm.s32 @p2 $0x1082  }
0x22: {  	[simem:s7], [sflag:s8] =	dma.local @!p0 [hbm:s6], $0xF7A  }
0x23: {  	s9 =	sor.u32 $0xD0000000, s2;
	s6 =	simm.s32 $0x108;
	_ =	swait.ge @!p0 [sflag:s8], $0x0  }
0x24: {  	s3 =	sadd.s32 $0x88, s3;
	s6 =	simm.s32 @!p1 $0x1082;
	[sflag:s4] =	ssyncset.s32 $0xFFFFF086  }
0x25: {  	[simem:s6], [sflag:s4] =	dma.local [hbm:s3], $0xF7A  }
0x26: {  	[smem:$0x3F97] =	sst s1;
	(tag) =	ssettag s2;
	_ =	strace s9  }
0x27: {  	s1 =	sld [smem:$0x3FA7]  }
0x28: {  	s2 =	sld [smem:$0x3FA8]  }
0x29: {  	s4 =	sld [smem:$0x3FAA]  }
0x2a: {  	p0 =	seq.s32 s5, $0x0;
	s5 =	sld [smem:$0x3FAB]  }
0x2b: {  	s6 =	sld [smem:$0x3FAC]  }
0x2c: {  	s7 =	sld [smem:$0x3FAD]  }
0x2d: {  	s3 =	simm.s32 $0x108;
	s8 =	sld [smem:$0x3FAE]  }
0x2e: {  	s3 =	simm.s32 @!p0 $0x1082;
	s9 =	sld [smem:$0x3FAF]  }
0x2f: {  	lr =	sadd.s32 s0, s3;
	s0 =	sld [smem:$0x3FA6]  }
0x30: {  	s3 =	sld [smem:$0x3FA9]  }
0x31: {  	[smem:$0x3FB2] =	sst s10  }
0x32: {  	s10 =	sld [smem:$0x3FB0];
	_ =	sdelay $0x3  }
0x33: {  	p0 =	seq.s32 s10, $0x1;
	s10 =	sld [smem:$0x3FB2];
	_ =	sdelay $0x3  }
0x34: {  	[smem:$0x3FB2] =	sst s10  }
0x35: {  	s10 =	sld [smem:$0x3FB1];
	_ =	sdelay $0x3  }
0x36: {  	p1 =	seq.s32 s10, $0x1;
	s10 =	sld [smem:$0x3FB2];
	_ =	sdelay $0x3  }
0x37: {  	[smem:$0x3FB2] =	sst s10  }
0x38: {  	s10 =	sld [smem:$0x3FB3]  }
0x39: {  	_ = 	snop;
	(pc) =	sbr.ind lr, $3  }
0x3a: {  	_ = 	snop  }
0x3b: {  	_ = 	snop  }
0x3c: {  	p2 =	seq.s32 s10, $0x1;
	s10 =	sld [smem:$0x3FB2]  }
0x3d: {  	_ =	shalt  }
0x3e: {  	_ =	shalt  }
0x3f: {  	_ =	shalt  }
0x40: {  	_ =	shalt  }
0x41: {  	_ =	shalt  }
0x42: {  	_ =	shalt  }
0x43: {  	_ =	shalt  }
0x44: {  	_ =	shalt  }
0x45: {  	_ =	shalt  }
0x46: {  	_ =	shalt  }
0x47: {  	_ =	shalt  }
0x48: {  	_ =	shalt  }
0x49: {  	_ =	shalt  }
0x4a: {  	_ =	shalt  }
0x4b: {  	_ =	shalt  }
0x4c: {  	_ =	shalt  }
0x4d: {  	_ =	shalt  }
0x4e: {  	_ =	shalt  }
0x4f: {  	_ =	shalt  }
0x50: {  	_ =	shalt  }
0x51: {  	_ =	shalt  }
0x52: {  	_ =	shalt  }
0x53: {  	_ =	shalt  }
0x54: {  	_ =	shalt  }
0x55: {  	_ =	shalt  }
0x56: {  	_ =	shalt  }
0x57: {  	_ =	shalt  }
0x58: {  	_ =	shalt  }
0x59: {  	_ =	shalt  }
0x5a: {  	_ =	shalt  }
0x5b: {  	_ =	shalt  }
0x5c: {  	_ =	shalt  }
0x5d: {  	_ =	shalt  }
0x5e: {  	_ =	shalt  }
0x5f: {  	_ =	shalt  }
0x60: {  	_ =	shalt  }
0x61: {  	_ =	shalt  }
0x62: {  	_ =	shalt  }
0x63: {  	_ =	shalt  }
0x64: {  	_ =	shalt  }
0x65: {  	_ =	shalt  }
0x66: {  	_ =	shalt  }
0x67: {  	_ =	shalt  }
0x68: {  	_ =	shalt  }
0x69: {  	_ =	shalt  }
0x6a: {  	_ =	shalt  }
0x6b: {  	_ =	shalt  }
0x6c: {  	_ =	shalt  }
0x6d: {  	_ =	shalt  }
0x6e: {  	_ =	shalt  }
0x6f: {  	_ =	shalt  }
0x70: {  	_ =	shalt  }
0x71: {  	_ =	shalt  }
0x72: {  	_ =	shalt  }
0x73: {  	_ =	shalt  }
0x74: {  	_ =	shalt  }
0x75: {  	_ =	shalt  }
0x76: {  	_ =	shalt  }
0x77: {  	_ =	shalt  }
0x78: {  	_ =	shalt  }
0x79: {  	_ =	shalt  }
0x7a: {  	_ =	shalt  }
0x7b: {  	_ =	shalt  }
0x7c: {  	_ =	shalt  }
0x7d: {  	_ =	shalt  }
0x7e: {  	_ =	shalt  }
0x7f: {  	_ =	shalt  }
0x80: {  	_ =	shalt  }
0x81: {  	_ =	shalt  }
0x82: {  	_ =	shalt  }
0x83: {  	_ =	shalt  }
0x84: {  	_ =	shalt  }
0x85: {  	_ =	shalt  }
0x86: {  	_ =	shalt  }
0x87: {  	_ =	shalt  }
.Lfunc_end0:
.L_simem_size_0:
called_computation_lowered:
.L_overlay_start_0:
0x88: {  	s2 =	sld [smem:$0x3FD9]  }
0x89: {  	s3 =	sld [smem:$0x3FFE];
	_ =	sdelay $0x1  }
0x8a: {  	s1 =	srdreg.scid  }
0x8b: {  	s0 =	sand.u32 $0x1, s1  }
0x8c: {  	s17 =	sshll.u32 s0, $0xA;
	s2 =	sadd.s32 s3, s2  }
0x8d: {  	s2 =	sadd.s32 s2, s17  }
0x8e: {  	[smem:$0x3FBE] =	sst s2  }
0x8f: {  	_ = 	snop  }
0x90: {  	s2 =	sld [smem:$0x3FD0];
	(tm) =	ssettm $0x1  }
0x91: {  	s18 =	sld [smem:$0x3FFB];
	_ =	sdelay $0x3  }
0x92: {  	_ =	strace s18  }
0x93: {  	s3 =	sld [smem:$0x3FFC];
	_ =	sdelay $0x3  }
0x94: {  	_ =	strace s3  }
0x95: {  	s3 =	sld [smem:$0x3FFD];
	_ =	sdelay $0x3  }
0x96: {  	_ =	strace s3  }
0x97: {  	_ =	strace $0x8FFFFFFF  }
0x98: {  	s19 =	sld [smem:$0x3FDB];
	_ =	sdelay $0x1  }
0x99: {  	s4 =	simm.s32 $_scs_section_size  }
0x9a: {  	s5 =	simm.s32 $_size__tile_overlayer_lowered;
	s6 =	simm.s32 $_tile_overlayer_lowered  }
0x9b: {  	s22 =	simm.s32 $0x1BFF;
	s21 =	sshll.u32 s6, $0x1;
	s3 =	sadd.s32 s4, s19  }
0x9c: {  	s7 =	simm.s32 $0x0;
	s20 =	sshll.u32 s5, $0x1;
	s5 =	sadd.s32 s21, s3  }
0x9d: {  	[timem:s7], [sflag:s22] =	dma.local [hbm:s5], s20  }
0x9e: {  	_ =	swait.ge [sflag:s22], s20  }
0x9f: {  	s4 =	ssub.s32 $0x0, s20;
	[sflag:s22] =	ssyncset.done $0x0  }
0xa0: {  	[sflag:s22] =	ssyncadd.s32 s4;
	_ =	sdelay $0x1  }
0xa1: {  	s23 =	simm.s32 $0x1B8B  }
0xa2: {  	_ =	swait.ge [sflag:s23], $0x1  }
0xa3: {  	[sflag:s23] =	ssyncset.done $0x0  }
0xa4: {  	s25 =	simm.s32 $0x1B8E;
	s24 =	sld [smem:$0x3FFE];
	[sflag:s23] =	ssyncadd.s32 $0xFFFFFFFF  }
0xa5: {  	s26 =	simm.s32 $execute0_lowered;
	[smem:$0x3FD2] =	sst s25  }
0xa6: {  	s5 =	sshll.u32 s26, $0x1;
	_ =	strace $0x80000046;
	[dreg:$0x1] =	wrdreg $0xFFFFFFFF  }
0xa7: {  	s28 =	simm.s32 $_size_execute0_lowered;
	s3 =	sadd.s32 s3, s5;
	[dreg:$0x0] =	wrdreg $0x0  }
0xa8: {  	s5 =	sshll.u32 s28, $0x1;
	[dreg:$0x2] =	wrdreg s3  }
0xa9: {  	[dreg:$0x3] =	wrdreg s5  }
0xaa: {  	[dreg:$0x4] =	wrdreg $0xC0  }
0xab: {  	_ =	task [dreg:s7], $0x5FFFF  }
0xac: {  	[dreg:$0x1] =	wrdreg $0xFFFFFFFF  }
0xad: {  	[dreg:$0x0] =	wrdreg $0x60  }
0xae: {  	[dreg:$0x2] =	wrdreg s2  }
0xaf: {  	[dreg:$0x3] =	wrdreg s24  }
0xb0: {  	[dreg:$0x4] =	wrdreg $0x9  }
0xb1: {  	_ =	task.clear_ibuf [dreg:s7], $0x5FFFF;
	_ =	strace $0x90000046  }
0xb2: {  	s29 =	simm.s32 $0x9;
	_ =	strace $0x80000048  }
0xb3: {  	_ =	swait.ge [sflag:s29], $0x1  }
0xb4: {  	[sflag:s29] =	ssyncadd.s32 $0xFFFFFFFF  }
0xb5: {  	_ =	strace $0x90000048  }
0xb6: {  	_ =	sfence  }
0xb7: {  	s30 =	sld [smem:$0x0];
	_ =	sdelay $0x2  }
0xb8: {  	s31 =	sshll.u32 s1, $0xD;
	s1 =	sshrl.u32 s1, $0x2  }
0xb9: {  	s3 =	sand.u32 $0x4000, s31;
	s1 =	sadd.s32 s1, s30  }
0xba: {  	s0 =	sor.u32 s3, s0;
	s1 =	sshll.u32 s1, $0x11  }
0xbb: {  	s0 =	sor.u32 s1, s0  }
0xbc: {  	s0 =	sadd.s32 $0x8F2B, s0  }
0xbd: {  	[sflag:s0] =	ssyncadd.remote.s32 $0x1  }
0xbe: {  	_ =	sfence.sel $0xFFFF  }
0xbf: {  	[dreg:$0x0] =	wrdreg $0xFFFFFFFF;
	(pc) =	sbr.abs _section_cstart, $3  }
0xc0: {  	[dreg:$0x1] =	wrdreg $0xFFFFFFFF  }
0xc1: {  	_ =	task.clear_ibuf [dreg:s7], $0x2FFFF;
	_ =	strace $0x9FFFFFFF  }
0xc2: {  	(tm) =	ssettm $0x7FFFFFFF  }
0xc3: {  	_ =	shalt  }
tec
execute0_lowered:
.L_overlay_start_1:
0x0: {  	(tag) =	ssettag $0x1  }
0x1: {  	s0 =	srdreg.scid  }
0x2: {  	s3 =	rddreg [dreg:$0x0];
	s4 =	sand.u32 $0x1, s0  }
0x3: {  	s5 =	rddreg [dreg:$0x1];
	s1 =	stileid.u32;
	s2 =	sshll.u32 s4, $0x4  }
0x4: {  	s0 =	rddreg [dreg:$0x2];
	s6 =	sor.u32 s1, s2  }
0x5: {  	s4 =	ssub.s32 $0x2, s4;
	s2 =	simm.s32 $0x0;
	s7 =	smul.u32 $0x500, s6  }
0x6: {  	s8 =	sshrl.u32 s4, $0x1;
	[smem:$0x7FF] =	sst s2;
	s6 =	smul.u32 $0xA00, s6  }
0x7: {  	s31 =	ssub.s32 s4, s8;
	s8 =	simm.s32 $0x0;
	_ =	strace $0x80000047  }
0x8: {  	s5 =	sadd.s32 s7, s5;
	s3 =	sadd.s32 s3, s6;
	s6 =	simm.s32 $0x2800  }
0x9: {  	v0 =	vimm.f32 $0.0e+00;
	v1 =	vimm.f32 $1.000000000e+00;
	s7 =	simm.s32 $0x1;
	s4 =	sadd.s32 $0x3E00, s5;
	s5 =	smax.u32 s31, $0x1  }
.LBB2_1:
0xa: {  	s9 =	simm.s32 $0x40;
	s10 =	simm.s32 $0x0  }
.LBB2_2:
0xb: {  	p0 =	sne.s32 s9, $0x9FC0;
	[tilespmem:s10+$0x0] =	vst v0;
	s10 =	smov.u32 s9;
	s9 =	sadd.s32 $0x40, s9  }
.Ltmp0:
0xc: {  	(pc) =	sbr.rel @p0 .LBB2_2-.Ltmp0, $2  }
0xd: {  	_ =	sdelay $0x2  }
0xe: {  	s10 =	sshra.s32 s10, $0x2  }
0xf: {  	[tilespmem:s10+$0x0] =	vst v0;
	s9 =	simm.s32 $0x0  }
0x10: {  	[tilespmem:s6], [sflag:$0x1] =	stream.linear.gather [hbm4b:s3+s9], $0x5000, $0x38;
	[tilespmem:$0x7800] =	vst v63  }
0x11: {  	_ =	swait.ge [sflag:s7], $0x5000  }
0x12: {  	s31 =	sand.u32 $0x70, s9;
	s9 =	sand.u32 $0x7F00, s9;
	[sflag:s7] =	ssyncset.done $0x0  }
0x13: {  	s10 =	sor.u32 s31, s9;
	[sflag:s7] =	ssyncadd.s32 $0xFFFFB000  }
0x14: {  	v2 =	vld [tilespmem:s10+$0x2880];
	_ =	sdelay $0x5  }
0x15: {  	s11 =	simm.s32 $0x10;
	s9 =	simm.s32 $0x20  }
0x16: {  	s11 =	sand.u32 $0x70, s11;
	s12 =	sand.u32 $0x7F00, s9;
	s10 =	simm.s32 $0x20  }
.LBB2_4:
0x17: {  	p0 =	sne.s32 s10, $0x27F0;
	s11 =	sor.u32 s11, s12;
	[tilespmem:v2+s2+$0x0] =	vst.idx.add.f32.msk $0xffff, v1  }
0x18: {  	v2 =	vld [tilespmem:s11+$0x2880];
	_ =	sdelay $0x2  }
.Ltmp1:
0x19: {  	(pc) =	sbr.rel @p0 .LBB2_4-.Ltmp1, $3  }
0x1a: {  	_ =	sdelay $0x1  }
0x1b: {  	s9 =	sadd.s32 $0x20, s9  }
0x1c: {  	s11 =	sand.u32 $0x70, s10;
	s12 =	sand.u32 $0x7F00, s9;
	s10 =	sadd.s32 $0x10, s10  }
0x1d: {  	_ =	sdelay $0x3  }
0x1e: {  	s9 =	sor.u32 s11, s12;
	[tilespmem:v2+s2+$0x0] =	vst.idx.add.f32.msk $0xffff, v1  }
0x1f: {  	v2 =	vld [tilespmem:s9+$0x2880];
	_ =	sdelay $0x5  }
0x20: {  	s8 =	sadd.s32 $0x1, s8  }
0x21: {  	p0 =	sne.s32 s8, s5  }
.Ltmp2:
0x22: {  	[tilespmem:v2+s2+$0x0] =	vst.idx.add.f32.msk $0xffff, v1;
	(pc) =	sbr.rel @p0 .LBB2_1-.Ltmp2, $4  }
0x23: {  	[hbm4b:s4+s2] =	stream.linear.scatter [tilespmem:s2], [sflag:$0x1], $0x2800, $0x38;
	[tilespmem:$0x7800] =	vst v63  }
0x24: {  	_ =	swait.ge [sflag:s7], $0x2800  }
0x25: {  	[sflag:s7] =	ssyncset.done $0x0  }
0x26: {  	[sflag:s7] =	ssyncadd.s32 $0xFFFFD800  }
0x27: {  	_ =	sfence.sel $0x180000  }
0x28: {  	[bflag:$0x0] =	sbarrier.arrive $0xFFFF  }
0x29: {  	p0 =	sne.s32 s1, $0x0;
	_ =	strace $0x90000047  }
0x2a: {  	s0 =	sadd.s32 @!p0 $0x100000, s0;
	[bflag:$0x2] =	sbarrier.arrive $0xFFFF  }
0x2b: {  	[sflag:s0] =	ssyncadd.tile.s32 @!p0 $0x1;
	_ =	shalt  }
.Lfunc_end2:
_tile_overlayer_lowered:
.L_overlay_start_2:
0x2c: {  	(tag) =	ssettag $0x2  }
0x2d: {  	s0 =	rddreg [dreg:$0x0];
	s2 =	stileid.u32  }
0x2e: {  	s1 =	rddreg [dreg:$0x1];
	p0 =	sne.s32 s2, $0x0  }
0x2f: {  	s3 =	rddreg [dreg:$0x2];
	[bflag:$0x3] =	sbarrier.arrive $0xFFFF;
	s2 =	simm.s32 @!p0 $0x1C01  }
0x30: {  	[timem:s3], [sflag:s2] =	dma.local @!p0 [hbm:s0], s1  }
0x31: {  	s0 =	simm.s32 @!p0 $0x1  }
0x32: {  	_ =	swait.ge @!p0 [sflag:s0], s1  }
0x33: {  	s1 =	ssub.s32 @!p0 $0x0, s1;
	[sflag:s0] =	ssyncset.done @!p0 $0x0  }
0x34: {  	[sflag:s0] =	ssyncadd.s32 @!p0 s1  }
0x35: {  	[bflag:$0x3] =	sbarrier.arrive $0xFFFF  }
0x36: {  	_ =	shalt  }

// kernel: kernel.13.cloned.1.call-start
scs
__scs_entry_jumppad:
0x0: {  	(pc) =	sbr.rel $0x88, $3  }
0x1: {  	(tag) =	ssettag $0x0;
	lr =	simm.s32 $0x1  }
0x2: {  	[smem:$0x3F97] =	sst lr;
	_ =	strace $0xD0000000  }
0x3: {  	_ = 	snop  }
0x4: {  	_ = 	snop  }
0x5: {  	_ = 	snop  }
0x6: {  	_ = 	snop  }
0x7: {  	_ = 	snop  }
__scs_overlays_trampoline_lowered:
0x8: {  	[smem:$0x3FA6] =	sst s0  }
0x9: {  	[smem:$0x3FA7] =	sst s1  }
0xa: {  	[smem:$0x3FA8] =	sst s2  }
0xb: {  	[smem:$0x3FA9] =	sst s3  }
0xc: {  	[smem:$0x3FAA] =	sst s4  }
0xd: {  	[smem:$0x3FAB] =	sst s5  }
0xe: {  	[smem:$0x3FAC] =	sst s6  }
0xf: {  	[smem:$0x3FAD] =	sst s7  }
0x10: {  	[smem:$0x3FAE] =	sst s8  }
0x11: {  	[smem:$0x3FAF] =	sst s9;
	s0 =	simm.s32 @!p0 $0x0  }
0x12: {  	s1 =	sld [smem:$0x3F95];
	s0 =	simm.s32 @p0 $0x1  }
0x13: {  	[smem:$0x3FB0] =	sst s0;
	s0 =	simm.s32 @!p1 $0x0  }
0x14: {  	s2 =	sld [smem:$0x3F94];
	s0 =	simm.s32 @p1 $0x1  }
0x15: {  	[smem:$0x3FB1] =	sst s0;
	s0 =	simm.s32 @!p2 $0x0  }
0x16: {  	s3 =	sld [smem:$0x3FDB];
	s0 =	simm.s32 @p2 $0x1  }
0x17: {  	s4 =	simm.s32 $0x1BF5;
	[smem:$0x3FB3] =	sst s0  }
0x18: {  	s0 =	sld [smem:$0x3F96];
	_ =	swait.ge [sflag:s4], $0x0  }
0x19: {  	s7 =	sld [smem:$0x3F97]  }
0x1a: {  	s8 =	sadd.s32 $0xFFFFE003, lr  }
0x1b: {  	s9 =	sadd.s32 $0xFFFFFEF7, lr;
	s5 =	simm.s32 $0xFFFFFFFF;
	p2 =	slt.u32 s8, $0xFFFFF086  }
0x1c: {  	p1 =	slt.u32 s9, $0xF7A;
	s5 =	simm.s32 @!p2 $0x0  }
0x1d: {  	s5 =	simm.s32 @p1 $0x1;
	p0 =	seq.s32 s7, s2  }
0x1e: {  	s7 =	smul.u32 @!p0 $0xF7A, s2;
	p2 =	seq.s32 @!p0 s5, $0x0  }
0x1f: {  	s9 =	smul.u32 $0xF7A, s1;
	s8 =	simm.s32 @!p0 $0x1BF5;
	p2 =	por !p2, p0  }
0x20: {  	[sflag:s8] =	ssyncset.s32 @!p0 $0xFFFFF086;
	s6 =	sadd.s32 @!p0 s3, s7;
	s7 =	simm.s32 @!p0 $0x108  }
0x21: {  	s3 =	sadd.s32 s3, s9;
	s6 =	sadd.s32 @!p0 $0x88, s6;
	s7 =	simm.s32 @p2 $0x1082  }
0x22: {  	[simem:s7], [sflag:s8] =	dma.local @!p0 [hbm:s6], $0xF7A  }
0x23: {  	s9 =	sor.u32 $0xD0000000, s2;
	s6 =	simm.s32 $0x108;
	_ =	swait.ge @!p0 [sflag:s8], $0x0  }
0x24: {  	s3 =	sadd.s32 $0x88, s3;
	s6 =	simm.s32 @!p1 $0x1082;
	[sflag:s4] =	ssyncset.s32 $0xFFFFF086  }
0x25: {  	[simem:s6], [sflag:s4] =	dma.local [hbm:s3], $0xF7A  }
0x26: {  	[smem:$0x3F97] =	sst s1;
	(tag) =	ssettag s2;
	_ =	strace s9  }
0x27: {  	s1 =	sld [smem:$0x3FA7]  }
0x28: {  	s2 =	sld [smem:$0x3FA8]  }
0x29: {  	s4 =	sld [smem:$0x3FAA]  }
0x2a: {  	p0 =	seq.s32 s5, $0x0;
	s5 =	sld [smem:$0x3FAB]  }
0x2b: {  	s6 =	sld [smem:$0x3FAC]  }
0x2c: {  	s7 =	sld [smem:$0x3FAD]  }
0x2d: {  	s3 =	simm.s32 $0x108;
	s8 =	sld [smem:$0x3FAE]  }
0x2e: {  	s3 =	simm.s32 @!p0 $0x1082;
	s9 =	sld [smem:$0x3FAF]  }
0x2f: {  	lr =	sadd.s32 s0, s3;
	s0 =	sld [smem:$0x3FA6]  }
0x30: {  	s3 =	sld [smem:$0x3FA9]  }
0x31: {  	[smem:$0x3FB2] =	sst s10  }
0x32: {  	s10 =	sld [smem:$0x3FB0];
	_ =	sdelay $0x3  }
0x33: {  	p0 =	seq.s32 s10, $0x1;
	s10 =	sld [smem:$0x3FB2];
	_ =	sdelay $0x3  }
0x34: {  	[smem:$0x3FB2] =	sst s10  }
0x35: {  	s10 =	sld [smem:$0x3FB1];
	_ =	sdelay $0x3  }
0x36: {  	p1 =	seq.s32 s10, $0x1;
	s10 =	sld [smem:$0x3FB2];
	_ =	sdelay $0x3  }
0x37: {  	[smem:$0x3FB2] =	sst s10  }
0x38: {  	s10 =	sld [smem:$0x3FB3]  }
0x39: {  	_ = 	snop;
	(pc) =	sbr.ind lr, $3  }
0x3a: {  	_ = 	snop  }
0x3b: {  	_ = 	snop  }
0x3c: {  	p2 =	seq.s32 s10, $0x1;
	s10 =	sld [smem:$0x3FB2]  }
0x3d: {  	_ =	shalt  }
0x3e: {  	_ =	shalt  }
0x3f: {  	_ =	shalt  }
0x40: {  	_ =	shalt  }
0x41: {  	_ =	shalt  }
0x42: {  	_ =	shalt  }
0x43: {  	_ =	shalt  }
0x44: {  	_ =	shalt  }
0x45: {  	_ =	shalt  }
0x46: {  	_ =	shalt  }
0x47: {  	_ =	shalt  }
0x48: {  	_ =	shalt  }
0x49: {  	_ =	shalt  }
0x4a: {  	_ =	shalt  }
0x4b: {  	_ =	shalt  }
0x4c: {  	_ =	shalt  }
0x4d: {  	_ =	shalt  }
0x4e: {  	_ =	shalt  }
0x4f: {  	_ =	shalt  }
0x50: {  	_ =	shalt  }
0x51: {  	_ =	shalt  }
0x52: {  	_ =	shalt  }
0x53: {  	_ =	shalt  }
0x54: {  	_ =	shalt  }
0x55: {  	_ =	shalt  }
0x56: {  	_ =	shalt  }
0x57: {  	_ =	shalt  }
0x58: {  	_ =	shalt  }
0x59: {  	_ =	shalt  }
0x5a: {  	_ =	shalt  }
0x5b: {  	_ =	shalt  }
0x5c: {  	_ =	shalt  }
0x5d: {  	_ =	shalt  }
0x5e: {  	_ =	shalt  }
0x5f: {  	_ =	shalt  }
0x60: {  	_ =	shalt  }
0x61: {  	_ =	shalt  }
0x62: {  	_ =	shalt  }
0x63: {  	_ =	shalt  }
0x64: {  	_ =	shalt  }
0x65: {  	_ =	shalt  }
0x66: {  	_ =	shalt  }
0x67: {  	_ =	shalt  }
0x68: {  	_ =	shalt  }
0x69: {  	_ =	shalt  }
0x6a: {  	_ =	shalt  }
0x6b: {  	_ =	shalt  }
0x6c: {  	_ =	shalt  }
0x6d: {  	_ =	shalt  }
0x6e: {  	_ =	shalt  }
0x6f: {  	_ =	shalt  }
0x70: {  	_ =	shalt  }
0x71: {  	_ =	shalt  }
0x72: {  	_ =	shalt  }
0x73: {  	_ =	shalt  }
0x74: {  	_ =	shalt  }
0x75: {  	_ =	shalt  }
0x76: {  	_ =	shalt  }
0x77: {  	_ =	shalt  }
0x78: {  	_ =	shalt  }
0x79: {  	_ =	shalt  }
0x7a: {  	_ =	shalt  }
0x7b: {  	_ =	shalt  }
0x7c: {  	_ =	shalt  }
0x7d: {  	_ =	shalt  }
0x7e: {  	_ =	shalt  }
0x7f: {  	_ =	shalt  }
0x80: {  	_ =	shalt  }
0x81: {  	_ =	shalt  }
0x82: {  	_ =	shalt  }
0x83: {  	_ =	shalt  }
0x84: {  	_ =	shalt  }
0x85: {  	_ =	shalt  }
0x86: {  	_ =	shalt  }
0x87: {  	_ =	shalt  }
.Lfunc_end0:
.L_simem_size_0:
called_computation.1_lowered:
.L_overlay_start_0:
0x88: {  	s2 =	sld [smem:$0x3FD9]  }
0x89: {  	s3 =	sld [smem:$0x3FFE];
	_ =	sdelay $0x1  }
0x8a: {  	s1 =	srdreg.scid  }
0x8b: {  	s0 =	sand.u32 $0x1, s1  }
0x8c: {  	s17 =	sshll.u32 s0, $0xA;
	s2 =	sadd.s32 s3, s2  }
0x8d: {  	s2 =	sadd.s32 s2, s17  }
0x8e: {  	[smem:$0x3FBE] =	sst s2  }
0x8f: {  	_ = 	snop  }
0x90: {  	s2 =	sld [smem:$0x3FD0];
	(tm) =	ssettm $0x1  }
0x91: {  	s18 =	sld [smem:$0x3FFB];
	_ =	sdelay $0x3  }
0x92: {  	_ =	strace s18  }
0x93: {  	s3 =	sld [smem:$0x3FFC];
	_ =	sdelay $0x3  }
0x94: {  	_ =	strace s3  }
0x95: {  	s3 =	sld [smem:$0x3FFD];
	_ =	sdelay $0x3  }
0x96: {  	_ =	strace s3  }
0x97: {  	_ =	strace $0x8FFFFFFF  }
0x98: {  	s19 =	sld [smem:$0x3FDB];
	_ =	sdelay $0x1  }
0x99: {  	s4 =	simm.s32 $_scs_section_size  }
0x9a: {  	s5 =	simm.s32 $_size__tile_overlayer_lowered;
	s6 =	simm.s32 $_tile_overlayer_lowered  }
0x9b: {  	s22 =	simm.s32 $0x1BFF;
	s21 =	sshll.u32 s6, $0x1;
	s3 =	sadd.s32 s4, s19  }
0x9c: {  	s7 =	simm.s32 $0x0;
	s20 =	sshll.u32 s5, $0x1;
	s5 =	sadd.s32 s21, s3  }
0x9d: {  	[timem:s7], [sflag:s22] =	dma.local [hbm:s5], s20  }
0x9e: {  	_ =	swait.ge [sflag:s22], s20  }
0x9f: {  	s4 =	ssub.s32 $0x0, s20;
	[sflag:s22] =	ssyncset.done $0x0  }
0xa0: {  	[sflag:s22] =	ssyncadd.s32 s4;
	_ =	sdelay $0x1  }
0xa1: {  	s23 =	simm.s32 $0x1B8B  }
0xa2: {  	_ =	swait.ge [sflag:s23], $0x1  }
0xa3: {  	[sflag:s23] =	ssyncset.done $0x0  }
0xa4: {  	s25 =	simm.s32 $0x1B8E;
	s24 =	sld [smem:$0x3FFE];
	[sflag:s23] =	ssyncadd.s32 $0xFFFFFFFF  }
0xa5: {  	s26 =	simm.s32 $execute0_lowered;
	[smem:$0x3FD2] =	sst s25  }
0xa6: {  	s5 =	sshll.u32 s26, $0x1;
	_ =	strace $0x80000049;
	[dreg:$0x1] =	wrdreg $0xFFFFFFFF  }
0xa7: {  	s28 =	simm.s32 $_size_execute0_lowered;
	s3 =	sadd.s32 s3, s5;
	[dreg:$0x0] =	wrdreg $0x0  }
0xa8: {  	s5 =	sshll.u32 s28, $0x1;
	[dreg:$0x2] =	wrdreg s3  }
0xa9: {  	[dreg:$0x3] =	wrdreg s5  }
0xaa: {  	[dreg:$0x4] =	wrdreg $0xC0  }
0xab: {  	_ =	task [dreg:s7], $0x5FFFF  }
0xac: {  	[dreg:$0x1] =	wrdreg $0xFFFFFFFF  }
0xad: {  	[dreg:$0x0] =	wrdreg $0x60  }
0xae: {  	[dreg:$0x2] =	wrdreg s2  }
0xaf: {  	[dreg:$0x3] =	wrdreg s24  }
0xb0: {  	[dreg:$0x4] =	wrdreg $0xA8000  }
0xb1: {  	[dreg:$0x5] =	wrdreg $0x9  }
0xb2: {  	_ =	task.clear_ibuf [dreg:s7], $0x6FFFF;
	_ =	strace $0x90000049  }
0xb3: {  	s29 =	simm.s32 $0x9;
	_ =	strace $0x8000004B  }
0xb4: {  	_ =	swait.ge [sflag:s29], $0x1  }
0xb5: {  	[sflag:s29] =	ssyncadd.s32 $0xFFFFFFFF  }
0xb6: {  	_ =	strace $0x9000004B  }
0xb7: {  	_ =	sfence  }
0xb8: {  	s30 =	sld [smem:$0x0];
	_ =	sdelay $0x2  }
0xb9: {  	s31 =	sshll.u32 s1, $0xD;
	s1 =	sshrl.u32 s1, $0x2  }
0xba: {  	s3 =	sand.u32 $0x4000, s31;
	s1 =	sadd.s32 s1, s30  }
0xbb: {  	s0 =	sor.u32 s3, s0;
	s1 =	sshll.u32 s1, $0x11  }
0xbc: {  	s0 =	sor.u32 s1, s0  }
0xbd: {  	s0 =	sadd.s32 $0x8F2B, s0  }
0xbe: {  	[sflag:s0] =	ssyncadd.remote.s32 $0x1  }
0xbf: {  	_ =	sfence.sel $0xFFFF  }
0xc0: {  	[dreg:$0x0] =	wrdreg $0xFFFFFFFF;
	(pc) =	sbr.abs _section_cstart, $3  }
0xc1: {  	[dreg:$0x1] =	wrdreg $0xFFFFFFFF  }
0xc2: {  	_ =	task.clear_ibuf [dreg:s7], $0x2FFFF;
	_ =	strace $0x9FFFFFFF  }
0xc3: {  	(tm) =	ssettm $0x7FFFFFFF  }
tec
execute0_lowered:
.L_overlay_start_1:
0x0: {  	(tag) =	ssettag $0x1  }
0x1: {  	s10 =	rddreg [dreg:$0x0]  }
0x2: {  	s5 =	rddreg [dreg:$0x1]  }
0x3: {  	s1 =	rddreg [dreg:$0x2];
	s2 =	srdreg.scid  }
0x4: {  	s0 =	rddreg [dreg:$0x3];
	s3 =	simm.s32 $0x0;
	s15 =	simm.s32 $0x3  }
0x5: {  	s16 =	simm.s32 $0x80;
	s17 =	simm.s32 $0x2800;
	s18 =	simm.s32 $0x2  }
0x6: {  	s19 =	simm.s32 $0x1;
	s20 =	simm.s32 $0x2700;
	s21 =	simm.s32 $0x2680  }
0x7: {  	s22 =	simm.s32 $0x2780;
	s6 =	sand.u32 $0x1, s2;
	s2 =	stileid.u32  }
0x8: {  	s23 =	simm.s32 $0x0;
	[smem:$0x7FF] =	sst s3;
	s7 =	smul.u32 $0x140000, s6  }
0x9: {  	s4 =	sadd.s32 $0x3E00, s5;
	s8 =	smul.u32 $0x14000, s2;
	_ =	strace $0x8000004A  }
0xa: {  	s29 =	sshll.u32 s6, $0x4;
	s9 =	smul.u32 $0x50000, s2;
	s6 =	ssub.s32 $0x2, s6  }
0xb: {  	s11 =	sshrl.u32 s6, $0x1;
	s7 =	sadd.s32 s8, s7;
	s8 =	sor.u32 s2, s29  }
0xc: {  	s9 =	sshrl.u32 s9, $0x2;
	s7 =	sshrl.u32 s7, $0x3;
	s12 =	smul.u32 $0x5000, s8  }
0xd: {  	s14 =	ssub.s32 s6, s11;
	s13 =	sadd.s32 s7, s5;
	s5 =	sadd.s32 s9, s1  }
0xe: {  	s30 =	smul.u32 $0xA00, s8;
	s6 =	sadd.s32 $0x4000, s5;
	s31 =	sshrl.u32 s12, $0x3  }
0xf: {  	s7 =	sadd.s32 $0x8000, s5;
	s8 =	sadd.s32 $0xC000, s5;
	s12 =	sadd.s32 s10, s31  }
0x10: {  	s9 =	sadd.s32 $0x10000, s5;
	s10 =	sadd.s32 s10, s30;
	s11 =	sadd.s32 $0x500, s12  }
0x11: {  	v0 =	vimm.f32 $0.0e+00;
	s12 =	sadd.s32 $0x2BE00, s13;
	s13 =	smax.u32 s14, $0x1;
	s14 =	simm.s32 $0x6800  }
.LBB2_1:
0x12: {  	s24 =	sand.u32 $0xFE00, s3  }
0x13: {  	s25 =	sand.u32 $0x70, s3;
	s26 =	sshrl.u32 s24, $0x2  }
0x14: {  	s24 =	simm.s32 $0x40;
	s26 =	sor.u32 s25, s26;
	s25 =	simm.s32 $0x0  }
.LBB2_2:
0x15: {  	p0 =	sne.s32 s24, $0xFFC0  }
0x16: {  	[tilespmem:s26+$0x6800] =	vst v0;
	s25 =	sadd.s32 $0x10, s25;
	s26 =	smov.u32 s24;
	s24 =	sadd.s32 $0x40, s24  }
.Ltmp0:
0x17: {  	(pc) =	sbr.rel @p0 .LBB2_2-.Ltmp0, $4  }
0x18: {  	_ = 	snop  }
0x19: {  	s26 =	sand.u32 $0xFE00, s26  }
0x1a: {  	s28 =	sand.u32 $0x70, s25;
	s26 =	sshrl.u32 s26, $0x2  }
0x1b: {  	s26 =	sor.u32 s28, s26  }
0x1c: {  	[tilespmem:s26+$0x6800] =	vst v0  }
0x1d: {  	[spmem:s5] =	stream.linear.scatter [tilespmem:s14], [sflag:$0x2], $0x4000, $0x38;
	[tilespmem:$0x1E800] =	vst v63  }
0x1e: {  	_ = 	snop  }
0x1f: {  	[spmem:s6] =	stream.linear.scatter [tilespmem:s14], [sflag:$0x2], $0x4000, $0x38;
	[tilespmem:$0x1E800] =	vst v63  }
0x20: {  	_ = 	snop  }
0x21: {  	[spmem:s7] =	stream.linear.scatter [tilespmem:s14], [sflag:$0x2], $0x4000, $0x38;
	[tilespmem:$0x1E800] =	vst v63  }
0x22: {  	_ = 	snop  }
0x23: {  	[spmem:s8] =	stream.linear.scatter [tilespmem:s14], [sflag:$0x2], $0x4000, $0x38;
	[tilespmem:$0x1E800] =	vst v63  }
0x24: {  	_ = 	snop  }
0x25: {  	[spmem:s9] =	stream.linear.scatter [tilespmem:s14], [sflag:$0x2], $0x4000, $0x38;
	[tilespmem:$0x1E800] =	vst v63  }
0x26: {  	_ = 	snop  }
0x27: {  	[tilespmem:s3], [sflag:$0x3] =	stream.linear.gather [hbm4b:s10+s3], $0x2800, $0x38;
	[tilespmem:$0x1E800] =	vst v63  }
0x28: {  	_ =	swait.ge [sflag:s15], $0x2800  }
0x29: {  	[sflag:s15] =	ssyncset.done $0x0  }
0x2a: {  	[sflag:s15] =	ssyncadd.s32 $0xFFFFD800  }
0x2b: {  	[tilespmem:s17], [sflag:$0x1] =	stream.indirect.gather [hbm4b:s4+s16], $0x80, s3, s16, $0xb8;
	[tilespmem:$0x1E800] =	vst v63  }
0x2c: {  	_ =	swait.ge [sflag:s18], $0x4000  }
0x2d: {  	[sflag:s18] =	ssyncset.done $0x0  }
0x2e: {  	[sflag:s18] =	ssyncadd.s32 $0xFFFFC000  }
0x2f: {  	_ =	swait.ge [sflag:s18], $0x4000  }
0x30: {  	[sflag:s18] =	ssyncset.done $0x0  }
0x31: {  	[sflag:s18] =	ssyncadd.s32 $0xFFFFC000  }
0x32: {  	_ =	swait.ge [sflag:s18], $0x4000  }
0x33: {  	[sflag:s18] =	ssyncset.done $0x0  }
0x34: {  	[sflag:s18] =	ssyncadd.s32 $0xFFFFC000  }
0x35: {  	_ =	swait.ge [sflag:s18], $0x4000  }
0x36: {  	[sflag:s18] =	ssyncset.done $0x0  }
0x37: {  	[sflag:s18] =	ssyncadd.s32 $0xFFFFC000  }
0x38: {  	_ =	swait.ge [sflag:s18], $0x4000  }
0x39: {  	[sflag:s18] =	ssyncset.done $0x0  }
0x3a: {  	[sflag:s18] =	ssyncadd.s32 $0xFFFFC000  }
0x3b: {  	s24 =	simm.s32 $0x100;
	[bflag:$0x0] =	sbarrier.arrive $0xFFFF  }
0x3c: {  	[tilespmem:s14], [sflag:$0x2] =	stream.indirect.gather [hbm4b:s4+s16], $0x80, s24, s16, $0xb8;
	[tilespmem:$0x1E800] =	vst v63  }
0x3d: {  	_ =	swait.ge [sflag:s19], $0x4000  }
0x3e: {  	[sflag:s19] =	ssyncset.done $0x0  }
0x3f: {  	s29 =	simm.s32 $0x80;
	[sflag:s19] =	ssyncadd.s32 $0xFFFFC000  }
0x40: {  	[spmem:s1] =	stream.indirect.scatter.add.f32 [tilespmem:s17], [sflag:$0x3], $0x80, s29, s16, $0xb8;
	[tilespmem:$0x1E800] =	vst v63  }
0x41: {  	_ =	swait.ge [sflag:s15], $0x4000  }
0x42: {  	[sflag:s15] =	ssyncset.done $0x0  }
0x43: {  	s30 =	simm.s32 $0x200;
	[sflag:s15] =	ssyncadd.s32 $0xFFFFC000  }
0x44: {  	[tilespmem:s17], [sflag:$0x1] =	stream.indirect.gather [hbm4b:s4+s16], $0x80, s30, s16, $0xb8;
	[tilespmem:$0x1E800] =	vst v63  }
0x45: {  	_ =	swait.ge [sflag:s18], $0x4000  }
0x46: {  	[sflag:s18] =	ssyncset.done $0x0  }
0x47: {  	s31 =	simm.s32 $0x180;
	[sflag:s18] =	ssyncadd.s32 $0xFFFFC000  }
0x48: {  	[spmem:s1] =	stream.indirect.scatter.add.f32 [tilespmem:s14], [sflag:$0x3], $0x80, s31, s16, $0xb8;
	[tilespmem:$0x1E800] =	vst v63  }
0x49: {  	_ =	swait.ge [sflag:s15], $0x4000  }
0x4a: {  	s25 =	simm.s32 $0xFFFF7800;
	s24 =	simm.s32 $0xFFFFDC00;
	[sflag:s15] =	ssyncset.done $0x0  }
.LBB2_4:
0x4b: {  	s26 =	sadd.s32 $0x2700, s24  }
0x4c: {  	[sflag:s15] =	ssyncadd.s32 $0xFFFFC000;
	s28 =	smov.u32 s25;
	s29 =	sadd.s32 $0x800, s25  }
0x4d: {  	[tilespmem:s14], [sflag:$0x2] =	stream.indirect.gather [hbm4b:s4+s16], $0x80, s26, s16, $0xb8;
	[tilespmem:$0x1E800] =	vst v63  }
0x4e: {  	p0 =	sne.s32 s25, $0xFFFFF800;
	_ =	swait.ge [sflag:s19], $0x4000  }
0x4f: {  	[sflag:s19] =	ssyncset.done $0x0  }
0x50: {  	s25 =	sadd.s32 $0x2680, s24;
	[sflag:s19] =	ssyncadd.s32 $0xFFFFC000  }
0x51: {  	[spmem:s1] =	stream.indirect.scatter.add.f32 [tilespmem:s17], [sflag:$0x3], $0x80, s25, s16, $0xb8;
	[tilespmem:$0x1E800] =	vst v63  }
0x52: {  	_ =	swait.ge [sflag:s15], $0x4000  }
0x53: {  	[sflag:s15] =	ssyncset.done $0x0  }
0x54: {  	s25 =	sadd.s32 $0x2800, s24;
	[sflag:s15] =	ssyncadd.s32 $0xFFFFC000  }
0x55: {  	[tilespmem:s17], [sflag:$0x1] =	stream.indirect.gather [hbm4b:s4+s16], $0x80, s25, s16, $0xb8;
	[tilespmem:$0x1E800] =	vst v63  }
0x56: {  	_ =	swait.ge [sflag:s18], $0x4000  }
.Ltmp1:
0x57: {  	[sflag:s18] =	ssyncset.done $0x0;
	(pc) =	sbr.rel @p0 .LBB2_4-.Ltmp1, $4  }
0x58: {  	s24 =	sadd.s32 $0x2780, s24;
	[sflag:s18] =	ssyncadd.s32 $0xFFFFC000  }
0x59: {  	[spmem:s1] =	stream.indirect.scatter.add.f32 [tilespmem:s14], [sflag:$0x3], $0x80, s24, s16, $0xb8;
	[tilespmem:$0x1E800] =	vst v63  }
0x5a: {  	_ =	swait.ge [sflag:s15], $0x4000  }
0x5b: {  	s25 =	smov.u32 s29;
	s24 =	sshra.s32 s28, $0x2;
	[sflag:s15] =	ssyncset.done $0x0  }
0x5c: {  	s25 =	sadd.s32 $0x2700, s24;
	[sflag:s15] =	ssyncadd.s32 $0xFFFFC000  }
0x5d: {  	[tilespmem:s14], [sflag:$0x2] =	stream.indirect.gather [hbm4b:s4+s16], $0x80, s25, s16, $0xb8;
	[tilespmem:$0x1E800] =	vst v63  }
0x5e: {  	_ =	swait.ge [sflag:s19], $0x4000  }
0x5f: {  	[sflag:s19] =	ssyncset.done $0x0  }
0x60: {  	s30 =	sadd.s32 $0x2680, s24;
	[sflag:s19] =	ssyncadd.s32 $0xFFFFC000  }
0x61: {  	[spmem:s1] =	stream.indirect.scatter.add.f32 [tilespmem:s17], [sflag:$0x3], $0x80, s30, s16, $0xb8;
	[tilespmem:$0x1E800] =	vst v63  }
0x62: {  	_ =	swait.ge [sflag:s15], $0x4000  }
0x63: {  	[sflag:s15] =	ssyncset.done $0x0  }
0x64: {  	s31 =	sadd.s32 $0x2800, s24;
	[sflag:s15] =	ssyncadd.s32 $0xFFFFC000  }
0x65: {  	[tilespmem:s17], [sflag:$0x1] =	stream.indirect.gather [hbm4b:s4+s16], $0x80, s31, s16, $0xb8;
	[tilespmem:$0x1E800] =	vst v63  }
0x66: {  	_ =	swait.ge [sflag:s18], $0x4000  }
0x67: {  	[sflag:s18] =	ssyncset.done $0x0  }
0x68: {  	s26 =	sadd.s32 $0x2780, s24;
	[sflag:s18] =	ssyncadd.s32 $0xFFFFC000  }
0x69: {  	[spmem:s1] =	stream.indirect.scatter.add.f32 [tilespmem:s14], [sflag:$0x3], $0x80, s26, s16, $0xb8;
	[tilespmem:$0x1E800] =	vst v63  }
0x6a: {  	_ =	swait.ge [sflag:s15], $0x4000  }
0x6b: {  	[sflag:s15] =	ssyncset.done $0x0  }
0x6c: {  	[sflag:s15] =	ssyncadd.s32 $0xFFFFC000  }
0x6d: {  	[tilespmem:s14], [sflag:$0x2] =	stream.indirect.gather [hbm4b:s4+s16], $0x80, s20, s16, $0xb8;
	[tilespmem:$0x1E800] =	vst v63  }
0x6e: {  	_ =	swait.ge [sflag:s19], $0x4000  }
0x6f: {  	[sflag:s19] =	ssyncset.done $0x0  }
0x70: {  	[sflag:s19] =	ssyncadd.s32 $0xFFFFC000  }
0x71: {  	[spmem:s1] =	stream.indirect.scatter.add.f32 [tilespmem:s17], [sflag:$0x3], $0x80, s21, s16, $0xb8;
	[tilespmem:$0x1E800] =	vst v63  }
0x72: {  	_ =	swait.ge [sflag:s15], $0x4000  }
0x73: {  	[sflag:s15] =	ssyncset.done $0x0  }
0x74: {  	[sflag:s15] =	ssyncadd.s32 $0xFFFFC000  }
0x75: {  	_ =	swait.ge [sflag:s18], $0x4000  }
0x76: {  	[sflag:s18] =	ssyncset.done $0x0  }
0x77: {  	[sflag:s18] =	ssyncadd.s32 $0xFFFFC000  }
0x78: {  	[spmem:s1] =	stream.indirect.scatter.add.f32 [tilespmem:s14], [sflag:$0x3], $0x80, s22, s16, $0xb8;
	[tilespmem:$0x1E800] =	vst v63  }
0x79: {  	_ =	swait.ge [sflag:s15], $0x4000  }
0x7a: {  	[sflag:s15] =	ssyncset.done $0x0  }
0x7b: {  	[sflag:s15] =	ssyncadd.s32 $0xFFFFC000  }
0x7c: {  	[tilespmem:s3], [sflag:$0x3] =	stream.linear.gather [hbm4b:s11+s3], $0x2800, $0x38;
	[tilespmem:$0x1E800] =	vst v63  }
0x7d: {  	_ =	swait.ge [sflag:s15], $0x2800  }
0x7e: {  	[sflag:s15] =	ssyncset.done $0x0  }
0x7f: {  	[sflag:s15] =	ssyncadd.s32 $0xFFFFD800  }
0x80: {  	[tilespmem:s17], [sflag:$0x1] =	stream.indirect.gather [hbm4b:s4+s16], $0x80, s3, s16, $0xb8;
	[tilespmem:$0x1E800] =	vst v63  }
0x81: {  	s28 =	simm.s32 $0x100  }
0x82: {  	[tilespmem:s14], [sflag:$0x2] =	stream.indirect.gather [hbm4b:s4+s16], $0x80, s28, s16, $0xb8;
	[tilespmem:$0x1E800] =	vst v63  }
0x83: {  	_ =	swait.ge [sflag:s19], $0x4000  }
0x84: {  	[sflag:s19] =	ssyncset.done $0x0  }
0x85: {  	s29 =	simm.s32 $0x80;
	[sflag:s19] =	ssyncadd.s32 $0xFFFFC000  }
0x86: {  	[spmem:s1] =	stream.indirect.scatter.add.f32 [tilespmem:s17], [sflag:$0x3], $0x80, s29, s16, $0xb8;
	[tilespmem:$0x1E800] =	vst v63  }
0x87: {  	_ =	swait.ge [sflag:s15], $0x4000  }
0x88: {  	[sflag:s15] =	ssyncset.done $0x0  }
0x89: {  	s30 =	simm.s32 $0x200;
	[sflag:s15] =	ssyncadd.s32 $0xFFFFC000  }
0x8a: {  	[tilespmem:s17], [sflag:$0x1] =	stream.indirect.gather [hbm4b:s4+s16], $0x80, s30, s16, $0xb8;
	[tilespmem:$0x1E800] =	vst v63  }
0x8b: {  	_ =	swait.ge [sflag:s18], $0x4000  }
0x8c: {  	[sflag:s18] =	ssyncset.done $0x0  }
0x8d: {  	s31 =	simm.s32 $0x180;
	[sflag:s18] =	ssyncadd.s32 $0xFFFFC000  }
0x8e: {  	[spmem:s1] =	stream.indirect.scatter.add.f32 [tilespmem:s14], [sflag:$0x3], $0x80, s31, s16, $0xb8;
	[tilespmem:$0x1E800] =	vst v63  }
0x8f: {  	_ =	swait.ge [sflag:s15], $0x4000  }
0x90: {  	s24 =	simm.s32 $0xFFFFDC00;
	s25 =	simm.s32 $0xFFFF7800;
	[sflag:s15] =	ssyncset.done $0x0  }
.LBB2_6:
0x91: {  	s26 =	sadd.s32 $0x2700, s24  }
0x92: {  	[sflag:s15] =	ssyncadd.s32 $0xFFFFC000;
	s28 =	smov.u32 s25;
	s29 =	sadd.s32 $0x800, s25  }
0x93: {  	[tilespmem:s14], [sflag:$0x2] =	stream.indirect.gather [hbm4b:s4+s16], $0x80, s26, s16, $0xb8;
	[tilespmem:$0x1E800] =	vst v63  }
0x94: {  	p0 =	sne.s32 s25, $0xFFFFF800;
	_ =	swait.ge [sflag:s19], $0x4000  }
0x95: {  	[sflag:s19] =	ssyncset.done $0x0  }
0x96: {  	s25 =	sadd.s32 $0x2680, s24;
	[sflag:s19] =	ssyncadd.s32 $0xFFFFC000  }
0x97: {  	[spmem:s1] =	stream.indirect.scatter.add.f32 [tilespmem:s17], [sflag:$0x3], $0x80, s25, s16, $0xb8;
	[tilespmem:$0x1E800] =	vst v63  }
0x98: {  	_ =	swait.ge [sflag:s15], $0x4000  }
0x99: {  	[sflag:s15] =	ssyncset.done $0x0  }
0x9a: {  	s25 =	sadd.s32 $0x2800, s24;
	[sflag:s15] =	ssyncadd.s32 $0xFFFFC000  }
0x9b: {  	[tilespmem:s17], [sflag:$0x1] =	stream.indirect.gather [hbm4b:s4+s16], $0x80, s25, s16, $0xb8;
	[tilespmem:$0x1E800] =	vst v63  }
0x9c: {  	_ =	swait.ge [sflag:s18], $0x4000  }
.Ltmp2:
0x9d: {  	[sflag:s18] =	ssyncset.done $0x0;
	(pc) =	sbr.rel @p0 .LBB2_6-.Ltmp2, $4  }
0x9e: {  	s24 =	sadd.s32 $0x2780, s24;
	[sflag:s18] =	ssyncadd.s32 $0xFFFFC000  }
0x9f: {  	[spmem:s1] =	stream.indirect.scatter.add.f32 [tilespmem:s14], [sflag:$0x3], $0x80, s24, s16, $0xb8;
	[tilespmem:$0x1E800] =	vst v63  }
0xa0: {  	_ =	swait.ge [sflag:s15], $0x4000  }
0xa1: {  	s25 =	smov.u32 s29;
	s24 =	sshra.s32 s28, $0x2;
	[sflag:s15] =	ssyncset.done $0x0  }
0xa2: {  	s25 =	sadd.s32 $0x2700, s24;
	[sflag:s15] =	ssyncadd.s32 $0xFFFFC000  }
0xa3: {  	[tilespmem:s14], [sflag:$0x2] =	stream.indirect.gather [hbm4b:s4+s16], $0x80, s25, s16, $0xb8;
	[tilespmem:$0x1E800] =	vst v63  }
0xa4: {  	_ =	swait.ge [sflag:s19], $0x4000  }
0xa5: {  	[sflag:s19] =	ssyncset.done $0x0  }
0xa6: {  	s26 =	sadd.s32 $0x2680, s24;
	[sflag:s19] =	ssyncadd.s32 $0xFFFFC000  }
0xa7: {  	[spmem:s1] =	stream.indirect.scatter.add.f32 [tilespmem:s17], [sflag:$0x3], $0x80, s26, s16, $0xb8;
	[tilespmem:$0x1E800] =	vst v63  }
0xa8: {  	_ =	swait.ge [sflag:s15], $0x4000  }
0xa9: {  	[sflag:s15] =	ssyncset.done $0x0  }
0xaa: {  	s28 =	sadd.s32 $0x2800, s24;
	[sflag:s15] =	ssyncadd.s32 $0xFFFFC000  }
0xab: {  	[tilespmem:s17], [sflag:$0x1] =	stream.indirect.gather [hbm4b:s4+s16], $0x80, s28, s16, $0xb8;
	[tilespmem:$0x1E800] =	vst v63  }
0xac: {  	_ =	swait.ge [sflag:s18], $0x4000  }
0xad: {  	[sflag:s18] =	ssyncset.done $0x0  }
0xae: {  	s29 =	sadd.s32 $0x2780, s24;
	[sflag:s18] =	ssyncadd.s32 $0xFFFFC000  }
0xaf: {  	[spmem:s1] =	stream.indirect.scatter.add.f32 [tilespmem:s14], [sflag:$0x3], $0x80, s29, s16, $0xb8;
	[tilespmem:$0x1E800] =	vst v63  }
0xb0: {  	_ =	swait.ge [sflag:s15], $0x4000  }
0xb1: {  	[sflag:s15] =	ssyncset.done $0x0  }
0xb2: {  	[sflag:s15] =	ssyncadd.s32 $0xFFFFC000  }
0xb3: {  	[tilespmem:s14], [sflag:$0x2] =	stream.indirect.gather [hbm4b:s4+s16], $0x80, s20, s16, $0xb8;
	[tilespmem:$0x1E800] =	vst v63  }
0xb4: {  	_ =	swait.ge [sflag:s19], $0x4000  }
0xb5: {  	[sflag:s19] =	ssyncset.done $0x0  }
0xb6: {  	[sflag:s19] =	ssyncadd.s32 $0xFFFFC000  }
0xb7: {  	[spmem:s1] =	stream.indirect.scatter.add.f32 [tilespmem:s17], [sflag:$0x3], $0x80, s21, s16, $0xb8;
	[tilespmem:$0x1E800] =	vst v63  }
0xb8: {  	_ =	swait.ge [sflag:s15], $0x4000  }
0xb9: {  	[sflag:s15] =	ssyncset.done $0x0  }
0xba: {  	[sflag:s15] =	ssyncadd.s32 $0xFFFFC000  }
0xbb: {  	_ =	swait.ge [sflag:s18], $0x4000  }
0xbc: {  	[sflag:s18] =	ssyncset.done $0x0  }
0xbd: {  	[sflag:s18] =	ssyncadd.s32 $0xFFFFC000  }
0xbe: {  	[spmem:s1] =	stream.indirect.scatter.add.f32 [tilespmem:s14], [sflag:$0x3], $0x80, s22, s16, $0xb8;
	[tilespmem:$0x1E800] =	vst v63  }
0xbf: {  	_ =	swait.ge [sflag:s15], $0x4000  }
0xc0: {  	s30 =	sshll.u32 s2, $0x6;
	s23 =	sadd.s32 $0x1, s23;
	[sflag:s15] =	ssyncset.done $0x0  }
0xc1: {  	s31 =	sshrl.u32 s5, $0x3;
	p0 =	sne.s32 s23, s13;
	[sflag:s15] =	ssyncadd.s32 $0xFFFFC000  }
.Ltmp3:
0xc2: {  	s24 =	sor.u32 $0x1C03, s30;
	[bflag:$0x0] =	sbarrier.arrive $0xFFFF;
	(pc) =	sbr.rel @p0 .LBB2_1-.Ltmp3, $4  }
0xc3: {  	[hbm:s12], [sflag:s24] =	dma.local [spmem:s31], $0x2800  }
0xc4: {  	_ =	swait.ge [sflag:s15], $0x2800  }
0xc5: {  	[sflag:s15] =	ssyncset.done $0x0  }
0xc6: {  	[sflag:s15] =	ssyncadd.s32 $0xFFFFD800  }
0xc7: {  	_ =	sfence.sel $0x180000  }
0xc8: {  	[bflag:$0x0] =	sbarrier.arrive $0xFFFF  }
0xc9: {  	p0 =	sne.s32 s2, $0x0;
	_ =	strace $0x9000004A  }
0xca: {  	s0 =	sadd.s32 @!p0 $0x100000, s0;
	[bflag:$0x2] =	sbarrier.arrive $0xFFFF  }
0xcb: {  	[sflag:s0] =	ssyncadd.tile.s32 @!p0 $0x1;
	_ =	shalt  }
.Lfunc_end2:
_tile_overlayer_lowered:
.L_overlay_start_2:
0xcc: {  	(tag) =	ssettag $0x2  }
0xcd: {  	s0 =	rddreg [dreg:$0x0];
	s2 =	stileid.u32  }
0xce: {  	s1 =	rddreg [dreg:$0x1];
	p0 =	sne.s32 s2, $0x0  }
0xcf: {  	s3 =	rddreg [dreg:$0x2];
	[bflag:$0x3] =	sbarrier.arrive $0xFFFF;
	s2 =	simm.s32 @!p0 $0x1C03  }
0xd0: {  	[timem:s3], [sflag:s2] =	dma.local @!p0 [hbm:s0], s1  }
0xd1: {  	s0 =	simm.s32 @!p0 $0x3  }
0xd2: {  	_ =	swait.ge @!p0 [sflag:s0], s1  }
0xd3: {  	s1 =	ssub.s32 @!p0 $0x0, s1;
	[sflag:s0] =	ssyncset.done @!p0 $0x0  }
0xd4: {  	[sflag:s0] =	ssyncadd.s32 @!p0 s1  }
0xd5: {  	[bflag:$0x3] =	sbarrier.arrive $0xFFFF  }
0xd6: {  	_ =	shalt  }

// kernel: kernel.16.cloned.1.call-start
scs
__scs_entry_jumppad:
0x0: {  	(pc) =	sbr.rel $0x88, $3  }
0x1: {  	(tag) =	ssettag $0x0;
	lr =	simm.s32 $0x1  }
0x2: {  	[smem:$0x3F97] =	sst lr;
	_ =	strace $0xD0000000  }
0x3: {  	_ = 	snop  }
0x4: {  	_ = 	snop  }
0x5: {  	_ = 	snop  }
0x6: {  	_ = 	snop  }
0x7: {  	_ = 	snop  }
__scs_overlays_trampoline_lowered:
0x8: {  	[smem:$0x3FA6] =	sst s0  }
0x9: {  	[smem:$0x3FA7] =	sst s1  }
0xa: {  	[smem:$0x3FA8] =	sst s2  }
0xb: {  	[smem:$0x3FA9] =	sst s3  }
0xc: {  	[smem:$0x3FAA] =	sst s4  }
0xd: {  	[smem:$0x3FAB] =	sst s5  }
0xe: {  	[smem:$0x3FAC] =	sst s6  }
0xf: {  	[smem:$0x3FAD] =	sst s7  }
0x10: {  	[smem:$0x3FAE] =	sst s8  }
0x11: {  	[smem:$0x3FAF] =	sst s9;
	s0 =	simm.s32 @!p0 $0x0  }
0x12: {  	s1 =	sld [smem:$0x3F95];
	s0 =	simm.s32 @p0 $0x1  }
0x13: {  	[smem:$0x3FB0] =	sst s0;
	s0 =	simm.s32 @!p1 $0x0  }
0x14: {  	s2 =	sld [smem:$0x3F94];
	s0 =	simm.s32 @p1 $0x1  }
0x15: {  	[smem:$0x3FB1] =	sst s0;
	s0 =	simm.s32 @!p2 $0x0  }
0x16: {  	s3 =	sld [smem:$0x3FDB];
	s0 =	simm.s32 @p2 $0x1  }
0x17: {  	s4 =	simm.s32 $0x1BF5;
	[smem:$0x3FB3] =	sst s0  }
0x18: {  	s0 =	sld [smem:$0x3F96];
	_ =	swait.ge [sflag:s4], $0x0  }
0x19: {  	s7 =	sld [smem:$0x3F97]  }
0x1a: {  	s8 =	sadd.s32 $0xFFFFE003, lr  }
0x1b: {  	s9 =	sadd.s32 $0xFFFFFEF7, lr;
	s5 =	simm.s32 $0xFFFFFFFF;
	p2 =	slt.u32 s8, $0xFFFFF086  }
0x1c: {  	p1 =	slt.u32 s9, $0xF7A;
	s5 =	simm.s32 @!p2 $0x0  }
0x1d: {  	s5 =	simm.s32 @p1 $0x1;
	p0 =	seq.s32 s7, s2  }
0x1e: {  	s7 =	smul.u32 @!p0 $0xF7A, s2;
	p2 =	seq.s32 @!p0 s5, $0x0  }
0x1f: {  	s9 =	smul.u32 $0xF7A, s1;
	s8 =	simm.s32 @!p0 $0x1BF5;
	p2 =	por !p2, p0  }
0x20: {  	[sflag:s8] =	ssyncset.s32 @!p0 $0xFFFFF086;
	s6 =	sadd.s32 @!p0 s3, s7;
	s7 =	simm.s32 @!p0 $0x108  }
0x21: {  	s3 =	sadd.s32 s3, s9;
	s6 =	sadd.s32 @!p0 $0x88, s6;
	s7 =	simm.s32 @p2 $0x1082  }
0x22: {  	[simem:s7], [sflag:s8] =	dma.local @!p0 [hbm:s6], $0xF7A  }
0x23: {  	s9 =	sor.u32 $0xD0000000, s2;
	s6 =	simm.s32 $0x108;
	_ =	swait.ge @!p0 [sflag:s8], $0x0  }
0x24: {  	s3 =	sadd.s32 $0x88, s3;
	s6 =	simm.s32 @!p1 $0x1082;
	[sflag:s4] =	ssyncset.s32 $0xFFFFF086  }
0x25: {  	[simem:s6], [sflag:s4] =	dma.local [hbm:s3], $0xF7A  }
0x26: {  	[smem:$0x3F97] =	sst s1;
	(tag) =	ssettag s2;
	_ =	strace s9  }
0x27: {  	s1 =	sld [smem:$0x3FA7]  }
0x28: {  	s2 =	sld [smem:$0x3FA8]  }
0x29: {  	s4 =	sld [smem:$0x3FAA]  }
0x2a: {  	p0 =	seq.s32 s5, $0x0;
	s5 =	sld [smem:$0x3FAB]  }
0x2b: {  	s6 =	sld [smem:$0x3FAC]  }
0x2c: {  	s7 =	sld [smem:$0x3FAD]  }
0x2d: {  	s3 =	simm.s32 $0x108;
	s8 =	sld [smem:$0x3FAE]  }
0x2e: {  	s3 =	simm.s32 @!p0 $0x1082;
	s9 =	sld [smem:$0x3FAF]  }
0x2f: {  	lr =	sadd.s32 s0, s3;
	s0 =	sld [smem:$0x3FA6]  }
0x30: {  	s3 =	sld [smem:$0x3FA9]  }
0x31: {  	[smem:$0x3FB2] =	sst s10  }
0x32: {  	s10 =	sld [smem:$0x3FB0];
	_ =	sdelay $0x3  }
0x33: {  	p0 =	seq.s32 s10, $0x1;
	s10 =	sld [smem:$0x3FB2];
	_ =	sdelay $0x3  }
0x34: {  	[smem:$0x3FB2] =	sst s10  }
0x35: {  	s10 =	sld [smem:$0x3FB1];
	_ =	sdelay $0x3  }
0x36: {  	p1 =	seq.s32 s10, $0x1;
	s10 =	sld [smem:$0x3FB2];
	_ =	sdelay $0x3  }
0x37: {  	[smem:$0x3FB2] =	sst s10  }
0x38: {  	s10 =	sld [smem:$0x3FB3]  }
0x39: {  	_ = 	snop;
	(pc) =	sbr.ind lr, $3  }
0x3a: {  	_ = 	snop  }
0x3b: {  	_ = 	snop  }
0x3c: {  	p2 =	seq.s32 s10, $0x1;
	s10 =	sld [smem:$0x3FB2]  }
0x3d: {  	_ =	shalt  }
0x3e: {  	_ =	shalt  }
0x3f: {  	_ =	shalt  }
0x40: {  	_ =	shalt  }
0x41: {  	_ =	shalt  }
0x42: {  	_ =	shalt  }
0x43: {  	_ =	shalt  }
0x44: {  	_ =	shalt  }
0x45: {  	_ =	shalt  }
0x46: {  	_ =	shalt  }
0x47: {  	_ =	shalt  }
0x48: {  	_ =	shalt  }
0x49: {  	_ =	shalt  }
0x4a: {  	_ =	shalt  }
0x4b: {  	_ =	shalt  }
0x4c: {  	_ =	shalt  }
0x4d: {  	_ =	shalt  }
0x4e: {  	_ =	shalt  }
0x4f: {  	_ =	shalt  }
0x50: {  	_ =	shalt  }
0x51: {  	_ =	shalt  }
0x52: {  	_ =	shalt  }
0x53: {  	_ =	shalt  }
0x54: {  	_ =	shalt  }
0x55: {  	_ =	shalt  }
0x56: {  	_ =	shalt  }
0x57: {  	_ =	shalt  }
0x58: {  	_ =	shalt  }
0x59: {  	_ =	shalt  }
0x5a: {  	_ =	shalt  }
0x5b: {  	_ =	shalt  }
0x5c: {  	_ =	shalt  }
0x5d: {  	_ =	shalt  }
0x5e: {  	_ =	shalt  }
0x5f: {  	_ =	shalt  }
0x60: {  	_ =	shalt  }
0x61: {  	_ =	shalt  }
0x62: {  	_ =	shalt  }
0x63: {  	_ =	shalt  }
0x64: {  	_ =	shalt  }
0x65: {  	_ =	shalt  }
0x66: {  	_ =	shalt  }
0x67: {  	_ =	shalt  }
0x68: {  	_ =	shalt  }
0x69: {  	_ =	shalt  }
0x6a: {  	_ =	shalt  }
0x6b: {  	_ =	shalt  }
0x6c: {  	_ =	shalt  }
0x6d: {  	_ =	shalt  }
0x6e: {  	_ =	shalt  }
0x6f: {  	_ =	shalt  }
0x70: {  	_ =	shalt  }
0x71: {  	_ =	shalt  }
0x72: {  	_ =	shalt  }
0x73: {  	_ =	shalt  }
0x74: {  	_ =	shalt  }
0x75: {  	_ =	shalt  }
0x76: {  	_ =	shalt  }
0x77: {  	_ =	shalt  }
0x78: {  	_ =	shalt  }
0x79: {  	_ =	shalt  }
0x7a: {  	_ =	shalt  }
0x7b: {  	_ =	shalt  }
0x7c: {  	_ =	shalt  }
0x7d: {  	_ =	shalt  }
0x7e: {  	_ =	shalt  }
0x7f: {  	_ =	shalt  }
0x80: {  	_ =	shalt  }
0x81: {  	_ =	shalt  }
0x82: {  	_ =	shalt  }
0x83: {  	_ =	shalt  }
0x84: {  	_ =	shalt  }
0x85: {  	_ =	shalt  }
0x86: {  	_ =	shalt  }
0x87: {  	_ =	shalt  }
.Lfunc_end0:
.L_simem_size_0:
called_computation.2_lowered:
.L_overlay_start_0:
0x88: {  	s2 =	sld [smem:$0x3FD9]  }
0x89: {  	s3 =	sld [smem:$0x3FFE];
	_ =	sdelay $0x1  }
0x8a: {  	s1 =	srdreg.scid  }
0x8b: {  	s0 =	sand.u32 $0x1, s1  }
0x8c: {  	s17 =	sshll.u32 s0, $0xA;
	s2 =	sadd.s32 s3, s2  }
0x8d: {  	s2 =	sadd.s32 s2, s17  }
0x8e: {  	[smem:$0x3FBE] =	sst s2  }
0x8f: {  	_ = 	snop  }
0x90: {  	s2 =	sld [smem:$0x3FD0];
	(tm) =	ssettm $0x1  }
0x91: {  	s18 =	sld [smem:$0x3FFB];
	_ =	sdelay $0x3  }
0x92: {  	_ =	strace s18  }
0x93: {  	s3 =	sld [smem:$0x3FFC];
	_ =	sdelay $0x3  }
0x94: {  	_ =	strace s3  }
0x95: {  	s3 =	sld [smem:$0x3FFD];
	_ =	sdelay $0x3  }
0x96: {  	_ =	strace s3  }
0x97: {  	_ =	strace $0x8FFFFFFF  }
0x98: {  	s19 =	sld [smem:$0x3FDB];
	_ =	sdelay $0x1  }
0x99: {  	s4 =	simm.s32 $_scs_section_size  }
0x9a: {  	s5 =	simm.s32 $_size__tile_overlayer_lowered;
	s6 =	simm.s32 $_tile_overlayer_lowered  }
0x9b: {  	s22 =	simm.s32 $0x1BFF;
	s21 =	sshll.u32 s6, $0x1;
	s3 =	sadd.s32 s4, s19  }
0x9c: {  	s7 =	simm.s32 $0x0;
	s20 =	sshll.u32 s5, $0x1;
	s5 =	sadd.s32 s21, s3  }
0x9d: {  	[timem:s7], [sflag:s22] =	dma.local [hbm:s5], s20  }
0x9e: {  	_ =	swait.ge [sflag:s22], s20  }
0x9f: {  	s4 =	ssub.s32 $0x0, s20;
	[sflag:s22] =	ssyncset.done $0x0  }
0xa0: {  	[sflag:s22] =	ssyncadd.s32 s4;
	_ =	sdelay $0x1  }
0xa1: {  	s23 =	simm.s32 $0x1B8B  }
0xa2: {  	_ =	swait.ge [sflag:s23], $0x1  }
0xa3: {  	[sflag:s23] =	ssyncset.done $0x0  }
0xa4: {  	s25 =	simm.s32 $0x1B8E;
	s24 =	sld [smem:$0x3FFE];
	[sflag:s23] =	ssyncadd.s32 $0xFFFFFFFF  }
0xa5: {  	s26 =	simm.s32 $execute0_lowered;
	[smem:$0x3FD2] =	sst s25  }
0xa6: {  	s5 =	sshll.u32 s26, $0x1;
	_ =	strace $0x8000004C;
	[dreg:$0x1] =	wrdreg $0xFFFFFFFF  }
0xa7: {  	s28 =	simm.s32 $_size_execute0_lowered;
	s3 =	sadd.s32 s3, s5;
	[dreg:$0x0] =	wrdreg $0x0  }
0xa8: {  	s5 =	sshll.u32 s28, $0x1;
	[dreg:$0x2] =	wrdreg s3  }
0xa9: {  	[dreg:$0x3] =	wrdreg s5  }
0xaa: {  	[dreg:$0x4] =	wrdreg $0xC0  }
0xab: {  	_ =	task [dreg:s7], $0x5FFFF  }
0xac: {  	[dreg:$0x1] =	wrdreg $0xFFFFFFFF  }
0xad: {  	[dreg:$0x0] =	wrdreg $0x60  }
0xae: {  	[dreg:$0x2] =	wrdreg s2  }
0xaf: {  	[dreg:$0x3] =	wrdreg s24  }
0xb0: {  	[dreg:$0x4] =	wrdreg $0xA8000  }
0xb1: {  	[dreg:$0x5] =	wrdreg $0x9  }
0xb2: {  	_ =	task.clear_ibuf [dreg:s7], $0x6FFFF;
	_ =	strace $0x9000004C  }
0xb3: {  	s29 =	simm.s32 $0x9;
	_ =	strace $0x8000004E  }
0xb4: {  	_ =	swait.ge [sflag:s29], $0x1  }
0xb5: {  	[sflag:s29] =	ssyncadd.s32 $0xFFFFFFFF  }
0xb6: {  	_ =	strace $0x9000004E  }
0xb7: {  	_ =	sfence  }
0xb8: {  	s30 =	sld [smem:$0x0];
	_ =	sdelay $0x2  }
0xb9: {  	s31 =	sshll.u32 s1, $0xD;
	s1 =	sshrl.u32 s1, $0x2  }
0xba: {  	s3 =	sand.u32 $0x4000, s31;
	s1 =	sadd.s32 s1, s30  }
0xbb: {  	s0 =	sor.u32 s3, s0;
	s1 =	sshll.u32 s1, $0x11  }
0xbc: {  	s0 =	sor.u32 s1, s0  }
0xbd: {  	s0 =	sadd.s32 $0x8F2B, s0  }
0xbe: {  	[sflag:s0] =	ssyncadd.remote.s32 $0x1  }
0xbf: {  	_ =	sfence.sel $0xFFFF  }
0xc0: {  	[dreg:$0x0] =	wrdreg $0xFFFFFFFF;
	(pc) =	sbr.abs _section_cstart, $3  }
0xc1: {  	[dreg:$0x1] =	wrdreg $0xFFFFFFFF  }
0xc2: {  	_ =	task.clear_ibuf [dreg:s7], $0x2FFFF;
	_ =	strace $0x9FFFFFFF  }
0xc3: {  	(tm) =	ssettm $0x7FFFFFFF  }
tec
execute0_lowered:
.L_overlay_start_1:
0x0: {  	(tag) =	ssettag $0x1  }
0x1: {  	s10 =	rddreg [dreg:$0x0]  }
0x2: {  	s5 =	rddreg [dreg:$0x1]  }
0x3: {  	s1 =	rddreg [dreg:$0x2];
	s2 =	srdreg.scid  }
0x4: {  	s0 =	rddreg [dreg:$0x3];
	s3 =	simm.s32 $0x0;
	s15 =	simm.s32 $0x3  }
0x5: {  	s16 =	simm.s32 $0x80;
	s17 =	simm.s32 $0x2800;
	s18 =	simm.s32 $0x2  }
0x6: {  	s19 =	simm.s32 $0x1;
	s20 =	simm.s32 $0x2700;
	s21 =	simm.s32 $0x2680  }
0x7: {  	s22 =	simm.s32 $0x2780;
	s6 =	sand.u32 $0x1, s2;
	s2 =	stileid.u32  }
0x8: {  	s23 =	simm.s32 $0x0;
	[smem:$0x7FF] =	sst s3;
	s7 =	smul.u32 $0x140000, s6  }
0x9: {  	s4 =	sadd.s32 $0x3E00, s5;
	s8 =	smul.u32 $0x14000, s2;
	_ =	strace $0x8000004D  }
0xa: {  	s29 =	sshll.u32 s6, $0x4;
	s9 =	smul.u32 $0x50000, s2;
	s6 =	ssub.s32 $0x2, s6  }
0xb: {  	s11 =	sshrl.u32 s6, $0x1;
	s7 =	sadd.s32 s8, s7;
	s8 =	sor.u32 s2, s29  }
0xc: {  	s9 =	sshrl.u32 s9, $0x2;
	s7 =	sshrl.u32 s7, $0x3;
	s12 =	smul.u32 $0x5000, s8  }
0xd: {  	s14 =	ssub.s32 s6, s11;
	s13 =	sadd.s32 s7, s5;
	s5 =	sadd.s32 s9, s1  }
0xe: {  	s30 =	smul.u32 $0xA00, s8;
	s6 =	sadd.s32 $0x4000, s5;
	s31 =	sshrl.u32 s12, $0x3  }
0xf: {  	s7 =	sadd.s32 $0x8000, s5;
	s8 =	sadd.s32 $0xC000, s5;
	s12 =	sadd.s32 s10, s31  }
0x10: {  	s9 =	sadd.s32 $0x10000, s5;
	s10 =	sadd.s32 s10, s30;
	s11 =	sadd.s32 $0x500, s12  }
0x11: {  	v0 =	vimm.f32 $0.0e+00;
	s12 =	sadd.s32 $0x2BE00, s13;
	s13 =	smax.u32 s14, $0x1;
	s14 =	simm.s32 $0x6800  }
.LBB2_1:
0x12: {  	s24 =	sand.u32 $0xFE00, s3  }
0x13: {  	s25 =	sand.u32 $0x70, s3;
	s26 =	sshrl.u32 s24, $0x2  }
0x14: {  	s24 =	simm.s32 $0x40;
	s26 =	sor.u32 s25, s26;
	s25 =	simm.s32 $0x0  }
.LBB2_2:
0x15: {  	p0 =	sne.s32 s24, $0xFFC0  }
0x16: {  	[tilespmem:s26+$0x6800] =	vst v0;
	s25 =	sadd.s32 $0x10, s25;
	s26 =	smov.u32 s24;
	s24 =	sadd.s32 $0x40, s24  }
.Ltmp0:
0x17: {  	(pc) =	sbr.rel @p0 .LBB2_2-.Ltmp0, $4  }
0x18: {  	_ = 	snop  }
0x19: {  	s26 =	sand.u32 $0xFE00, s26  }
0x1a: {  	s28 =	sand.u32 $0x70, s25;
	s26 =	sshrl.u32 s26, $0x2  }
0x1b: {  	s26 =	sor.u32 s28, s26  }
0x1c: {  	[tilespmem:s26+$0x6800] =	vst v0  }
0x1d: {  	[spmem:s5] =	stream.linear.scatter [tilespmem:s14], [sflag:$0x2], $0x4000, $0x38;
	[tilespmem:$0x1E800] =	vst v63  }
0x1e: {  	_ = 	snop  }
0x1f: {  	[spmem:s6] =	stream.linear.scatter [tilespmem:s14], [sflag:$0x2], $0x4000, $0x38;
	[tilespmem:$0x1E800] =	vst v63  }
0x20: {  	_ = 	snop  }
0x21: {  	[spmem:s7] =	stream.linear.scatter [tilespmem:s14], [sflag:$0x2], $0x4000, $0x38;
	[tilespmem:$0x1E800] =	vst v63  }
0x22: {  	_ = 	snop  }
0x23: {  	[spmem:s8] =	stream.linear.scatter [tilespmem:s14], [sflag:$0x2], $0x4000, $0x38;
	[tilespmem:$0x1E800] =	vst v63  }
0x24: {  	_ = 	snop  }
0x25: {  	[spmem:s9] =	stream.linear.scatter [tilespmem:s14], [sflag:$0x2], $0x4000, $0x38;
	[tilespmem:$0x1E800] =	vst v63  }
0x26: {  	_ = 	snop  }
0x27: {  	[tilespmem:s3], [sflag:$0x3] =	stream.linear.gather [hbm4b:s10+s3], $0x2800, $0x38;
	[tilespmem:$0x1E800] =	vst v63  }
0x28: {  	_ =	swait.ge [sflag:s15], $0x2800  }
0x29: {  	[sflag:s15] =	ssyncset.done $0x0  }
0x2a: {  	[sflag:s15] =	ssyncadd.s32 $0xFFFFD800  }
0x2b: {  	[tilespmem:s17], [sflag:$0x1] =	stream.indirect.gather [hbm4b:s4+s16], $0x80, s3, s16, $0xb8;
	[tilespmem:$0x1E800] =	vst v63  }
0x2c: {  	_ =	swait.ge [sflag:s18], $0x4000  }
0x2d: {  	[sflag:s18] =	ssyncset.done $0x0  }
0x2e: {  	[sflag:s18] =	ssyncadd.s32 $0xFFFFC000  }
0x2f: {  	_ =	swait.ge [sflag:s18], $0x4000  }
0x30: {  	[sflag:s18] =	ssyncset.done $0x0  }
0x31: {  	[sflag:s18] =	ssyncadd.s32 $0xFFFFC000  }
0x32: {  	_ =	swait.ge [sflag:s18], $0x4000  }
0x33: {  	[sflag:s18] =	ssyncset.done $0x0  }
0x34: {  	[sflag:s18] =	ssyncadd.s32 $0xFFFFC000  }
0x35: {  	_ =	swait.ge [sflag:s18], $0x4000  }
0x36: {  	[sflag:s18] =	ssyncset.done $0x0  }
0x37: {  	[sflag:s18] =	ssyncadd.s32 $0xFFFFC000  }
0x38: {  	_ =	swait.ge [sflag:s18], $0x4000  }
0x39: {  	[sflag:s18] =	ssyncset.done $0x0  }
0x3a: {  	[sflag:s18] =	ssyncadd.s32 $0xFFFFC000  }
0x3b: {  	s24 =	simm.s32 $0x100;
	[bflag:$0x0] =	sbarrier.arrive $0xFFFF  }
0x3c: {  	[tilespmem:s14], [sflag:$0x2] =	stream.indirect.gather [hbm4b:s4+s16], $0x80, s24, s16, $0xb8;
	[tilespmem:$0x1E800] =	vst v63  }
0x3d: {  	_ =	swait.ge [sflag:s19], $0x4000  }
0x3e: {  	[sflag:s19] =	ssyncset.done $0x0  }
0x3f: {  	s29 =	simm.s32 $0x80;
	[sflag:s19] =	ssyncadd.s32 $0xFFFFC000  }
0x40: {  	[spmem:s1] =	stream.indirect.scatter.add.f32 [tilespmem:s17], [sflag:$0x3], $0x80, s29, s16, $0xb8;
	[tilespmem:$0x1E800] =	vst v63  }
0x41: {  	_ =	swait.ge [sflag:s15], $0x4000  }
0x42: {  	[sflag:s15] =	ssyncset.done $0x0  }
0x43: {  	s30 =	simm.s32 $0x200;
	[sflag:s15] =	ssyncadd.s32 $0xFFFFC000  }
0x44: {  	[tilespmem:s17], [sflag:$0x1] =	stream.indirect.gather [hbm4b:s4+s16], $0x80, s30, s16, $0xb8;
	[tilespmem:$0x1E800] =	vst v63  }
0x45: {  	_ =	swait.ge [sflag:s18], $0x4000  }
0x46: {  	[sflag:s18] =	ssyncset.done $0x0  }
0x47: {  	s31 =	simm.s32 $0x180;
	[sflag:s18] =	ssyncadd.s32 $0xFFFFC000  }
0x48: {  	[spmem:s1] =	stream.indirect.scatter.add.f32 [tilespmem:s14], [sflag:$0x3], $0x80, s31, s16, $0xb8;
	[tilespmem:$0x1E800] =	vst v63  }
0x49: {  	_ =	swait.ge [sflag:s15], $0x4000  }
0x4a: {  	s25 =	simm.s32 $0xFFFF7800;
	s24 =	simm.s32 $0xFFFFDC00;
	[sflag:s15] =	ssyncset.done $0x0  }
.LBB2_4:
0x4b: {  	s26 =	sadd.s32 $0x2700, s24  }
0x4c: {  	[sflag:s15] =	ssyncadd.s32 $0xFFFFC000;
	s28 =	smov.u32 s25;
	s29 =	sadd.s32 $0x800, s25  }
0x4d: {  	[tilespmem:s14], [sflag:$0x2] =	stream.indirect.gather [hbm4b:s4+s16], $0x80, s26, s16, $0xb8;
	[tilespmem:$0x1E800] =	vst v63  }
0x4e: {  	p0 =	sne.s32 s25, $0xFFFFF800;
	_ =	swait.ge [sflag:s19], $0x4000  }
0x4f: {  	[sflag:s19] =	ssyncset.done $0x0  }
0x50: {  	s25 =	sadd.s32 $0x2680, s24;
	[sflag:s19] =	ssyncadd.s32 $0xFFFFC000  }
0x51: {  	[spmem:s1] =	stream.indirect.scatter.add.f32 [tilespmem:s17], [sflag:$0x3], $0x80, s25, s16, $0xb8;
	[tilespmem:$0x1E800] =	vst v63  }
0x52: {  	_ =	swait.ge [sflag:s15], $0x4000  }
0x53: {  	[sflag:s15] =	ssyncset.done $0x0  }
0x54: {  	s25 =	sadd.s32 $0x2800, s24;
	[sflag:s15] =	ssyncadd.s32 $0xFFFFC000  }
0x55: {  	[tilespmem:s17], [sflag:$0x1] =	stream.indirect.gather [hbm4b:s4+s16], $0x80, s25, s16, $0xb8;
	[tilespmem:$0x1E800] =	vst v63  }
0x56: {  	_ =	swait.ge [sflag:s18], $0x4000  }
.Ltmp1:
0x57: {  	[sflag:s18] =	ssyncset.done $0x0;
	(pc) =	sbr.rel @p0 .LBB2_4-.Ltmp1, $4  }
0x58: {  	s24 =	sadd.s32 $0x2780, s24;
	[sflag:s18] =	ssyncadd.s32 $0xFFFFC000  }
0x59: {  	[spmem:s1] =	stream.indirect.scatter.add.f32 [tilespmem:s14], [sflag:$0x3], $0x80, s24, s16, $0xb8;
	[tilespmem:$0x1E800] =	vst v63  }
0x5a: {  	_ =	swait.ge [sflag:s15], $0x4000  }
0x5b: {  	s25 =	smov.u32 s29;
	s24 =	sshra.s32 s28, $0x2;
	[sflag:s15] =	ssyncset.done $0x0  }
0x5c: {  	s25 =	sadd.s32 $0x2700, s24;
	[sflag:s15] =	ssyncadd.s32 $0xFFFFC000  }
0x5d: {  	[tilespmem:s14], [sflag:$0x2] =	stream.indirect.gather [hbm4b:s4+s16], $0x80, s25, s16, $0xb8;
	[tilespmem:$0x1E800] =	vst v63  }
0x5e: {  	_ =	swait.ge [sflag:s19], $0x4000  }
0x5f: {  	[sflag:s19] =	ssyncset.done $0x0  }
0x60: {  	s30 =	sadd.s32 $0x2680, s24;
	[sflag:s19] =	ssyncadd.s32 $0xFFFFC000  }
0x61: {  	[spmem:s1] =	stream.indirect.scatter.add.f32 [tilespmem:s17], [sflag:$0x3], $0x80, s30, s16, $0xb8;
	[tilespmem:$0x1E800] =	vst v63  }
0x62: {  	_ =	swait.ge [sflag:s15], $0x4000  }
0x63: {  	[sflag:s15] =	ssyncset.done $0x0  }
0x64: {  	s31 =	sadd.s32 $0x2800, s24;
	[sflag:s15] =	ssyncadd.s32 $0xFFFFC000  }
0x65: {  	[tilespmem:s17], [sflag:$0x1] =	stream.indirect.gather [hbm4b:s4+s16], $0x80, s31, s16, $0xb8;
	[tilespmem:$0x1E800] =	vst v63  }
0x66: {  	_ =	swait.ge [sflag:s18], $0x4000  }
0x67: {  	[sflag:s18] =	ssyncset.done $0x0  }
0x68: {  	s26 =	sadd.s32 $0x2780, s24;
	[sflag:s18] =	ssyncadd.s32 $0xFFFFC000  }
0x69: {  	[spmem:s1] =	stream.indirect.scatter.add.f32 [tilespmem:s14], [sflag:$0x3], $0x80, s26, s16, $0xb8;
	[tilespmem:$0x1E800] =	vst v63  }
0x6a: {  	_ =	swait.ge [sflag:s15], $0x4000  }
0x6b: {  	[sflag:s15] =	ssyncset.done $0x0  }
0x6c: {  	[sflag:s15] =	ssyncadd.s32 $0xFFFFC000  }
0x6d: {  	[tilespmem:s14], [sflag:$0x2] =	stream.indirect.gather [hbm4b:s4+s16], $0x80, s20, s16, $0xb8;
	[tilespmem:$0x1E800] =	vst v63  }
0x6e: {  	_ =	swait.ge [sflag:s19], $0x4000  }
0x6f: {  	[sflag:s19] =	ssyncset.done $0x0  }
0x70: {  	[sflag:s19] =	ssyncadd.s32 $0xFFFFC000  }
0x71: {  	[spmem:s1] =	stream.indirect.scatter.add.f32 [tilespmem:s17], [sflag:$0x3], $0x80, s21, s16, $0xb8;
	[tilespmem:$0x1E800] =	vst v63  }
0x72: {  	_ =	swait.ge [sflag:s15], $0x4000  }
0x73: {  	[sflag:s15] =	ssyncset.done $0x0  }
0x74: {  	[sflag:s15] =	ssyncadd.s32 $0xFFFFC000  }
0x75: {  	_ =	swait.ge [sflag:s18], $0x4000  }
0x76: {  	[sflag:s18] =	ssyncset.done $0x0  }
0x77: {  	[sflag:s18] =	ssyncadd.s32 $0xFFFFC000  }
0x78: {  	[spmem:s1] =	stream.indirect.scatter.add.f32 [tilespmem:s14], [sflag:$0x3], $0x80, s22, s16, $0xb8;
	[tilespmem:$0x1E800] =	vst v63  }
0x79: {  	_ =	swait.ge [sflag:s15], $0x4000  }
0x7a: {  	[sflag:s15] =	ssyncset.done $0x0  }
0x7b: {  	[sflag:s15] =	ssyncadd.s32 $0xFFFFC000  }
0x7c: {  	[tilespmem:s3], [sflag:$0x3] =	stream.linear.gather [hbm4b:s11+s3], $0x2800, $0x38;
	[tilespmem:$0x1E800] =	vst v63  }
0x7d: {  	_ =	swait.ge [sflag:s15], $0x2800  }
0x7e: {  	[sflag:s15] =	ssyncset.done $0x0  }
0x7f: {  	[sflag:s15] =	ssyncadd.s32 $0xFFFFD800  }
0x80: {  	[tilespmem:s17], [sflag:$0x1] =	stream.indirect.gather [hbm4b:s4+s16], $0x80, s3, s16, $0xb8;
	[tilespmem:$0x1E800] =	vst v63  }
0x81: {  	s28 =	simm.s32 $0x100  }
0x82: {  	[tilespmem:s14], [sflag:$0x2] =	stream.indirect.gather [hbm4b:s4+s16], $0x80, s28, s16, $0xb8;
	[tilespmem:$0x1E800] =	vst v63  }
0x83: {  	_ =	swait.ge [sflag:s19], $0x4000  }
0x84: {  	[sflag:s19] =	ssyncset.done $0x0  }
0x85: {  	s29 =	simm.s32 $0x80;
	[sflag:s19] =	ssyncadd.s32 $0xFFFFC000  }
0x86: {  	[spmem:s1] =	stream.indirect.scatter.add.f32 [tilespmem:s17], [sflag:$0x3], $0x80, s29, s16, $0xb8;
	[tilespmem:$0x1E800] =	vst v63  }
0x87: {  	_ =	swait.ge [sflag:s15], $0x4000  }
0x88: {  	[sflag:s15] =	ssyncset.done $0x0  }
0x89: {  	s30 =	simm.s32 $0x200;
	[sflag:s15] =	ssyncadd.s32 $0xFFFFC000  }
0x8a: {  	[tilespmem:s17], [sflag:$0x1] =	stream.indirect.gather [hbm4b:s4+s16], $0x80, s30, s16, $0xb8;
	[tilespmem:$0x1E800] =	vst v63  }
0x8b: {  	_ =	swait.ge [sflag:s18], $0x4000  }
0x8c: {  	[sflag:s18] =	ssyncset.done $0x0  }
0x8d: {  	s31 =	simm.s32 $0x180;
	[sflag:s18] =	ssyncadd.s32 $0xFFFFC000  }
0x8e: {  	[spmem:s1] =	stream.indirect.scatter.add.f32 [tilespmem:s14], [sflag:$0x3], $0x80, s31, s16, $0xb8;
	[tilespmem:$0x1E800] =	vst v63  }
0x8f: {  	_ =	swait.ge [sflag:s15], $0x4000  }
0x90: {  	s24 =	simm.s32 $0xFFFFDC00;
	s25 =	simm.s32 $0xFFFF7800;
	[sflag:s15] =	ssyncset.done $0x0  }
.LBB2_6:
0x91: {  	s26 =	sadd.s32 $0x2700, s24  }
0x92: {  	[sflag:s15] =	ssyncadd.s32 $0xFFFFC000;
	s28 =	smov.u32 s25;
	s29 =	sadd.s32 $0x800, s25  }
0x93: {  	[tilespmem:s14], [sflag:$0x2] =	stream.indirect.gather [hbm4b:s4+s16], $0x80, s26, s16, $0xb8;
	[tilespmem:$0x1E800] =	vst v63  }
0x94: {  	p0 =	sne.s32 s25, $0xFFFFF800;
	_ =	swait.ge [sflag:s19], $0x4000  }
0x95: {  	[sflag:s19] =	ssyncset.done $0x0  }
0x96: {  	s25 =	sadd.s32 $0x2680, s24;
	[sflag:s19] =	ssyncadd.s32 $0xFFFFC000  }
0x97: {  	[spmem:s1] =	stream.indirect.scatter.add.f32 [tilespmem:s17], [sflag:$0x3], $0x80, s25, s16, $0xb8;
	[tilespmem:$0x1E800] =	vst v63  }
0x98: {  	_ =	swait.ge [sflag:s15], $0x4000  }
0x99: {  	[sflag:s15] =	ssyncset.done $0x0  }
0x9a: {  	s25 =	sadd.s32 $0x2800, s24;
	[sflag:s15] =	ssyncadd.s32 $0xFFFFC000  }
0x9b: {  	[tilespmem:s17], [sflag:$0x1] =	stream.indirect.gather [hbm4b:s4+s16], $0x80, s25, s16, $0xb8;
	[tilespmem:$0x1E800] =	vst v63  }
0x9c: {  	_ =	swait.ge [sflag:s18], $0x4000  }
.Ltmp2:
0x9d: {  	[sflag:s18] =	ssyncset.done $0x0;
	(pc) =	sbr.rel @p0 .LBB2_6-.Ltmp2, $4  }
0x9e: {  	s24 =	sadd.s32 $0x2780, s24;
	[sflag:s18] =	ssyncadd.s32 $0xFFFFC000  }
0x9f: {  	[spmem:s1] =	stream.indirect.scatter.add.f32 [tilespmem:s14], [sflag:$0x3], $0x80, s24, s16, $0xb8;
	[tilespmem:$0x1E800] =	vst v63  }
0xa0: {  	_ =	swait.ge [sflag:s15], $0x4000  }
0xa1: {  	s25 =	smov.u32 s29;
	s24 =	sshra.s32 s28, $0x2;
	[sflag:s15] =	ssyncset.done $0x0  }
0xa2: {  	s25 =	sadd.s32 $0x2700, s24;
	[sflag:s15] =	ssyncadd.s32 $0xFFFFC000  }
0xa3: {  	[tilespmem:s14], [sflag:$0x2] =	stream.indirect.gather [hbm4b:s4+s16], $0x80, s25, s16, $0xb8;
	[tilespmem:$0x1E800] =	vst v63  }
0xa4: {  	_ =	swait.ge [sflag:s19], $0x4000  }
0xa5: {  	[sflag:s19] =	ssyncset.done $0x0  }
0xa6: {  	s26 =	sadd.s32 $0x2680, s24;
	[sflag:s19] =	ssyncadd.s32 $0xFFFFC000  }
0xa7: {  	[spmem:s1] =	stream.indirect.scatter.add.f32 [tilespmem:s17], [sflag:$0x3], $0x80, s26, s16, $0xb8;
	[tilespmem:$0x1E800] =	vst v63  }
0xa8: {  	_ =	swait.ge [sflag:s15], $0x4000  }
0xa9: {  	[sflag:s15] =	ssyncset.done $0x0  }
0xaa: {  	s28 =	sadd.s32 $0x2800, s24;
	[sflag:s15] =	ssyncadd.s32 $0xFFFFC000  }
0xab: {  	[tilespmem:s17], [sflag:$0x1] =	stream.indirect.gather [hbm4b:s4+s16], $0x80, s28, s16, $0xb8;
	[tilespmem:$0x1E800] =	vst v63  }
0xac: {  	_ =	swait.ge [sflag:s18], $0x4000  }
0xad: {  	[sflag:s18] =	ssyncset.done $0x0  }
0xae: {  	s29 =	sadd.s32 $0x2780, s24;
	[sflag:s18] =	ssyncadd.s32 $0xFFFFC000  }
0xaf: {  	[spmem:s1] =	stream.indirect.scatter.add.f32 [tilespmem:s14], [sflag:$0x3], $0x80, s29, s16, $0xb8;
	[tilespmem:$0x1E800] =	vst v63  }
0xb0: {  	_ =	swait.ge [sflag:s15], $0x4000  }
0xb1: {  	[sflag:s15] =	ssyncset.done $0x0  }
0xb2: {  	[sflag:s15] =	ssyncadd.s32 $0xFFFFC000  }
0xb3: {  	[tilespmem:s14], [sflag:$0x2] =	stream.indirect.gather [hbm4b:s4+s16], $0x80, s20, s16, $0xb8;
	[tilespmem:$0x1E800] =	vst v63  }
0xb4: {  	_ =	swait.ge [sflag:s19], $0x4000  }
0xb5: {  	[sflag:s19] =	ssyncset.done $0x0  }
0xb6: {  	[sflag:s19] =	ssyncadd.s32 $0xFFFFC000  }
0xb7: {  	[spmem:s1] =	stream.indirect.scatter.add.f32 [tilespmem:s17], [sflag:$0x3], $0x80, s21, s16, $0xb8;
	[tilespmem:$0x1E800] =	vst v63  }
0xb8: {  	_ =	swait.ge [sflag:s15], $0x4000  }
0xb9: {  	[sflag:s15] =	ssyncset.done $0x0  }
0xba: {  	[sflag:s15] =	ssyncadd.s32 $0xFFFFC000  }
0xbb: {  	_ =	swait.ge [sflag:s18], $0x4000  }
0xbc: {  	[sflag:s18] =	ssyncset.done $0x0  }
0xbd: {  	[sflag:s18] =	ssyncadd.s32 $0xFFFFC000  }
0xbe: {  	[spmem:s1] =	stream.indirect.scatter.add.f32 [tilespmem:s14], [sflag:$0x3], $0x80, s22, s16, $0xb8;
	[tilespmem:$0x1E800] =	vst v63  }
0xbf: {  	_ =	swait.ge [sflag:s15], $0x4000  }
0xc0: {  	s30 =	sshll.u32 s2, $0x6;
	s23 =	sadd.s32 $0x1, s23;
	[sflag:s15] =	ssyncset.done $0x0  }
0xc1: {  	s31 =	sshrl.u32 s5, $0x3;
	p0 =	sne.s32 s23, s13;
	[sflag:s15] =	ssyncadd.s32 $0xFFFFC000  }
.Ltmp3:
0xc2: {  	s24 =	sor.u32 $0x1C03, s30;
	[bflag:$0x0] =	sbarrier.arrive $0xFFFF;
	(pc) =	sbr.rel @p0 .LBB2_1-.Ltmp3, $4  }
0xc3: {  	[hbm:s12], [sflag:s24] =	dma.local [spmem:s31], $0x2800  }
0xc4: {  	_ =	swait.ge [sflag:s15], $0x2800  }
0xc5: {  	[sflag:s15] =	ssyncset.done $0x0  }
0xc6: {  	[sflag:s15] =	ssyncadd.s32 $0xFFFFD800  }
0xc7: {  	_ =	sfence.sel $0x180000  }
0xc8: {  	[bflag:$0x0] =	sbarrier.arrive $0xFFFF  }
0xc9: {  	p0 =	sne.s32 s2, $0x0;
	_ =	strace $0x9000004D  }
0xca: {  	s0 =	sadd.s32 @!p0 $0x100000, s0;
	[bflag:$0x2] =	sbarrier.arrive $0xFFFF  }
0xcb: {  	[sflag:s0] =	ssyncadd.tile.s32 @!p0 $0x1;
	_ =	shalt  }
.Lfunc_end2:
_tile_overlayer_lowered:
.L_overlay_start_2:
0xcc: {  	(tag) =	ssettag $0x2  }
0xcd: {  	s0 =	rddreg [dreg:$0x0];
	s2 =	stileid.u32  }
0xce: {  	s1 =	rddreg [dreg:$0x1];
	p0 =	sne.s32 s2, $0x0  }
0xcf: {  	s3 =	rddreg [dreg:$0x2];
	[bflag:$0x3] =	sbarrier.arrive $0xFFFF;
	s2 =	simm.s32 @!p0 $0x1C03  }
0xd0: {  	[timem:s3], [sflag:s2] =	dma.local @!p0 [hbm:s0], s1  }
0xd1: {  	s0 =	simm.s32 @!p0 $0x3  }
0xd2: {  	_ =	swait.ge @!p0 [sflag:s0], s1  }
0xd3: {  	s1 =	ssub.s32 @!p0 $0x0, s1;
	[sflag:s0] =	ssyncset.done @!p0 $0x0  }
0xd4: {  	[sflag:s0] =	ssyncadd.s32 @!p0 s1  }
0xd5: {  	[bflag:$0x3] =	sbarrier.arrive $0xFFFF  }
0xd6: {  	_ =	shalt  }

// kernel: kernel.19.cloned.1.call-start
scs
__scs_entry_jumppad:
0x0: {  	(pc) =	sbr.rel $0x88, $3  }
0x1: {  	(tag) =	ssettag $0x0;
	lr =	simm.s32 $0x1  }
0x2: {  	[smem:$0x3F97] =	sst lr;
	_ =	strace $0xD0000000  }
0x3: {  	_ = 	snop  }
0x4: {  	_ = 	snop  }
0x5: {  	_ = 	snop  }
0x6: {  	_ = 	snop  }
0x7: {  	_ = 	snop  }
__scs_overlays_trampoline_lowered:
0x8: {  	[smem:$0x3FA6] =	sst s0  }
0x9: {  	[smem:$0x3FA7] =	sst s1  }
0xa: {  	[smem:$0x3FA8] =	sst s2  }
0xb: {  	[smem:$0x3FA9] =	sst s3  }
0xc: {  	[smem:$0x3FAA] =	sst s4  }
0xd: {  	[smem:$0x3FAB] =	sst s5  }
0xe: {  	[smem:$0x3FAC] =	sst s6  }
0xf: {  	[smem:$0x3FAD] =	sst s7  }
0x10: {  	[smem:$0x3FAE] =	sst s8  }
0x11: {  	[smem:$0x3FAF] =	sst s9;
	s0 =	simm.s32 @!p0 $0x0  }
0x12: {  	s1 =	sld [smem:$0x3F95];
	s0 =	simm.s32 @p0 $0x1  }
0x13: {  	[smem:$0x3FB0] =	sst s0;
	s0 =	simm.s32 @!p1 $0x0  }
0x14: {  	s2 =	sld [smem:$0x3F94];
	s0 =	simm.s32 @p1 $0x1  }
0x15: {  	[smem:$0x3FB1] =	sst s0;
	s0 =	simm.s32 @!p2 $0x0  }
0x16: {  	s3 =	sld [smem:$0x3FDB];
	s0 =	simm.s32 @p2 $0x1  }
0x17: {  	s4 =	simm.s32 $0x1BF5;
	[smem:$0x3FB3] =	sst s0  }
0x18: {  	s0 =	sld [smem:$0x3F96];
	_ =	swait.ge [sflag:s4], $0x0  }
0x19: {  	s7 =	sld [smem:$0x3F97]  }
0x1a: {  	s8 =	sadd.s32 $0xFFFFE003, lr  }
0x1b: {  	s9 =	sadd.s32 $0xFFFFFEF7, lr;
	s5 =	simm.s32 $0xFFFFFFFF;
	p2 =	slt.u32 s8, $0xFFFFF086  }
0x1c: {  	p1 =	slt.u32 s9, $0xF7A;
	s5 =	simm.s32 @!p2 $0x0  }
0x1d: {  	s5 =	simm.s32 @p1 $0x1;
	p0 =	seq.s32 s7, s2  }
0x1e: {  	s7 =	smul.u32 @!p0 $0xF7A, s2;
	p2 =	seq.s32 @!p0 s5, $0x0  }
0x1f: {  	s9 =	smul.u32 $0xF7A, s1;
	s8 =	simm.s32 @!p0 $0x1BF5;
	p2 =	por !p2, p0  }
0x20: {  	[sflag:s8] =	ssyncset.s32 @!p0 $0xFFFFF086;
	s6 =	sadd.s32 @!p0 s3, s7;
	s7 =	simm.s32 @!p0 $0x108  }
0x21: {  	s3 =	sadd.s32 s3, s9;
	s6 =	sadd.s32 @!p0 $0x88, s6;
	s7 =	simm.s32 @p2 $0x1082  }
0x22: {  	[simem:s7], [sflag:s8] =	dma.local @!p0 [hbm:s6], $0xF7A  }
0x23: {  	s9 =	sor.u32 $0xD0000000, s2;
	s6 =	simm.s32 $0x108;
	_ =	swait.ge @!p0 [sflag:s8], $0x0  }
0x24: {  	s3 =	sadd.s32 $0x88, s3;
	s6 =	simm.s32 @!p1 $0x1082;
	[sflag:s4] =	ssyncset.s32 $0xFFFFF086  }
0x25: {  	[simem:s6], [sflag:s4] =	dma.local [hbm:s3], $0xF7A  }
0x26: {  	[smem:$0x3F97] =	sst s1;
	(tag) =	ssettag s2;
	_ =	strace s9  }
0x27: {  	s1 =	sld [smem:$0x3FA7]  }
0x28: {  	s2 =	sld [smem:$0x3FA8]  }
0x29: {  	s4 =	sld [smem:$0x3FAA]  }
0x2a: {  	p0 =	seq.s32 s5, $0x0;
	s5 =	sld [smem:$0x3FAB]  }
0x2b: {  	s6 =	sld [smem:$0x3FAC]  }
0x2c: {  	s7 =	sld [smem:$0x3FAD]  }
0x2d: {  	s3 =	simm.s32 $0x108;
	s8 =	sld [smem:$0x3FAE]  }
0x2e: {  	s3 =	simm.s32 @!p0 $0x1082;
	s9 =	sld [smem:$0x3FAF]  }
0x2f: {  	lr =	sadd.s32 s0, s3;
	s0 =	sld [smem:$0x3FA6]  }
0x30: {  	s3 =	sld [smem:$0x3FA9]  }
0x31: {  	[smem:$0x3FB2] =	sst s10  }
0x32: {  	s10 =	sld [smem:$0x3FB0];
	_ =	sdelay $0x3  }
0x33: {  	p0 =	seq.s32 s10, $0x1;
	s10 =	sld [smem:$0x3FB2];
	_ =	sdelay $0x3  }
0x34: {  	[smem:$0x3FB2] =	sst s10  }
0x35: {  	s10 =	sld [smem:$0x3FB1];
	_ =	sdelay $0x3  }
0x36: {  	p1 =	seq.s32 s10, $0x1;
	s10 =	sld [smem:$0x3FB2];
	_ =	sdelay $0x3  }
0x37: {  	[smem:$0x3FB2] =	sst s10  }
0x38: {  	s10 =	sld [smem:$0x3FB3]  }
0x39: {  	_ = 	snop;
	(pc) =	sbr.ind lr, $3  }
0x3a: {  	_ = 	snop  }
0x3b: {  	_ = 	snop  }
0x3c: {  	p2 =	seq.s32 s10, $0x1;
	s10 =	sld [smem:$0x3FB2]  }
0x3d: {  	_ =	shalt  }
0x3e: {  	_ =	shalt  }
0x3f: {  	_ =	shalt  }
0x40: {  	_ =	shalt  }
0x41: {  	_ =	shalt  }
0x42: {  	_ =	shalt  }
0x43: {  	_ =	shalt  }
0x44: {  	_ =	shalt  }
0x45: {  	_ =	shalt  }
0x46: {  	_ =	shalt  }
0x47: {  	_ =	shalt  }
0x48: {  	_ =	shalt  }
0x49: {  	_ =	shalt  }
0x4a: {  	_ =	shalt  }
0x4b: {  	_ =	shalt  }
0x4c: {  	_ =	shalt  }
0x4d: {  	_ =	shalt  }
0x4e: {  	_ =	shalt  }
0x4f: {  	_ =	shalt  }
0x50: {  	_ =	shalt  }
0x51: {  	_ =	shalt  }
0x52: {  	_ =	shalt  }
0x53: {  	_ =	shalt  }
0x54: {  	_ =	shalt  }
0x55: {  	_ =	shalt  }
0x56: {  	_ =	shalt  }
0x57: {  	_ =	shalt  }
0x58: {  	_ =	shalt  }
0x59: {  	_ =	shalt  }
0x5a: {  	_ =	shalt  }
0x5b: {  	_ =	shalt  }
0x5c: {  	_ =	shalt  }
0x5d: {  	_ =	shalt  }
0x5e: {  	_ =	shalt  }
0x5f: {  	_ =	shalt  }
0x60: {  	_ =	shalt  }
0x61: {  	_ =	shalt  }
0x62: {  	_ =	shalt  }
0x63: {  	_ =	shalt  }
0x64: {  	_ =	shalt  }
0x65: {  	_ =	shalt  }
0x66: {  	_ =	shalt  }
0x67: {  	_ =	shalt  }
0x68: {  	_ =	shalt  }
0x69: {  	_ =	shalt  }
0x6a: {  	_ =	shalt  }
0x6b: {  	_ =	shalt  }
0x6c: {  	_ =	shalt  }
0x6d: {  	_ =	shalt  }
0x6e: {  	_ =	shalt  }
0x6f: {  	_ =	shalt  }
0x70: {  	_ =	shalt  }
0x71: {  	_ =	shalt  }
0x72: {  	_ =	shalt  }
0x73: {  	_ =	shalt  }
0x74: {  	_ =	shalt  }
0x75: {  	_ =	shalt  }
0x76: {  	_ =	shalt  }
0x77: {  	_ =	shalt  }
0x78: {  	_ =	shalt  }
0x79: {  	_ =	shalt  }
0x7a: {  	_ =	shalt  }
0x7b: {  	_ =	shalt  }
0x7c: {  	_ =	shalt  }
0x7d: {  	_ =	shalt  }
0x7e: {  	_ =	shalt  }
0x7f: {  	_ =	shalt  }
0x80: {  	_ =	shalt  }
0x81: {  	_ =	shalt  }
0x82: {  	_ =	shalt  }
0x83: {  	_ =	shalt  }
0x84: {  	_ =	shalt  }
0x85: {  	_ =	shalt  }
0x86: {  	_ =	shalt  }
0x87: {  	_ =	shalt  }
.Lfunc_end0:
.L_simem_size_0:
called_computation.3_lowered:
.L_overlay_start_0:
0x88: {  	s2 =	sld [smem:$0x3FD9]  }
0x89: {  	s3 =	sld [smem:$0x3FFE];
	_ =	sdelay $0x1  }
0x8a: {  	s1 =	srdreg.scid  }
0x8b: {  	s0 =	sand.u32 $0x1, s1  }
0x8c: {  	s17 =	sshll.u32 s0, $0xA;
	s2 =	sadd.s32 s3, s2  }
0x8d: {  	s2 =	sadd.s32 s2, s17  }
0x8e: {  	[smem:$0x3FBE] =	sst s2  }
0x8f: {  	_ = 	snop  }
0x90: {  	s2 =	sld [smem:$0x3FD0];
	(tm) =	ssettm $0x1  }
0x91: {  	s18 =	sld [smem:$0x3FFB];
	_ =	sdelay $0x3  }
0x92: {  	_ =	strace s18  }
0x93: {  	s3 =	sld [smem:$0x3FFC];
	_ =	sdelay $0x3  }
0x94: {  	_ =	strace s3  }
0x95: {  	s3 =	sld [smem:$0x3FFD];
	_ =	sdelay $0x3  }
0x96: {  	_ =	strace s3  }
0x97: {  	_ =	strace $0x8FFFFFFF  }
0x98: {  	s19 =	sld [smem:$0x3FDB];
	_ =	sdelay $0x1  }
0x99: {  	s4 =	simm.s32 $_scs_section_size  }
0x9a: {  	s5 =	simm.s32 $_size__tile_overlayer_lowered;
	s6 =	simm.s32 $_tile_overlayer_lowered  }
0x9b: {  	s22 =	simm.s32 $0x1BFF;
	s21 =	sshll.u32 s6, $0x1;
	s3 =	sadd.s32 s4, s19  }
0x9c: {  	s7 =	simm.s32 $0x0;
	s20 =	sshll.u32 s5, $0x1;
	s5 =	sadd.s32 s21, s3  }
0x9d: {  	[timem:s7], [sflag:s22] =	dma.local [hbm:s5], s20  }
0x9e: {  	_ =	swait.ge [sflag:s22], s20  }
0x9f: {  	s4 =	ssub.s32 $0x0, s20;
	[sflag:s22] =	ssyncset.done $0x0  }
0xa0: {  	[sflag:s22] =	ssyncadd.s32 s4;
	_ =	sdelay $0x1  }
0xa1: {  	s23 =	simm.s32 $0x1B8B  }
0xa2: {  	_ =	swait.ge [sflag:s23], $0x1  }
0xa3: {  	[sflag:s23] =	ssyncset.done $0x0  }
0xa4: {  	s25 =	simm.s32 $0x1B8E;
	s24 =	sld [smem:$0x3FFE];
	[sflag:s23] =	ssyncadd.s32 $0xFFFFFFFF  }
0xa5: {  	s26 =	simm.s32 $execute0_lowered;
	[smem:$0x3FD2] =	sst s25  }
0xa6: {  	s5 =	sshll.u32 s26, $0x1;
	_ =	strace $0x8000004F;
	[dreg:$0x1] =	wrdreg $0xFFFFFFFF  }
0xa7: {  	s28 =	simm.s32 $_size_execute0_lowered;
	s3 =	sadd.s32 s3, s5;
	[dreg:$0x0] =	wrdreg $0x0  }
0xa8: {  	s5 =	sshll.u32 s28, $0x1;
	[dreg:$0x2] =	wrdreg s3  }
0xa9: {  	[dreg:$0x3] =	wrdreg s5  }
0xaa: {  	[dreg:$0x4] =	wrdreg $0xC0  }
0xab: {  	_ =	task [dreg:s7], $0x5FFFF  }
0xac: {  	[dreg:$0x1] =	wrdreg $0xFFFFFFFF  }
0xad: {  	[dreg:$0x0] =	wrdreg $0x60  }
0xae: {  	[dreg:$0x2] =	wrdreg s2  }
0xaf: {  	[dreg:$0x3] =	wrdreg s24  }
0xb0: {  	[dreg:$0x4] =	wrdreg $0xA8000  }
0xb1: {  	[dreg:$0x5] =	wrdreg $0x9  }
0xb2: {  	_ =	task.clear_ibuf [dreg:s7], $0x6FFFF;
	_ =	strace $0x9000004F  }
0xb3: {  	s29 =	simm.s32 $0x9;
	_ =	strace $0x80000051  }
0xb4: {  	_ =	swait.ge [sflag:s29], $0x1  }
0xb5: {  	[sflag:s29] =	ssyncadd.s32 $0xFFFFFFFF  }
0xb6: {  	_ =	strace $0x90000051  }
0xb7: {  	_ =	sfence  }
0xb8: {  	s30 =	sld [smem:$0x0];
	_ =	sdelay $0x2  }
0xb9: {  	s31 =	sshll.u32 s1, $0xD;
	s1 =	sshrl.u32 s1, $0x2  }
0xba: {  	s3 =	sand.u32 $0x4000, s31;
	s1 =	sadd.s32 s1, s30  }
0xbb: {  	s0 =	sor.u32 s3, s0;
	s1 =	sshll.u32 s1, $0x11  }
0xbc: {  	s0 =	sor.u32 s1, s0  }
0xbd: {  	s0 =	sadd.s32 $0x8F2B, s0  }
0xbe: {  	[sflag:s0] =	ssyncadd.remote.s32 $0x1  }
0xbf: {  	_ =	sfence.sel $0xFFFF  }
0xc0: {  	[dreg:$0x0] =	wrdreg $0xFFFFFFFF;
	(pc) =	sbr.abs _section_cstart, $3  }
0xc1: {  	[dreg:$0x1] =	wrdreg $0xFFFFFFFF  }
0xc2: {  	_ =	task.clear_ibuf [dreg:s7], $0x2FFFF;
	_ =	strace $0x9FFFFFFF  }
0xc3: {  	(tm) =	ssettm $0x7FFFFFFF  }
tec
execute0_lowered:
.L_overlay_start_1:
0x0: {  	(tag) =	ssettag $0x1  }
0x1: {  	s10 =	rddreg [dreg:$0x0]  }
0x2: {  	s5 =	rddreg [dreg:$0x1]  }
0x3: {  	s1 =	rddreg [dreg:$0x2];
	s2 =	srdreg.scid  }
0x4: {  	s0 =	rddreg [dreg:$0x3];
	s3 =	simm.s32 $0x0;
	s15 =	simm.s32 $0x3  }
0x5: {  	s16 =	simm.s32 $0x80;
	s17 =	simm.s32 $0x2800;
	s18 =	simm.s32 $0x2  }
0x6: {  	s19 =	simm.s32 $0x1;
	s20 =	simm.s32 $0x2700;
	s21 =	simm.s32 $0x2680  }
0x7: {  	s22 =	simm.s32 $0x2780;
	s6 =	sand.u32 $0x1, s2;
	s2 =	stileid.u32  }
0x8: {  	s23 =	simm.s32 $0x0;
	[smem:$0x7FF] =	sst s3;
	s7 =	smul.u32 $0x140000, s6  }
0x9: {  	s4 =	sadd.s32 $0x3E00, s5;
	s8 =	smul.u32 $0x14000, s2;
	_ =	strace $0x80000050  }
0xa: {  	s29 =	sshll.u32 s6, $0x4;
	s9 =	smul.u32 $0x50000, s2;
	s6 =	ssub.s32 $0x2, s6  }
0xb: {  	s11 =	sshrl.u32 s6, $0x1;
	s7 =	sadd.s32 s8, s7;
	s8 =	sor.u32 s2, s29  }
0xc: {  	s9 =	sshrl.u32 s9, $0x2;
	s7 =	sshrl.u32 s7, $0x3;
	s12 =	smul.u32 $0x5000, s8  }
0xd: {  	s14 =	ssub.s32 s6, s11;
	s13 =	sadd.s32 s7, s5;
	s5 =	sadd.s32 s9, s1  }
0xe: {  	s30 =	smul.u32 $0xA00, s8;
	s6 =	sadd.s32 $0x4000, s5;
	s31 =	sshrl.u32 s12, $0x3  }
0xf: {  	s7 =	sadd.s32 $0x8000, s5;
	s8 =	sadd.s32 $0xC000, s5;
	s12 =	sadd.s32 s10, s31  }
0x10: {  	s9 =	sadd.s32 $0x10000, s5;
	s10 =	sadd.s32 s10, s30;
	s11 =	sadd.s32 $0x500, s12  }
0x11: {  	v0 =	vimm.f32 $0.0e+00;
	s12 =	sadd.s32 $0x53E00, s13;
	s13 =	smax.u32 s14, $0x1;
	s14 =	simm.s32 $0x6800  }
.LBB2_1:
0x12: {  	s24 =	sand.u32 $0xFE00, s3  }
0x13: {  	s25 =	sand.u32 $0x70, s3;
	s26 =	sshrl.u32 s24, $0x2  }
0x14: {  	s24 =	simm.s32 $0x40;
	s26 =	sor.u32 s25, s26;
	s25 =	simm.s32 $0x0  }
.LBB2_2:
0x15: {  	p0 =	sne.s32 s24, $0xFFC0  }
0x16: {  	[tilespmem:s26+$0x6800] =	vst v0;
	s25 =	sadd.s32 $0x10, s25;
	s26 =	smov.u32 s24;
	s24 =	sadd.s32 $0x40, s24  }
.Ltmp0:
0x17: {  	(pc) =	sbr.rel @p0 .LBB2_2-.Ltmp0, $4  }
0x18: {  	_ = 	snop  }
0x19: {  	s26 =	sand.u32 $0xFE00, s26  }
0x1a: {  	s28 =	sand.u32 $0x70, s25;
	s26 =	sshrl.u32 s26, $0x2  }
0x1b: {  	s26 =	sor.u32 s28, s26  }
0x1c: {  	[tilespmem:s26+$0x6800] =	vst v0  }
0x1d: {  	[spmem:s5] =	stream.linear.scatter [tilespmem:s14], [sflag:$0x2], $0x4000, $0x38;
	[tilespmem:$0x1E800] =	vst v63  }
0x1e: {  	_ = 	snop  }
0x1f: {  	[spmem:s6] =	stream.linear.scatter [tilespmem:s14], [sflag:$0x2], $0x4000, $0x38;
	[tilespmem:$0x1E800] =	vst v63  }
0x20: {  	_ = 	snop  }
0x21: {  	[spmem:s7] =	stream.linear.scatter [tilespmem:s14], [sflag:$0x2], $0x4000, $0x38;
	[tilespmem:$0x1E800] =	vst v63  }
0x22: {  	_ = 	snop  }
0x23: {  	[spmem:s8] =	stream.linear.scatter [tilespmem:s14], [sflag:$0x2], $0x4000, $0x38;
	[tilespmem:$0x1E800] =	vst v63  }
0x24: {  	_ = 	snop  }
0x25: {  	[spmem:s9] =	stream.linear.scatter [tilespmem:s14], [sflag:$0x2], $0x4000, $0x38;
	[tilespmem:$0x1E800] =	vst v63  }
0x26: {  	_ = 	snop  }
0x27: {  	[tilespmem:s3], [sflag:$0x3] =	stream.linear.gather [hbm4b:s10+s3], $0x2800, $0x38;
	[tilespmem:$0x1E800] =	vst v63  }
0x28: {  	_ =	swait.ge [sflag:s15], $0x2800  }
0x29: {  	[sflag:s15] =	ssyncset.done $0x0  }
0x2a: {  	[sflag:s15] =	ssyncadd.s32 $0xFFFFD800  }
0x2b: {  	[tilespmem:s17], [sflag:$0x1] =	stream.indirect.gather [hbm4b:s4+s16], $0x80, s3, s16, $0xb8;
	[tilespmem:$0x1E800] =	vst v63  }
0x2c: {  	_ =	swait.ge [sflag:s18], $0x4000  }
0x2d: {  	[sflag:s18] =	ssyncset.done $0x0  }
0x2e: {  	[sflag:s18] =	ssyncadd.s32 $0xFFFFC000  }
0x2f: {  	_ =	swait.ge [sflag:s18], $0x4000  }
0x30: {  	[sflag:s18] =	ssyncset.done $0x0  }
0x31: {  	[sflag:s18] =	ssyncadd.s32 $0xFFFFC000  }
0x32: {  	_ =	swait.ge [sflag:s18], $0x4000  }
0x33: {  	[sflag:s18] =	ssyncset.done $0x0  }
0x34: {  	[sflag:s18] =	ssyncadd.s32 $0xFFFFC000  }
0x35: {  	_ =	swait.ge [sflag:s18], $0x4000  }
0x36: {  	[sflag:s18] =	ssyncset.done $0x0  }
0x37: {  	[sflag:s18] =	ssyncadd.s32 $0xFFFFC000  }
0x38: {  	_ =	swait.ge [sflag:s18], $0x4000  }
0x39: {  	[sflag:s18] =	ssyncset.done $0x0  }
0x3a: {  	[sflag:s18] =	ssyncadd.s32 $0xFFFFC000  }
0x3b: {  	s24 =	simm.s32 $0x100;
	[bflag:$0x0] =	sbarrier.arrive $0xFFFF  }
0x3c: {  	[tilespmem:s14], [sflag:$0x2] =	stream.indirect.gather [hbm4b:s4+s16], $0x80, s24, s16, $0xb8;
	[tilespmem:$0x1E800] =	vst v63  }
0x3d: {  	_ =	swait.ge [sflag:s19], $0x4000  }
0x3e: {  	[sflag:s19] =	ssyncset.done $0x0  }
0x3f: {  	s29 =	simm.s32 $0x80;
	[sflag:s19] =	ssyncadd.s32 $0xFFFFC000  }
0x40: {  	[spmem:s1] =	stream.indirect.scatter.add.f32 [tilespmem:s17], [sflag:$0x3], $0x80, s29, s16, $0xb8;
	[tilespmem:$0x1E800] =	vst v63  }
0x41: {  	_ =	swait.ge [sflag:s15], $0x4000  }
0x42: {  	[sflag:s15] =	ssyncset.done $0x0  }
0x43: {  	s30 =	simm.s32 $0x200;
	[sflag:s15] =	ssyncadd.s32 $0xFFFFC000  }
0x44: {  	[tilespmem:s17], [sflag:$0x1] =	stream.indirect.gather [hbm4b:s4+s16], $0x80, s30, s16, $0xb8;
	[tilespmem:$0x1E800] =	vst v63  }
0x45: {  	_ =	swait.ge [sflag:s18], $0x4000  }
0x46: {  	[sflag:s18] =	ssyncset.done $0x0  }
0x47: {  	s31 =	simm.s32 $0x180;
	[sflag:s18] =	ssyncadd.s32 $0xFFFFC000  }
0x48: {  	[spmem:s1] =	stream.indirect.scatter.add.f32 [tilespmem:s14], [sflag:$0x3], $0x80, s31, s16, $0xb8;
	[tilespmem:$0x1E800] =	vst v63  }
0x49: {  	_ =	swait.ge [sflag:s15], $0x4000  }
0x4a: {  	s25 =	simm.s32 $0xFFFF7800;
	s24 =	simm.s32 $0xFFFFDC00;
	[sflag:s15] =	ssyncset.done $0x0  }
.LBB2_4:
0x4b: {  	s26 =	sadd.s32 $0x2700, s24  }
0x4c: {  	[sflag:s15] =	ssyncadd.s32 $0xFFFFC000;
	s28 =	smov.u32 s25;
	s29 =	sadd.s32 $0x800, s25  }
0x4d: {  	[tilespmem:s14], [sflag:$0x2] =	stream.indirect.gather [hbm4b:s4+s16], $0x80, s26, s16, $0xb8;
	[tilespmem:$0x1E800] =	vst v63  }
0x4e: {  	p0 =	sne.s32 s25, $0xFFFFF800;
	_ =	swait.ge [sflag:s19], $0x4000  }
0x4f: {  	[sflag:s19] =	ssyncset.done $0x0  }
0x50: {  	s25 =	sadd.s32 $0x2680, s24;
	[sflag:s19] =	ssyncadd.s32 $0xFFFFC000  }
0x51: {  	[spmem:s1] =	stream.indirect.scatter.add.f32 [tilespmem:s17], [sflag:$0x3], $0x80, s25, s16, $0xb8;
	[tilespmem:$0x1E800] =	vst v63  }
0x52: {  	_ =	swait.ge [sflag:s15], $0x4000  }
0x53: {  	[sflag:s15] =	ssyncset.done $0x0  }
0x54: {  	s25 =	sadd.s32 $0x2800, s24;
	[sflag:s15] =	ssyncadd.s32 $0xFFFFC000  }
0x55: {  	[tilespmem:s17], [sflag:$0x1] =	stream.indirect.gather [hbm4b:s4+s16], $0x80, s25, s16, $0xb8;
	[tilespmem:$0x1E800] =	vst v63  }
0x56: {  	_ =	swait.ge [sflag:s18], $0x4000  }
.Ltmp1:
0x57: {  	[sflag:s18] =	ssyncset.done $0x0;
	(pc) =	sbr.rel @p0 .LBB2_4-.Ltmp1, $4  }
0x58: {  	s24 =	sadd.s32 $0x2780, s24;
	[sflag:s18] =	ssyncadd.s32 $0xFFFFC000  }
0x59: {  	[spmem:s1] =	stream.indirect.scatter.add.f32 [tilespmem:s14], [sflag:$0x3], $0x80, s24, s16, $0xb8;
	[tilespmem:$0x1E800] =	vst v63  }
0x5a: {  	_ =	swait.ge [sflag:s15], $0x4000  }
0x5b: {  	s25 =	smov.u32 s29;
	s24 =	sshra.s32 s28, $0x2;
	[sflag:s15] =	ssyncset.done $0x0  }
0x5c: {  	s25 =	sadd.s32 $0x2700, s24;
	[sflag:s15] =	ssyncadd.s32 $0xFFFFC000  }
0x5d: {  	[tilespmem:s14], [sflag:$0x2] =	stream.indirect.gather [hbm4b:s4+s16], $0x80, s25, s16, $0xb8;
	[tilespmem:$0x1E800] =	vst v63  }
0x5e: {  	_ =	swait.ge [sflag:s19], $0x4000  }
0x5f: {  	[sflag:s19] =	ssyncset.done $0x0  }
0x60: {  	s30 =	sadd.s32 $0x2680, s24;
	[sflag:s19] =	ssyncadd.s32 $0xFFFFC000  }
0x61: {  	[spmem:s1] =	stream.indirect.scatter.add.f32 [tilespmem:s17], [sflag:$0x3], $0x80, s30, s16, $0xb8;
	[tilespmem:$0x1E800] =	vst v63  }
0x62: {  	_ =	swait.ge [sflag:s15], $0x4000  }
0x63: {  	[sflag:s15] =	ssyncset.done $0x0  }
0x64: {  	s31 =	sadd.s32 $0x2800, s24;
	[sflag:s15] =	ssyncadd.s32 $0xFFFFC000  }
0x65: {  	[tilespmem:s17], [sflag:$0x1] =	stream.indirect.gather [hbm4b:s4+s16], $0x80, s31, s16, $0xb8;
	[tilespmem:$0x1E800] =	vst v63  }
0x66: {  	_ =	swait.ge [sflag:s18], $0x4000  }
0x67: {  	[sflag:s18] =	ssyncset.done $0x0  }
0x68: {  	s26 =	sadd.s32 $0x2780, s24;
	[sflag:s18] =	ssyncadd.s32 $0xFFFFC000  }
0x69: {  	[spmem:s1] =	stream.indirect.scatter.add.f32 [tilespmem:s14], [sflag:$0x3], $0x80, s26, s16, $0xb8;
	[tilespmem:$0x1E800] =	vst v63  }
0x6a: {  	_ =	swait.ge [sflag:s15], $0x4000  }
0x6b: {  	[sflag:s15] =	ssyncset.done $0x0  }
0x6c: {  	[sflag:s15] =	ssyncadd.s32 $0xFFFFC000  }
0x6d: {  	[tilespmem:s14], [sflag:$0x2] =	stream.indirect.gather [hbm4b:s4+s16], $0x80, s20, s16, $0xb8;
	[tilespmem:$0x1E800] =	vst v63  }
0x6e: {  	_ =	swait.ge [sflag:s19], $0x4000  }
0x6f: {  	[sflag:s19] =	ssyncset.done $0x0  }
0x70: {  	[sflag:s19] =	ssyncadd.s32 $0xFFFFC000  }
0x71: {  	[spmem:s1] =	stream.indirect.scatter.add.f32 [tilespmem:s17], [sflag:$0x3], $0x80, s21, s16, $0xb8;
	[tilespmem:$0x1E800] =	vst v63  }
0x72: {  	_ =	swait.ge [sflag:s15], $0x4000  }
0x73: {  	[sflag:s15] =	ssyncset.done $0x0  }
0x74: {  	[sflag:s15] =	ssyncadd.s32 $0xFFFFC000  }
0x75: {  	_ =	swait.ge [sflag:s18], $0x4000  }
0x76: {  	[sflag:s18] =	ssyncset.done $0x0  }
0x77: {  	[sflag:s18] =	ssyncadd.s32 $0xFFFFC000  }
0x78: {  	[spmem:s1] =	stream.indirect.scatter.add.f32 [tilespmem:s14], [sflag:$0x3], $0x80, s22, s16, $0xb8;
	[tilespmem:$0x1E800] =	vst v63  }
0x79: {  	_ =	swait.ge [sflag:s15], $0x4000  }
0x7a: {  	[sflag:s15] =	ssyncset.done $0x0  }
0x7b: {  	[sflag:s15] =	ssyncadd.s32 $0xFFFFC000  }
0x7c: {  	[tilespmem:s3], [sflag:$0x3] =	stream.linear.gather [hbm4b:s11+s3], $0x2800, $0x38;
	[tilespmem:$0x1E800] =	vst v63  }
0x7d: {  	_ =	swait.ge [sflag:s15], $0x2800  }
0x7e: {  	[sflag:s15] =	ssyncset.done $0x0  }
0x7f: {  	[sflag:s15] =	ssyncadd.s32 $0xFFFFD800  }
0x80: {  	[tilespmem:s17], [sflag:$0x1] =	stream.indirect.gather [hbm4b:s4+s16], $0x80, s3, s16, $0xb8;
	[tilespmem:$0x1E800] =	vst v63  }
0x81: {  	s28 =	simm.s32 $0x100  }
0x82: {  	[tilespmem:s14], [sflag:$0x2] =	stream.indirect.gather [hbm4b:s4+s16], $0x80, s28, s16, $0xb8;
	[tilespmem:$0x1E800] =	vst v63  }
0x83: {  	_ =	swait.ge [sflag:s19], $0x4000  }
0x84: {  	[sflag:s19] =	ssyncset.done $0x0  }
0x85: {  	s29 =	simm.s32 $0x80;
	[sflag:s19] =	ssyncadd.s32 $0xFFFFC000  }
0x86: {  	[spmem:s1] =	stream.indirect.scatter.add.f32 [tilespmem:s17], [sflag:$0x3], $0x80, s29, s16, $0xb8;
	[tilespmem:$0x1E800] =	vst v63  }
0x87: {  	_ =	swait.ge [sflag:s15], $0x4000  }
0x88: {  	[sflag:s15] =	ssyncset.done $0x0  }
0x89: {  	s30 =	simm.s32 $0x200;
	[sflag:s15] =	ssyncadd.s32 $0xFFFFC000  }
0x8a: {  	[tilespmem:s17], [sflag:$0x1] =	stream.indirect.gather [hbm4b:s4+s16], $0x80, s30, s16, $0xb8;
	[tilespmem:$0x1E800] =	vst v63  }
0x8b: {  	_ =	swait.ge [sflag:s18], $0x4000  }
0x8c: {  	[sflag:s18] =	ssyncset.done $0x0  }
0x8d: {  	s31 =	simm.s32 $0x180;
	[sflag:s18] =	ssyncadd.s32 $0xFFFFC000  }
0x8e: {  	[spmem:s1] =	stream.indirect.scatter.add.f32 [tilespmem:s14], [sflag:$0x3], $0x80, s31, s16, $0xb8;
	[tilespmem:$0x1E800] =	vst v63  }
0x8f: {  	_ =	swait.ge [sflag:s15], $0x4000  }
0x90: {  	s24 =	simm.s32 $0xFFFFDC00;
	s25 =	simm.s32 $0xFFFF7800;
	[sflag:s15] =	ssyncset.done $0x0  }
.LBB2_6:
0x91: {  	s26 =	sadd.s32 $0x2700, s24  }
0x92: {  	[sflag:s15] =	ssyncadd.s32 $0xFFFFC000;
	s28 =	smov.u32 s25;
	s29 =	sadd.s32 $0x800, s25  }
0x93: {  	[tilespmem:s14], [sflag:$0x2] =	stream.indirect.gather [hbm4b:s4+s16], $0x80, s26, s16, $0xb8;
	[tilespmem:$0x1E800] =	vst v63  }
0x94: {  	p0 =	sne.s32 s25, $0xFFFFF800;
	_ =	swait.ge [sflag:s19], $0x4000  }
0x95: {  	[sflag:s19] =	ssyncset.done $0x0  }
0x96: {  	s25 =	sadd.s32 $0x2680, s24;
	[sflag:s19] =	ssyncadd.s32 $0xFFFFC000  }
0x97: {  	[spmem:s1] =	stream.indirect.scatter.add.f32 [tilespmem:s17], [sflag:$0x3], $0x80, s25, s16, $0xb8;
	[tilespmem:$0x1E800] =	vst v63  }
0x98: {  	_ =	swait.ge [sflag:s15], $0x4000  }
0x99: {  	[sflag:s15] =	ssyncset.done $0x0  }
0x9a: {  	s25 =	sadd.s32 $0x2800, s24;
	[sflag:s15] =	ssyncadd.s32 $0xFFFFC000  }
0x9b: {  	[tilespmem:s17], [sflag:$0x1] =	stream.indirect.gather [hbm4b:s4+s16], $0x80, s25, s16, $0xb8;
	[tilespmem:$0x1E800] =	vst v63  }
0x9c: {  	_ =	swait.ge [sflag:s18], $0x4000  }
.Ltmp2:
0x9d: {  	[sflag:s18] =	ssyncset.done $0x0;
	(pc) =	sbr.rel @p0 .LBB2_6-.Ltmp2, $4  }
0x9e: {  	s24 =	sadd.s32 $0x2780, s24;
	[sflag:s18] =	ssyncadd.s32 $0xFFFFC000  }
0x9f: {  	[spmem:s1] =	stream.indirect.scatter.add.f32 [tilespmem:s14], [sflag:$0x3], $0x80, s24, s16, $0xb8;
	[tilespmem:$0x1E800] =	vst v63  }
0xa0: {  	_ =	swait.ge [sflag:s15], $0x4000  }
0xa1: {  	s25 =	smov.u32 s29;
	s24 =	sshra.s32 s28, $0x2;
	[sflag:s15] =	ssyncset.done $0x0  }
0xa2: {  	s25 =	sadd.s32 $0x2700, s24;
	[sflag:s15] =	ssyncadd.s32 $0xFFFFC000  }
0xa3: {  	[tilespmem:s14], [sflag:$0x2] =	stream.indirect.gather [hbm4b:s4+s16], $0x80, s25, s16, $0xb8;
	[tilespmem:$0x1E800] =	vst v63  }
0xa4: {  	_ =	swait.ge [sflag:s19], $0x4000  }
0xa5: {  	[sflag:s19] =	ssyncset.done $0x0  }
0xa6: {  	s26 =	sadd.s32 $0x2680, s24;
	[sflag:s19] =	ssyncadd.s32 $0xFFFFC000  }
0xa7: {  	[spmem:s1] =	stream.indirect.scatter.add.f32 [tilespmem:s17], [sflag:$0x3], $0x80, s26, s16, $0xb8;
	[tilespmem:$0x1E800] =	vst v63  }
0xa8: {  	_ =	swait.ge [sflag:s15], $0x4000  }
0xa9: {  	[sflag:s15] =	ssyncset.done $0x0  }
0xaa: {  	s28 =	sadd.s32 $0x2800, s24;
	[sflag:s15] =	ssyncadd.s32 $0xFFFFC000  }
0xab: {  	[tilespmem:s17], [sflag:$0x1] =	stream.indirect.gather [hbm4b:s4+s16], $0x80, s28, s16, $0xb8;
	[tilespmem:$0x1E800] =	vst v63  }
0xac: {  	_ =	swait.ge [sflag:s18], $0x4000  }
0xad: {  	[sflag:s18] =	ssyncset.done $0x0  }
0xae: {  	s29 =	sadd.s32 $0x2780, s24;
	[sflag:s18] =	ssyncadd.s32 $0xFFFFC000  }
0xaf: {  	[spmem:s1] =	stream.indirect.scatter.add.f32 [tilespmem:s14], [sflag:$0x3], $0x80, s29, s16, $0xb8;
	[tilespmem:$0x1E800] =	vst v63  }
0xb0: {  	_ =	swait.ge [sflag:s15], $0x4000  }
0xb1: {  	[sflag:s15] =	ssyncset.done $0x0  }
0xb2: {  	[sflag:s15] =	ssyncadd.s32 $0xFFFFC000  }
0xb3: {  	[tilespmem:s14], [sflag:$0x2] =	stream.indirect.gather [hbm4b:s4+s16], $0x80, s20, s16, $0xb8;
	[tilespmem:$0x1E800] =	vst v63  }
0xb4: {  	_ =	swait.ge [sflag:s19], $0x4000  }
0xb5: {  	[sflag:s19] =	ssyncset.done $0x0  }
0xb6: {  	[sflag:s19] =	ssyncadd.s32 $0xFFFFC000  }
0xb7: {  	[spmem:s1] =	stream.indirect.scatter.add.f32 [tilespmem:s17], [sflag:$0x3], $0x80, s21, s16, $0xb8;
	[tilespmem:$0x1E800] =	vst v63  }
0xb8: {  	_ =	swait.ge [sflag:s15], $0x4000  }
0xb9: {  	[sflag:s15] =	ssyncset.done $0x0  }
0xba: {  	[sflag:s15] =	ssyncadd.s32 $0xFFFFC000  }
0xbb: {  	_ =	swait.ge [sflag:s18], $0x4000  }
0xbc: {  	[sflag:s18] =	ssyncset.done $0x0  }
0xbd: {  	[sflag:s18] =	ssyncadd.s32 $0xFFFFC000  }
0xbe: {  	[spmem:s1] =	stream.indirect.scatter.add.f32 [tilespmem:s14], [sflag:$0x3], $0x80, s22, s16, $0xb8;
	[tilespmem:$0x1E800] =	vst v63  }
0xbf: {  	_ =	swait.ge [sflag:s15], $0x4000  }
0xc0: {  	s30 =	sshll.u32 s2, $0x6;
	s23 =	sadd.s32 $0x1, s23;
	[sflag:s15] =	ssyncset.done $0x0  }
0xc1: {  	s31 =	sshrl.u32 s5, $0x3;
	p0 =	sne.s32 s23, s13;
	[sflag:s15] =	ssyncadd.s32 $0xFFFFC000  }
.Ltmp3:
0xc2: {  	s24 =	sor.u32 $0x1C03, s30;
	[bflag:$0x0] =	sbarrier.arrive $0xFFFF;
	(pc) =	sbr.rel @p0 .LBB2_1-.Ltmp3, $4  }
0xc3: {  	[hbm:s12], [sflag:s24] =	dma.local [spmem:s31], $0x2800  }
0xc4: {  	_ =	swait.ge [sflag:s15], $0x2800  }
0xc5: {  	[sflag:s15] =	ssyncset.done $0x0  }
0xc6: {  	[sflag:s15] =	ssyncadd.s32 $0xFFFFD800  }
0xc7: {  	_ =	sfence.sel $0x180000  }
0xc8: {  	[bflag:$0x0] =	sbarrier.arrive $0xFFFF  }
0xc9: {  	p0 =	sne.s32 s2, $0x0;
	_ =	strace $0x90000050  }
0xca: {  	s0 =	sadd.s32 @!p0 $0x100000, s0;
	[bflag:$0x2] =	sbarrier.arrive $0xFFFF  }
0xcb: {  	[sflag:s0] =	ssyncadd.tile.s32 @!p0 $0x1;
	_ =	shalt  }
.Lfunc_end2:
_tile_overlayer_lowered:
.L_overlay_start_2:
0xcc: {  	(tag) =	ssettag $0x2  }
0xcd: {  	s0 =	rddreg [dreg:$0x0];
	s2 =	stileid.u32  }
0xce: {  	s1 =	rddreg [dreg:$0x1];
	p0 =	sne.s32 s2, $0x0  }
0xcf: {  	s3 =	rddreg [dreg:$0x2];
	[bflag:$0x3] =	sbarrier.arrive $0xFFFF;
	s2 =	simm.s32 @!p0 $0x1C03  }
0xd0: {  	[timem:s3], [sflag:s2] =	dma.local @!p0 [hbm:s0], s1  }
0xd1: {  	s0 =	simm.s32 @!p0 $0x3  }
0xd2: {  	_ =	swait.ge @!p0 [sflag:s0], s1  }
0xd3: {  	s1 =	ssub.s32 @!p0 $0x0, s1;
	[sflag:s0] =	ssyncset.done @!p0 $0x0  }
0xd4: {  	[sflag:s0] =	ssyncadd.s32 @!p0 s1  }
0xd5: {  	[bflag:$0x3] =	sbarrier.arrive $0xFFFF  }
0xd6: {  	_ =	shalt  }

</sc_bundles>
